<compile_context>
chip_gen: v7x
topology: tpu7x:2x2x1
jax: 0.10.2.dev20260603
libtpu: 0.0.44.dev20260713+nightly
codegen_flags: <defaults>
</compile_context>

<pallas_src>
import jax
import jax.numpy as jnp
from jax import lax
from jax.experimental import pallas as pl
from jax.experimental.pallas import tpu as pltpu
from jax.experimental.pallas import tpu_sc as plsc

NC = 2
NS = 16
LN = 256
CH = 4
CB = CH * LN


def _mesh():
  return plsc.VectorSubcoreMesh(core_axis_name="c", subcore_axis_name="s")


def _chunk_range(c, s, k_sc, k_t, k_rem):
  base = c * k_sc + s * k_t + jnp.minimum(s, k_rem)
  count = k_t + jnp.where(s < k_rem, 1, 0)
  return base, count


def _deg_pass(NP, U):
  k_sc = U // CH // NC
  k_t = k_sc // NS
  k_rem = k_sc - k_t * NS
  rpt = NP // NS

  def body(src_ref, dst_ref, ones_ref, out_ref, deg_sp, stage, dbuf, ones_v,
           sem, semi):
    c = lax.axis_index("c")
    s = lax.axis_index("s")
    r0 = s * rpt
    pltpu.sync_copy(ones_ref.at[pl.ds(r0, rpt)], stage)
    pltpu.sync_copy(stage, deg_sp.at[pl.ds(r0, rpt)])
    pltpu.sync_copy(ones_ref.at[pl.ds(0, CB)], ones_v)
    plsc.subcore_barrier()

    dst_u = dst_ref
    kb, n_chunks = _chunk_range(c, s, k_sc, k_t, k_rem)
    pltpu.sync_copy(dst_u.at[pl.ds(pl.multiple_of(kb * CB, CB), CB)],
                    dbuf.at[0])

    def chunk(i, _):
      p = lax.rem(i, 2)
      nxt = pl.multiple_of((kb + jnp.minimum(i + 1, n_chunks - 1)) * CB, CB)
      d0 = pltpu.async_copy(ones_v, deg_sp.at[dbuf.at[p]], sem, add=True)
      pre = pltpu.async_copy(dst_u.at[pl.ds(nxt, CB)], dbuf.at[1 - p], semi)
      d0.wait()
      pre.wait()
      return 0

    lax.fori_loop(0, n_chunks, chunk, 0)
    plsc.subcore_barrier()
    pltpu.sync_copy(deg_sp.at[pl.ds(r0, rpt)], stage)
    pltpu.sync_copy(stage, out_ref.at[c].at[pl.ds(r0, rpt)])

  return pl.kernel(
      body,
      out_type=jax.ShapeDtypeStruct((NC, NP), jnp.float32),
      mesh=_mesh(),
      compiler_params=pltpu.CompilerParams(use_tc_tiling_on_sc=False),
      scratch_types=[
          pltpu.VMEM_SHARED((NP,), jnp.float32),
          pltpu.VMEM((rpt,), jnp.float32),
          pltpu.VMEM((2, CB), jnp.int32),
          pltpu.VMEM((CB,), jnp.float32),
          pltpu.SemaphoreType.DMA,
          pltpu.SemaphoreType.DMA,
      ],
  )


def _prop1_pass(NP, U):
  k_sc = U // CH // NC
  k_t = k_sc // NS
  k_rem = k_sc - k_t * NS
  rpt = NP // NS

  def body(src_ref, dst_ref, a1_ref, dinv_ref, acc_out, s_out,
           tab_sp, acc_sp, dinv_sp, s_sp, stage3, stage1,
           sbuf, dbuf, rows, dvals, sem, sem2, semi):
    c = lax.axis_index("c")
    s = lax.axis_index("s")
    r0 = s * rpt
    pltpu.sync_copy(a1_ref.at[pl.ds(r0, rpt)], stage3)
    pltpu.sync_copy(stage3, tab_sp.at[pl.ds(r0, rpt)])
    pltpu.sync_copy(stage3, acc_sp.at[pl.ds(r0, rpt)])
    pltpu.sync_copy(dinv_ref.at[pl.ds(r0, rpt)], stage1)
    pltpu.sync_copy(stage1, dinv_sp.at[pl.ds(r0, rpt)])
    pltpu.sync_copy(stage1, s_sp.at[pl.ds(r0, rpt)])
    plsc.subcore_barrier()

    src_u = src_ref
    dst_u = dst_ref
    kb, n_chunks = _chunk_range(c, s, k_sc, k_t, k_rem)
    row0 = pl.multiple_of(kb * CB, CB)
    pltpu.sync_copy(src_u.at[pl.ds(row0, CB)], sbuf.at[0])
    pltpu.sync_copy(dst_u.at[pl.ds(row0, CB)], dbuf.at[0])

    def chunk(i, _):
      p = lax.rem(i, 2)
      nxt = pl.multiple_of((kb + jnp.minimum(i + 1, n_chunks - 1)) * CB, CB)
      gs = []
      for j in range(CH):
        gs.append(pltpu.async_copy(tab_sp.at[sbuf.at[p, pl.ds(j * LN, LN)]],
                                   rows.at[pl.ds(j * LN, LN)], sem))
        gs.append(pltpu.async_copy(dinv_sp.at[dbuf.at[p, pl.ds(j * LN, LN)]],
                                   dvals.at[pl.ds(j * LN, LN)], sem))
      pre = [pltpu.async_copy(src_u.at[pl.ds(nxt, CB)], sbuf.at[1 - p], semi),
             pltpu.async_copy(dst_u.at[pl.ds(nxt, CB)], dbuf.at[1 - p], semi)]
      ss = []
      for j in range(CH):
        gs[2 * j].wait()
        gs[2 * j + 1].wait()
        ss.append(pltpu.async_copy(rows.at[pl.ds(j * LN, LN)],
                                   acc_sp.at[dbuf.at[p, pl.ds(j * LN, LN)]],
                                   sem2, add=True))
        ss.append(pltpu.async_copy(dvals.at[pl.ds(j * LN, LN)],
                                   s_sp.at[sbuf.at[p, pl.ds(j * LN, LN)]],
                                   sem2, add=True))
      for d in ss:
        d.wait()
      for d in pre:
        d.wait()
      return 0

    lax.fori_loop(0, n_chunks, chunk, 0)
    plsc.subcore_barrier()
    pltpu.sync_copy(acc_sp.at[pl.ds(r0, rpt)], stage3)
    pltpu.sync_copy(stage3, acc_out.at[c].at[pl.ds(r0, rpt)])
    pltpu.sync_copy(s_sp.at[pl.ds(r0, rpt)], stage1)
    pltpu.sync_copy(stage1, s_out.at[c].at[pl.ds(r0, rpt)])

  return pl.kernel(
      body,
      out_type=(jax.ShapeDtypeStruct((NC, NP, 3), jnp.float32),
                jax.ShapeDtypeStruct((NC, NP), jnp.float32)),
      mesh=_mesh(),
      compiler_params=pltpu.CompilerParams(use_tc_tiling_on_sc=False),
      scratch_types=[
          pltpu.VMEM_SHARED((NP, 3), jnp.float32),
          pltpu.VMEM_SHARED((NP, 3), jnp.float32),
          pltpu.VMEM_SHARED((NP,), jnp.float32),
          pltpu.VMEM_SHARED((NP,), jnp.float32),
          pltpu.VMEM((rpt, 3), jnp.float32),
          pltpu.VMEM((rpt,), jnp.float32),
          pltpu.VMEM((2, CB), jnp.int32),
          pltpu.VMEM((2, CB), jnp.int32),
          pltpu.VMEM((CH * LN, 3), jnp.float32),
          pltpu.VMEM((CB,), jnp.float32),
          pltpu.SemaphoreType.DMA,
          pltpu.SemaphoreType.DMA,
          pltpu.SemaphoreType.DMA,
      ],
  )


def _prop2_pass(NP, U):
  k_sc = U // CH // NC
  k_t = k_sc // NS
  k_rem = k_sc - k_t * NS
  rpt = NP // NS

  def body(src_ref, dst_ref, a2_ref, acc_out,
           tab_sp, acc_sp, stage5, sbuf, dbuf, rows, sem, sem2, semi):
    c = lax.axis_index("c")
    s = lax.axis_index("s")
    r0 = s * rpt
    pltpu.sync_copy(a2_ref.at[pl.ds(r0, rpt)], stage5)
    pltpu.sync_copy(stage5, tab_sp.at[pl.ds(r0, rpt)])
    pltpu.sync_copy(stage5, acc_sp.at[pl.ds(r0, rpt)])
    plsc.subcore_barrier()

    src_u = src_ref
    dst_u = dst_ref
    kb, n_chunks = _chunk_range(c, s, k_sc, k_t, k_rem)
    row0 = pl.multiple_of(kb * CB, CB)
    pltpu.sync_copy(src_u.at[pl.ds(row0, CB)], sbuf.at[0])
    pltpu.sync_copy(dst_u.at[pl.ds(row0, CB)], dbuf.at[0])

    def chunk(i, _):
      p = lax.rem(i, 2)
      nxt = pl.multiple_of((kb + jnp.minimum(i + 1, n_chunks - 1)) * CB, CB)
      gs = [pltpu.async_copy(tab_sp.at[sbuf.at[p, pl.ds(j * LN, LN)]],
                             rows.at[pl.ds(j * LN, LN)], sem)
            for j in range(CH)]
      pre = [pltpu.async_copy(src_u.at[pl.ds(nxt, CB)], sbuf.at[1 - p], semi),
             pltpu.async_copy(dst_u.at[pl.ds(nxt, CB)], dbuf.at[1 - p], semi)]
      ss = []
      for j in range(CH):
        gs[j].wait()
        ss.append(pltpu.async_copy(rows.at[pl.ds(j * LN, LN)],
                                   acc_sp.at[dbuf.at[p, pl.ds(j * LN, LN)]],
                                   sem2, add=True))
      for d in ss:
        d.wait()
      for d in pre:
        d.wait()
      return 0

    lax.fori_loop(0, n_chunks, chunk, 0)
    plsc.subcore_barrier()
    pltpu.sync_copy(acc_sp.at[pl.ds(r0, rpt)], stage5)
    pltpu.sync_copy(stage5, acc_out.at[c].at[pl.ds(r0, rpt)])

  return pl.kernel(
      body,
      out_type=jax.ShapeDtypeStruct((NC, NP, 5), jnp.float32),
      mesh=_mesh(),
      compiler_params=pltpu.CompilerParams(use_tc_tiling_on_sc=False),
      scratch_types=[
          pltpu.VMEM_SHARED((NP, 5), jnp.float32),
          pltpu.VMEM_SHARED((NP, 5), jnp.float32),
          pltpu.VMEM((rpt, 5), jnp.float32),
          pltpu.VMEM((2, CB), jnp.int32),
          pltpu.VMEM((2, CB), jnp.int32),
          pltpu.VMEM((CH * LN, 5), jnp.float32),
          pltpu.SemaphoreType.DMA,
          pltpu.SemaphoreType.DMA,
          pltpu.SemaphoreType.DMA,
      ],
  )


def _glue_a(NP, R):
  grid = NP // R

  def body(deg_ref, x1_ref, dinv_ref, a1_ref):
    deg = deg_ref[0, :] + deg_ref[1, :] - 1.0
    dinv = lax.rsqrt(deg)
    dinv_ref[...] = dinv[:, None]
    a1_ref[...] = x1_ref[...] * dinv[:, None]

  return pl.pallas_call(
      body,
      grid=(grid,),
      in_specs=[
          pl.BlockSpec((NC, R), lambda i: (0, i)),
          pl.BlockSpec((R, 3), lambda i: (i, 0)),
      ],
      out_specs=[
          pl.BlockSpec((R, 1), lambda i: (i, 0)),
          pl.BlockSpec((R, 3), lambda i: (i, 0)),
      ],
      out_shape=[
          jax.ShapeDtypeStruct((NP, 1), jnp.float32),
          jax.ShapeDtypeStruct((NP, 3), jnp.float32),
      ],
  )


def _glue_b(NP, R):
  grid = NP // R

  def body(acc_ref, a1_ref, dinv_ref, w1_ref, b1_ref, a2_ref):
    p = (acc_ref[0] + acc_ref[1] - a1_ref[...]) * dinv_ref[...]
    h = jnp.dot(p, w1_ref[...], preferred_element_type=jnp.float32)
    h = jnp.maximum(h + b1_ref[...], 0.0)
    a2_ref[...] = h * dinv_ref[...]

  return pl.pallas_call(
      body,
      grid=(grid,),
      in_specs=[
          pl.BlockSpec((NC, R, 3), lambda i: (0, i, 0)),
          pl.BlockSpec((R, 3), lambda i: (i, 0)),
          pl.BlockSpec((R, 1), lambda i: (i, 0)),
          pl.BlockSpec((3, 5), lambda i: (0, 0)),
          pl.BlockSpec((1, 5), lambda i: (0, 0)),
      ],
      out_specs=pl.BlockSpec((R, 5), lambda i: (i, 0)),
      out_shape=jax.ShapeDtypeStruct((NP, 5), jnp.float32),
  )


def _glue_c(NP, R, N):
  grid = NP // R

  def body(acc_ref, a2_ref, dinv_ref, s_ref, w2_ref, b2_ref, w3_ref, b3_ref,
           x2_ref, wd1_ref, bd1_ref, wd2_ref, bd2_ref, out_ref, uacc):
    i = pl.program_id(0)
    p = (acc_ref[0] + acc_ref[1] - a2_ref[...]) * dinv_ref[...]
    h2 = jnp.dot(p, w2_ref[...], preferred_element_type=jnp.float32)
    h2 = jnp.maximum(h2 + b2_ref[...], 0.0)
    svec = (s_ref[0, :] + s_ref[1, :])[:, None] - dinv_ref[...]
    cvec = dinv_ref[...] * svec
    row = lax.broadcasted_iota(jnp.int32, (R, 1), 0) + i * R
    cvec = jnp.where(row < N, cvec, 0.0)
    u = lax.dot_general(cvec, h2, (((0,), (0,)), ((), ())),
                        preferred_element_type=jnp.float32)

    @pl.when(i == 0)
    def _():
      uacc[...] = jnp.zeros_like(uacc)

    uacc[...] += u

    @pl.when(i == grid - 1)
    def _():
      m = jnp.dot(uacc[...], w3_ref[...],
                  preferred_element_type=jnp.float32) / N + b3_ref[...]
      v = jnp.concatenate([m, x2_ref[...]], axis=1)
      v = jnp.maximum(jnp.dot(v, wd1_ref[...],
                              preferred_element_type=jnp.float32)
                      + bd1_ref[...], 0.0)
      o = jnp.dot(v, wd2_ref[...], preferred_element_type=jnp.float32)
      out_ref[...] = jnp.tanh(o + bd2_ref[...])

  full = lambda i: (0, 0)
  return pl.pallas_call(
      body,
      grid=(grid,),
      in_specs=[
          pl.BlockSpec((NC, R, 5), lambda i: (0, i, 0)),
          pl.BlockSpec((R, 5), lambda i: (i, 0)),
          pl.BlockSpec((R, 1), lambda i: (i, 0)),
          pl.BlockSpec((NC, R), lambda i: (0, i)),
          pl.BlockSpec((5, 5), full),
          pl.BlockSpec((1, 5), full),
          pl.BlockSpec((5, 1), full),
          pl.BlockSpec((1, 1), full),
          pl.BlockSpec((1, 4), full),
          pl.BlockSpec((5, 15), full),
          pl.BlockSpec((1, 15), full),
          pl.BlockSpec((15, 1), full),
          pl.BlockSpec((1, 1), full),
      ],
      out_specs=pl.BlockSpec((1, 1), full),
      out_shape=jax.ShapeDtypeStruct((1, 1), jnp.float32),
      scratch_shapes=[pltpu.VMEM((1, 5), jnp.float32)],
  )


def kernel(x1, x2, edges, Wg1, bg1, Wg2, bg2, Wg3, bg3, Wd1, bd1, Wd2, bd2):
  N = x1.shape[0]
  E = edges.shape[1]
  NP = 100352
  R = 6272
  U = E // LN

  x1p = jnp.pad(x1, ((0, NP - N), (0, 0)))
  ones_np = jnp.ones((NP,), jnp.float32)

  src_l = edges[0]
  dst_l = edges[1]
  deg = _deg_pass(NP, U)(src_l, dst_l, ones_np)
  dinv, a1 = _glue_a(NP, R)(deg, x1p)
  dinv1 = dinv.reshape(NP)

  acc1, svec = _prop1_pass(NP, U)(src_l, dst_l, a1, dinv1)
  a2 = _glue_b(NP, R)(acc1, a1, dinv, Wg1, bg1.reshape(1, 5))

  acc2 = _prop2_pass(NP, U)(src_l, dst_l, a2)
  out = _glue_c(NP, R, N)(acc2, a2, dinv, svec, Wg2, bg2.reshape(1, 5),
                          Wg3, bg3.reshape(1, 1), x2.reshape(1, 4), Wd1,
                          bd1.reshape(1, 15), Wd2, bd2.reshape(1, 1))
  return out[0, 0]

# --- scband reference (transcript-rebuilt; emitter-appended) ---
"""Pipeline reference for scband-model-9620726743218 (READ-ONLY COPY).

The authoritative reference and input builder live on the scoring server;
editing this copy changes nothing except your own understanding.
"""

import jax, jax.numpy as jnp
import numpy as np

N = 100000
E = 6400000


def setup_inputs(seed: int = 0) -> dict:
    key = jax.random.key(seed)
    ks = jax.random.split(key, 13)
    x1 = jax.random.normal(ks[0], (N, 3), dtype=jnp.float32)
    x2 = jax.random.normal(ks[1], (4,), dtype=jnp.float32)
    edges = jax.random.randint(ks[2], (2, E), 0, N, dtype=jnp.int32)
    # GCNConv weights stored as [in, out] (x @ W), biases [out]
    Wg1 = jax.random.normal(ks[3], (3, 5), dtype=jnp.float32) / np.sqrt(3.0)
    bg1 = jnp.zeros((5,), dtype=jnp.float32)
    Wg2 = jax.random.normal(ks[4], (5, 5), dtype=jnp.float32) / np.sqrt(5.0)
    bg2 = jnp.zeros((5,), dtype=jnp.float32)
    Wg3 = jax.random.normal(ks[5], (5, 1), dtype=jnp.float32) / np.sqrt(5.0)
    bg3 = jnp.zeros((1,), dtype=jnp.float32)
    Wd1 = jax.random.normal(ks[6], (5, 15), dtype=jnp.float32) / np.sqrt(5.0)
    bd1 = jax.random.normal(ks[7], (15,), dtype=jnp.float32) * 0.01
    Wd2 = jax.random.normal(ks[8], (15, 1), dtype=jnp.float32) / np.sqrt(15.0)
    bd2 = jax.random.normal(ks[9], (1,), dtype=jnp.float32) * 0.01
    return {"x1": x1, "x2": x2, "edges": edges, "Wg1": Wg1, "bg1": bg1, "Wg2": Wg2, "bg2": bg2, "Wg3": Wg3, "bg3": bg3, "Wd1": Wd1, "bd1": bd1, "Wd2": Wd2, "bd2": bd2}


def gcn_conv(x, edges, W, b):
    # PyG-style GCNConv: add self-loops, symmetric normalization D^-1/2 A D^-1/2
    n = x.shape[0]
    src = edges[0]
    dst = edges[1]
    loop = jnp.arange(n, dtype=src.dtype)
    src2 = jnp.concatenate([src, loop])
    dst2 = jnp.concatenate([dst, loop])
    deg = jax.ops.segment_sum(jnp.ones_like(dst2, dtype=x.dtype), dst2, num_segments=n)
    dinv = jnp.where(deg > 0, jax.lax.rsqrt(jnp.maximum(deg, 1e-12)), 0.0)
    norm = dinv[src2] * dinv[dst2]
    h = x @ W
    msg = h[src2] * norm[:, None]
    out = jax.ops.segment_sum(msg, dst2, num_segments=n)
    return out + b


def reference(x1, x2, edges, Wg1, bg1, Wg2, bg2, Wg3, bg3, Wd1, bd1, Wd2, bd2):
    h = jax.nn.relu(gcn_conv(x1, edges, Wg1, bg1))
    h = jax.nn.relu(gcn_conv(h, edges, Wg2, bg2))
    h = gcn_conv(h, edges, Wg3, bg3)
    m = jnp.mean(h)
    v = jnp.concatenate([m.reshape(1), x2])
    v = jax.nn.relu(v @ Wd1 + bd1)
    out = (v @ Wd2 + bd2)[0]
    return jnp.tanh(out)

if __name__ == "__main__":
    import jax
    _d = setup_inputs()
    print(jax.jit(kernel)(*tuple(_d.values())))

</pallas_src>

<mosaic_0001>
#map = affine_map<(d0, d1) -> (0)>
#map1 = affine_map<(d0, d1) -> (0, 0)>
module attributes {stable_mosaic.version = 14 : i64} {
  func.func @body(%arg0: i32, %arg1: i32, %arg2: memref<6400000xi32, #tpu.memory_space<hbm>>, %arg3: memref<6400000xi32, #tpu.memory_space<hbm>>, %arg4: memref<100352xf32, #tpu.memory_space<hbm>>, %arg5: memref<2x100352xf32, #tpu.memory_space<hbm>>, %arg6: memref<100352xf32, #tpu.memory_space<vmem_shared>>, %arg7: memref<6272xf32, #tpu.memory_space<vmem>>, %arg8: memref<2x1024xi32, #tpu.memory_space<vmem>>, %arg9: memref<1024xf32, #tpu.memory_space<vmem>>, %arg10: memref<!tpu.dma_semaphore, #tpu.memory_space<semaphore_mem>>, %arg11: memref<!tpu.dma_semaphore, #tpu.memory_space<semaphore_mem>>) attributes {dimension_semantics = [#tpu.dimension_semantics<core_parallel>, #tpu.dimension_semantics<subcore_parallel>], iteration_bounds = array<i64: 2, 16>, scalar_prefetch = 0 : i64, scratch_operands = 6 : i64, tpu.core_type = #tpu.core_type<sc_vector_subcore>, window_params = [{transform_indices = #map}, {transform_indices = #map}, {transform_indices = #map}, {transform_indices = #map1}]} {
    %mul3A = arith.constant 6272 : i32
    %mul3A_0 = arith.muli %arg1, %mul3A : i32
    "tpu.region"() ({
      %run_scoped3A_25 = tpu.sem_alloc : memref<!tpu.dma_semaphore, #tpu.memory_space<semaphore_mem>>
      %dma_start3A = tpu.memref_slice %arg4[%mul3A_0] : memref<100352xf32, #tpu.memory_space<hbm>> -> memref<6272xf32, #tpu.memory_space<hbm>>
      %dma_start3A_26 = tpu.memref_slice %arg4[%mul3A_0] : memref<100352xf32, #tpu.memory_space<hbm>> -> memref<6272xf32, #tpu.memory_space<hbm>>
      tpu.enqueue_dma source(%dma_start3A_26 : memref<6272xf32, #tpu.memory_space<hbm>>) target(%arg7 : memref<6272xf32, #tpu.memory_space<vmem>>) target_semaphore(%run_scoped3A_25 : memref<!tpu.dma_semaphore, #tpu.memory_space<semaphore_mem>>)
      %dma_wait3A = tpu.memref_slice %arg4[%mul3A_0] : memref<100352xf32, #tpu.memory_space<hbm>> -> memref<6272xf32, #tpu.memory_space<hbm>>
      %dma_wait3A_27 = tpu.memref_slice %arg4[%mul3A_0] : memref<100352xf32, #tpu.memory_space<hbm>> -> memref<6272xf32, #tpu.memory_space<hbm>>
      tpu.wait_dma2 semaphore(%run_scoped3A_25 : memref<!tpu.dma_semaphore, #tpu.memory_space<semaphore_mem>>) src(%dma_wait3A_27 : memref<6272xf32, #tpu.memory_space<hbm>>) dst(%arg7 : memref<6272xf32, #tpu.memory_space<vmem>>)
      tpu.yield
    }) : () -> ()
    "tpu.region"() ({
      %run_scoped3A_25 = tpu.sem_alloc : memref<!tpu.dma_semaphore, #tpu.memory_space<semaphore_mem>>
      %dma_start3A = tpu.memref_slice %arg6[%mul3A_0] : memref<100352xf32, #tpu.memory_space<vmem_shared>> -> memref<6272xf32, #tpu.memory_space<vmem_shared>>
      %dma_start3A_26 = tpu.memref_slice %arg6[%mul3A_0] : memref<100352xf32, #tpu.memory_space<vmem_shared>> -> memref<6272xf32, #tpu.memory_space<vmem_shared>>
      tpu.enqueue_dma source(%arg7 : memref<6272xf32, #tpu.memory_space<vmem>>) target(%dma_start3A_26 : memref<6272xf32, #tpu.memory_space<vmem_shared>>) target_semaphore(%run_scoped3A_25 : memref<!tpu.dma_semaphore, #tpu.memory_space<semaphore_mem>>)
      %dma_wait3A = tpu.memref_slice %arg6[%mul3A_0] : memref<100352xf32, #tpu.memory_space<vmem_shared>> -> memref<6272xf32, #tpu.memory_space<vmem_shared>>
      %dma_wait3A_27 = tpu.memref_slice %arg6[%mul3A_0] : memref<100352xf32, #tpu.memory_space<vmem_shared>> -> memref<6272xf32, #tpu.memory_space<vmem_shared>>
      tpu.wait_dma2 semaphore(%run_scoped3A_25 : memref<!tpu.dma_semaphore, #tpu.memory_space<semaphore_mem>>) src(%arg7 : memref<6272xf32, #tpu.memory_space<vmem>>) dst(%dma_wait3A_27 : memref<6272xf32, #tpu.memory_space<vmem_shared>>)
      tpu.yield
    }) : () -> ()
    "tpu.region"() ({
      %run_scoped3A_25 = tpu.sem_alloc : memref<!tpu.dma_semaphore, #tpu.memory_space<semaphore_mem>>
      %dma_start3A = arith.constant 0 : i32
      %dma_start3A_26 = tpu.memref_slice %arg4[%dma_start3A] : memref<100352xf32, #tpu.memory_space<hbm>> -> memref<1024xf32, #tpu.memory_space<hbm>>
      %dma_start3A_27 = arith.constant 0 : i32
      %dma_start3A_28 = tpu.memref_slice %arg4[%dma_start3A_27] : memref<100352xf32, #tpu.memory_space<hbm>> -> memref<1024xf32, #tpu.memory_space<hbm>>
      tpu.enqueue_dma source(%dma_start3A_28 : memref<1024xf32, #tpu.memory_space<hbm>>) target(%arg9 : memref<1024xf32, #tpu.memory_space<vmem>>) target_semaphore(%run_scoped3A_25 : memref<!tpu.dma_semaphore, #tpu.memory_space<semaphore_mem>>)
      %dma_wait3A = arith.constant 0 : i32
      %dma_wait3A_29 = tpu.memref_slice %arg4[%dma_wait3A] : memref<100352xf32, #tpu.memory_space<hbm>> -> memref<1024xf32, #tpu.memory_space<hbm>>
      %dma_wait3A_30 = arith.constant 0 : i32
      %dma_wait3A_31 = tpu.memref_slice %arg4[%dma_wait3A_30] : memref<100352xf32, #tpu.memory_space<hbm>> -> memref<1024xf32, #tpu.memory_space<hbm>>
      tpu.wait_dma2 semaphore(%run_scoped3A_25 : memref<!tpu.dma_semaphore, #tpu.memory_space<semaphore_mem>>) src(%dma_wait3A_31 : memref<1024xf32, #tpu.memory_space<hbm>>) dst(%arg9 : memref<1024xf32, #tpu.memory_space<vmem>>)
      tpu.yield
    }) : () -> ()
    %barrier3A = arith.constant 0 : index
    tpu.barrier barrier_id(%barrier3A)
    %mul3A_1 = arith.constant 3125 : i32
    %mul3A_2 = arith.muli %arg0, %mul3A_1 : i32
    %mul3A_3 = arith.constant 195 : i32
    %mul3A_4 = arith.muli %arg1, %mul3A_3 : i32
    %add3A = arith.addi %mul3A_2, %mul3A_4 : i32
    %min3A = arith.constant 5 : i32
    %min3A_5 = arith.minsi %arg1, %min3A : i32
    %add3A_6 = arith.addi %add3A, %min3A_5 : i32
    %lt3A = arith.constant 5 : i32
    %lt3A_7 = arith.cmpi slt, %arg1, %lt3A : i32
    %jit3A = arith.constant 1 : i32
    %jit3A_8 = arith.constant 0 : i32
    %select_n3A = arith.select %lt3A_7, %jit3A, %jit3A_8 : i32
    %add3A_9 = arith.constant 195 : i32
    %add3A_10 = arith.addi %add3A_9, %select_n3A : i32
    %mul3A_11 = arith.constant 1024 : i32
    %mul3A_12 = arith.muli %add3A_6, %mul3A_11 : i32
    %multiple_of3A = tpu.assume_multiple %mul3A_12, 1024 : i32
    %run_scoped3A = arith.constant 0 : i32
    "tpu.region"() ({
      %run_scoped3A_25 = tpu.sem_alloc : memref<!tpu.dma_semaphore, #tpu.memory_space<semaphore_mem>>
      %dma_start3A = arith.constant 0 : i32
      %dma_start3A_26 = tpu.memref_slice %arg8[%run_scoped3A, %dma_start3A] : memref<2x1024xi32, #tpu.memory_space<vmem>> -> memref<1x1024xi32, #tpu.memory_space<vmem>>
      %dma_start3A_27 = tpu.memref_squeeze %dma_start3A_26 : memref<1x1024xi32, #tpu.memory_space<vmem>> -> memref<1024xi32, #tpu.memory_space<vmem>>
      %dma_start3A_28 = tpu.memref_slice %arg3[%multiple_of3A] : memref<6400000xi32, #tpu.memory_space<hbm>> -> memref<1024xi32, #tpu.memory_space<hbm>>
      %dma_start3A_29 = arith.constant 0 : i32
      %dma_start3A_30 = tpu.memref_slice %arg8[%run_scoped3A, %dma_start3A_29] : memref<2x1024xi32, #tpu.memory_space<vmem>> -> memref<1x1024xi32, #tpu.memory_space<vmem>>
      %dma_start3A_31 = tpu.memref_squeeze %dma_start3A_30 : memref<1x1024xi32, #tpu.memory_space<vmem>> -> memref<1024xi32, #tpu.memory_space<vmem>>
      %dma_start3A_32 = tpu.memref_slice %arg3[%multiple_of3A] : memref<6400000xi32, #tpu.memory_space<hbm>> -> memref<1024xi32, #tpu.memory_space<hbm>>
      tpu.enqueue_dma source(%dma_start3A_32 : memref<1024xi32, #tpu.memory_space<hbm>>) target(%dma_start3A_31 : memref<1024xi32, #tpu.memory_space<vmem>>) target_semaphore(%run_scoped3A_25 : memref<!tpu.dma_semaphore, #tpu.memory_space<semaphore_mem>>)
      %dma_wait3A = arith.constant 0 : i32
      %dma_wait3A_33 = tpu.memref_slice %arg8[%run_scoped3A, %dma_wait3A] : memref<2x1024xi32, #tpu.memory_space<vmem>> -> memref<1x1024xi32, #tpu.memory_space<vmem>>
      %dma_wait3A_34 = tpu.memref_squeeze %dma_wait3A_33 : memref<1x1024xi32, #tpu.memory_space<vmem>> -> memref<1024xi32, #tpu.memory_space<vmem>>
      %dma_wait3A_35 = tpu.memref_slice %arg3[%multiple_of3A] : memref<6400000xi32, #tpu.memory_space<hbm>> -> memref<1024xi32, #tpu.memory_space<hbm>>
      %dma_wait3A_36 = arith.constant 0 : i32
      %dma_wait3A_37 = tpu.memref_slice %arg8[%run_scoped3A, %dma_wait3A_36] : memref<2x1024xi32, #tpu.memory_space<vmem>> -> memref<1x1024xi32, #tpu.memory_space<vmem>>
      %dma_wait3A_38 = tpu.memref_squeeze %dma_wait3A_37 : memref<1x1024xi32, #tpu.memory_space<vmem>> -> memref<1024xi32, #tpu.memory_space<vmem>>
      %dma_wait3A_39 = tpu.memref_slice %arg3[%multiple_of3A] : memref<6400000xi32, #tpu.memory_space<hbm>> -> memref<1024xi32, #tpu.memory_space<hbm>>
      tpu.wait_dma2 semaphore(%run_scoped3A_25 : memref<!tpu.dma_semaphore, #tpu.memory_space<semaphore_mem>>) src(%dma_wait3A_39 : memref<1024xi32, #tpu.memory_space<hbm>>) dst(%dma_wait3A_38 : memref<1024xi32, #tpu.memory_space<vmem>>)
      tpu.yield
    }) : () -> ()
    %while3A = arith.constant 0 : i32
    %while3A_13 = arith.constant 0 : i32
    %while3A_14 = arith.subi %add3A_10, %while3A : i32
    %while3A_15 = arith.addi %while3A, %while3A_14 : i32
    %while3A_16 = arith.constant 1 : i32
    %while3A_17 = arith.divsi %while3A_14, %while3A_16 : i32
    %while3A_18 = arith.muli %while3A_17, %while3A_16 : i32
    %while3A_19 = arith.addi %while3A, %while3A_18 : i32
    %while3A_20 = arith.constant 1 : i32
    %while3A_21 = scf.for %while3A_25 = %while3A to %while3A_19 step %while3A_20 iter_args(%while3A_26 = %while3A_13) -> (i32)  : i32 {
      %rem3A = arith.constant 2 : i32
      %rem3A_27 = arith.remsi %while3A_25, %rem3A : i32
      %add3A_28 = arith.constant 1 : i32
      %add3A_29 = arith.addi %while3A_25, %add3A_28 : i32
      %sub3A = arith.constant 1 : i32
      %sub3A_30 = arith.subi %add3A_10, %sub3A : i32
      %min3A_31 = arith.minsi %add3A_29, %sub3A_30 : i32
      %add3A_32 = arith.addi %add3A_6, %min3A_31 : i32
      %mul3A_33 = arith.constant 1024 : i32
      %mul3A_34 = arith.muli %add3A_32, %mul3A_33 : i32
      %multiple_of3A_35 = tpu.assume_multiple %mul3A_34, 1024 : i32
      %dma_start3A = arith.constant 0 : i32
      %dma_start3A_36 = tpu.memref_slice %arg8[%rem3A_27, %dma_start3A] : memref<2x1024xi32, #tpu.memory_space<vmem>> -> memref<1x1024xi32, #tpu.memory_space<vmem>>
      %dma_start3A_37 = tpu.memref_squeeze %dma_start3A_36 : memref<1x1024xi32, #tpu.memory_space<vmem>> -> memref<1024xi32, #tpu.memory_space<vmem>>
      %dma_start3A_38 = arith.constant 0 : i32
      %dma_start3A_39 = tpu.memref_slice %arg6[%dma_start3A_38] : memref<100352xf32, #tpu.memory_space<vmem_shared>> -> memref<100352xf32, #tpu.memory_space<vmem_shared>>
      tpu.enqueue_indirect_dma source(%arg9 : memref<1024xf32, #tpu.memory_space<vmem>>) target(%dma_start3A_39 : memref<100352xf32, #tpu.memory_space<vmem_shared>>) offsets(%dma_start3A_37 : memref<1024xi32, #tpu.memory_space<vmem>>) semaphore(%arg10 : memref<!tpu.dma_semaphore, #tpu.memory_space<semaphore_mem>>) {add = true}
      %sub3A_40 = arith.constant 1 : i32
      %sub3A_41 = arith.subi %sub3A_40, %rem3A_27 : i32
      %dma_start3A_42 = arith.constant 0 : i32
      %dma_start3A_43 = tpu.memref_slice %arg8[%sub3A_41, %dma_start3A_42] : memref<2x1024xi32, #tpu.memory_space<vmem>> -> memref<1x1024xi32, #tpu.memory_space<vmem>>
      %dma_start3A_44 = tpu.memref_squeeze %dma_start3A_43 : memref<1x1024xi32, #tpu.memory_space<vmem>> -> memref<1024xi32, #tpu.memory_space<vmem>>
      %dma_start3A_45 = tpu.memref_slice %arg3[%multiple_of3A_35] : memref<6400000xi32, #tpu.memory_space<hbm>> -> memref<1024xi32, #tpu.memory_space<hbm>>
      %dma_start3A_46 = arith.constant 0 : i32
      %dma_start3A_47 = tpu.memref_slice %arg8[%sub3A_41, %dma_start3A_46] : memref<2x1024xi32, #tpu.memory_space<vmem>> -> memref<1x1024xi32, #tpu.memory_space<vmem>>
      %dma_start3A_48 = tpu.memref_squeeze %dma_start3A_47 : memref<1x1024xi32, #tpu.memory_space<vmem>> -> memref<1024xi32, #tpu.memory_space<vmem>>
      %dma_start3A_49 = tpu.memref_slice %arg3[%multiple_of3A_35] : memref<6400000xi32, #tpu.memory_space<hbm>> -> memref<1024xi32, #tpu.memory_space<hbm>>
      tpu.enqueue_dma source(%dma_start3A_49 : memref<1024xi32, #tpu.memory_space<hbm>>) target(%dma_start3A_48 : memref<1024xi32, #tpu.memory_space<vmem>>) target_semaphore(%arg11 : memref<!tpu.dma_semaphore, #tpu.memory_space<semaphore_mem>>)
      %dma_wait3A = arith.constant 0 : i32
      %dma_wait3A_50 = tpu.memref_slice %arg8[%rem3A_27, %dma_wait3A] : memref<2x1024xi32, #tpu.memory_space<vmem>> -> memref<1x1024xi32, #tpu.memory_space<vmem>>
      %dma_wait3A_51 = tpu.memref_squeeze %dma_wait3A_50 : memref<1x1024xi32, #tpu.memory_space<vmem>> -> memref<1024xi32, #tpu.memory_space<vmem>>
      %dma_wait3A_52 = arith.constant 0 : i32
      %dma_wait3A_53 = tpu.memref_slice %arg6[%dma_wait3A_52] : memref<100352xf32, #tpu.memory_space<vmem_shared>> -> memref<100352xf32, #tpu.memory_space<vmem_shared>>
      tpu.wait_indirect_dma semaphore(%arg10 : memref<!tpu.dma_semaphore, #tpu.memory_space<semaphore_mem>>) src(%arg9 : memref<1024xf32, #tpu.memory_space<vmem>>) dst(%dma_wait3A_53 : memref<100352xf32, #tpu.memory_space<vmem_shared>>)
      %dma_wait3A_54 = arith.constant 0 : i32
      %dma_wait3A_55 = tpu.memref_slice %arg8[%sub3A_41, %dma_wait3A_54] : memref<2x1024xi32, #tpu.memory_space<vmem>> -> memref<1x1024xi32, #tpu.memory_space<vmem>>
      %dma_wait3A_56 = tpu.memref_squeeze %dma_wait3A_55 : memref<1x1024xi32, #tpu.memory_space<vmem>> -> memref<1024xi32, #tpu.memory_space<vmem>>
      %dma_wait3A_57 = tpu.memref_slice %arg3[%multiple_of3A_35] : memref<6400000xi32, #tpu.memory_space<hbm>> -> memref<1024xi32, #tpu.memory_space<hbm>>
      %dma_wait3A_58 = arith.constant 0 : i32
      %dma_wait3A_59 = tpu.memref_slice %arg8[%sub3A_41, %dma_wait3A_58] : memref<2x1024xi32, #tpu.memory_space<vmem>> -> memref<1x1024xi32, #tpu.memory_space<vmem>>
      %dma_wait3A_60 = tpu.memref_squeeze %dma_wait3A_59 : memref<1x1024xi32, #tpu.memory_space<vmem>> -> memref<1024xi32, #tpu.memory_space<vmem>>
      %dma_wait3A_61 = tpu.memref_slice %arg3[%multiple_of3A_35] : memref<6400000xi32, #tpu.memory_space<hbm>> -> memref<1024xi32, #tpu.memory_space<hbm>>
      tpu.wait_dma2 semaphore(%arg11 : memref<!tpu.dma_semaphore, #tpu.memory_space<semaphore_mem>>) src(%dma_wait3A_61 : memref<1024xi32, #tpu.memory_space<hbm>>) dst(%dma_wait3A_60 : memref<1024xi32, #tpu.memory_space<vmem>>)
      %while3A_62 = arith.constant 0 : i32
      scf.yield %while3A_62 : i32
    }
    %while3A_22 = arith.constant 1 : i32
    %while3A_23 = scf.for %while3A_25 = %while3A_19 to %while3A_15 step %while3A_22 iter_args(%while3A_26 = %while3A_21) -> (i32)  : i32 {
      %rem3A = arith.constant 2 : i32
      %rem3A_27 = arith.remsi %while3A_25, %rem3A : i32
      %add3A_28 = arith.constant 1 : i32
      %add3A_29 = arith.addi %while3A_25, %add3A_28 : i32
      %sub3A = arith.constant 1 : i32
      %sub3A_30 = arith.subi %add3A_10, %sub3A : i32
      %min3A_31 = arith.minsi %add3A_29, %sub3A_30 : i32
      %add3A_32 = arith.addi %add3A_6, %min3A_31 : i32
      %mul3A_33 = arith.constant 1024 : i32
      %mul3A_34 = arith.muli %add3A_32, %mul3A_33 : i32
      %multiple_of3A_35 = tpu.assume_multiple %mul3A_34, 1024 : i32
      %dma_start3A = arith.constant 0 : i32
      %dma_start3A_36 = tpu.memref_slice %arg8[%rem3A_27, %dma_start3A] : memref<2x1024xi32, #tpu.memory_space<vmem>> -> memref<1x1024xi32, #tpu.memory_space<vmem>>
      %dma_start3A_37 = tpu.memref_squeeze %dma_start3A_36 : memref<1x1024xi32, #tpu.memory_space<vmem>> -> memref<1024xi32, #tpu.memory_space<vmem>>
      %dma_start3A_38 = arith.constant 0 : i32
      %dma_start3A_39 = tpu.memref_slice %arg6[%dma_start3A_38] : memref<100352xf32, #tpu.memory_space<vmem_shared>> -> memref<100352xf32, #tpu.memory_space<vmem_shared>>
      tpu.enqueue_indirect_dma source(%arg9 : memref<1024xf32, #tpu.memory_space<vmem>>) target(%dma_start3A_39 : memref<100352xf32, #tpu.memory_space<vmem_shared>>) offsets(%dma_start3A_37 : memref<1024xi32, #tpu.memory_space<vmem>>) semaphore(%arg10 : memref<!tpu.dma_semaphore, #tpu.memory_space<semaphore_mem>>) {add = true}
      %sub3A_40 = arith.constant 1 : i32
      %sub3A_41 = arith.subi %sub3A_40, %rem3A_27 : i32
      %dma_start3A_42 = arith.constant 0 : i32
      %dma_start3A_43 = tpu.memref_slice %arg8[%sub3A_41, %dma_start3A_42] : memref<2x1024xi32, #tpu.memory_space<vmem>> -> memref<1x1024xi32, #tpu.memory_space<vmem>>
      %dma_start3A_44 = tpu.memref_squeeze %dma_start3A_43 : memref<1x1024xi32, #tpu.memory_space<vmem>> -> memref<1024xi32, #tpu.memory_space<vmem>>
      %dma_start3A_45 = tpu.memref_slice %arg3[%multiple_of3A_35] : memref<6400000xi32, #tpu.memory_space<hbm>> -> memref<1024xi32, #tpu.memory_space<hbm>>
      %dma_start3A_46 = arith.constant 0 : i32
      %dma_start3A_47 = tpu.memref_slice %arg8[%sub3A_41, %dma_start3A_46] : memref<2x1024xi32, #tpu.memory_space<vmem>> -> memref<1x1024xi32, #tpu.memory_space<vmem>>
      %dma_start3A_48 = tpu.memref_squeeze %dma_start3A_47 : memref<1x1024xi32, #tpu.memory_space<vmem>> -> memref<1024xi32, #tpu.memory_space<vmem>>
      %dma_start3A_49 = tpu.memref_slice %arg3[%multiple_of3A_35] : memref<6400000xi32, #tpu.memory_space<hbm>> -> memref<1024xi32, #tpu.memory_space<hbm>>
      tpu.enqueue_dma source(%dma_start3A_49 : memref<1024xi32, #tpu.memory_space<hbm>>) target(%dma_start3A_48 : memref<1024xi32, #tpu.memory_space<vmem>>) target_semaphore(%arg11 : memref<!tpu.dma_semaphore, #tpu.memory_space<semaphore_mem>>)
      %dma_wait3A = arith.constant 0 : i32
      %dma_wait3A_50 = tpu.memref_slice %arg8[%rem3A_27, %dma_wait3A] : memref<2x1024xi32, #tpu.memory_space<vmem>> -> memref<1x1024xi32, #tpu.memory_space<vmem>>
      %dma_wait3A_51 = tpu.memref_squeeze %dma_wait3A_50 : memref<1x1024xi32, #tpu.memory_space<vmem>> -> memref<1024xi32, #tpu.memory_space<vmem>>
      %dma_wait3A_52 = arith.constant 0 : i32
      %dma_wait3A_53 = tpu.memref_slice %arg6[%dma_wait3A_52] : memref<100352xf32, #tpu.memory_space<vmem_shared>> -> memref<100352xf32, #tpu.memory_space<vmem_shared>>
      tpu.wait_indirect_dma semaphore(%arg10 : memref<!tpu.dma_semaphore, #tpu.memory_space<semaphore_mem>>) src(%arg9 : memref<1024xf32, #tpu.memory_space<vmem>>) dst(%dma_wait3A_53 : memref<100352xf32, #tpu.memory_space<vmem_shared>>)
      %dma_wait3A_54 = arith.constant 0 : i32
      %dma_wait3A_55 = tpu.memref_slice %arg8[%sub3A_41, %dma_wait3A_54] : memref<2x1024xi32, #tpu.memory_space<vmem>> -> memref<1x1024xi32, #tpu.memory_space<vmem>>
      %dma_wait3A_56 = tpu.memref_squeeze %dma_wait3A_55 : memref<1x1024xi32, #tpu.memory_space<vmem>> -> memref<1024xi32, #tpu.memory_space<vmem>>
      %dma_wait3A_57 = tpu.memref_slice %arg3[%multiple_of3A_35] : memref<6400000xi32, #tpu.memory_space<hbm>> -> memref<1024xi32, #tpu.memory_space<hbm>>
      %dma_wait3A_58 = arith.constant 0 : i32
      %dma_wait3A_59 = tpu.memref_slice %arg8[%sub3A_41, %dma_wait3A_58] : memref<2x1024xi32, #tpu.memory_space<vmem>> -> memref<1x1024xi32, #tpu.memory_space<vmem>>
      %dma_wait3A_60 = tpu.memref_squeeze %dma_wait3A_59 : memref<1x1024xi32, #tpu.memory_space<vmem>> -> memref<1024xi32, #tpu.memory_space<vmem>>
      %dma_wait3A_61 = tpu.memref_slice %arg3[%multiple_of3A_35] : memref<6400000xi32, #tpu.memory_space<hbm>> -> memref<1024xi32, #tpu.memory_space<hbm>>
      tpu.wait_dma2 semaphore(%arg11 : memref<!tpu.dma_semaphore, #tpu.memory_space<semaphore_mem>>) src(%dma_wait3A_61 : memref<1024xi32, #tpu.memory_space<hbm>>) dst(%dma_wait3A_60 : memref<1024xi32, #tpu.memory_space<vmem>>)
      %while3A_62 = arith.constant 0 : i32
      scf.yield %while3A_62 : i32
    }
    %barrier3A_24 = arith.constant 0 : index
    tpu.barrier barrier_id(%barrier3A_24)
    "tpu.region"() ({
      %run_scoped3A_25 = tpu.sem_alloc : memref<!tpu.dma_semaphore, #tpu.memory_space<semaphore_mem>>
      %dma_start3A = tpu.memref_slice %arg6[%mul3A_0] : memref<100352xf32, #tpu.memory_space<vmem_shared>> -> memref<6272xf32, #tpu.memory_space<vmem_shared>>
      %dma_start3A_26 = tpu.memref_slice %arg6[%mul3A_0] : memref<100352xf32, #tpu.memory_space<vmem_shared>> -> memref<6272xf32, #tpu.memory_space<vmem_shared>>
      tpu.enqueue_dma source(%dma_start3A_26 : memref<6272xf32, #tpu.memory_space<vmem_shared>>) target(%arg7 : memref<6272xf32, #tpu.memory_space<vmem>>) target_semaphore(%run_scoped3A_25 : memref<!tpu.dma_semaphore, #tpu.memory_space<semaphore_mem>>)
      %dma_wait3A = tpu.memref_slice %arg6[%mul3A_0] : memref<100352xf32, #tpu.memory_space<vmem_shared>> -> memref<6272xf32, #tpu.memory_space<vmem_shared>>
      %dma_wait3A_27 = tpu.memref_slice %arg6[%mul3A_0] : memref<100352xf32, #tpu.memory_space<vmem_shared>> -> memref<6272xf32, #tpu.memory_space<vmem_shared>>
      tpu.wait_dma2 semaphore(%run_scoped3A_25 : memref<!tpu.dma_semaphore, #tpu.memory_space<semaphore_mem>>) src(%dma_wait3A_27 : memref<6272xf32, #tpu.memory_space<vmem_shared>>) dst(%arg7 : memref<6272xf32, #tpu.memory_space<vmem>>)
      tpu.yield
    }) : () -> ()
    "tpu.region"() ({
      %run_scoped3A_25 = tpu.sem_alloc : memref<!tpu.dma_semaphore, #tpu.memory_space<semaphore_mem>>
      %dma_start3A = arith.constant 0 : i32
      %dma_start3A_26 = tpu.memref_slice %arg5[%arg0, %dma_start3A] : memref<2x100352xf32, #tpu.memory_space<hbm>> -> memref<1x100352xf32, #tpu.memory_space<hbm>>
      %dma_start3A_27 = tpu.memref_squeeze %dma_start3A_26 : memref<1x100352xf32, #tpu.memory_space<hbm>> -> memref<100352xf32, #tpu.memory_space<hbm>>
      %dma_start3A_28 = tpu.memref_slice %dma_start3A_27[%mul3A_0] : memref<100352xf32, #tpu.memory_space<hbm>> -> memref<6272xf32, #tpu.memory_space<hbm>>
      %dma_start3A_29 = arith.constant 0 : i32
      %dma_start3A_30 = tpu.memref_slice %arg5[%arg0, %dma_start3A_29] : memref<2x100352xf32, #tpu.memory_space<hbm>> -> memref<1x100352xf32, #tpu.memory_space<hbm>>
      %dma_start3A_31 = tpu.memref_squeeze %dma_start3A_30 : memref<1x100352xf32, #tpu.memory_space<hbm>> -> memref<100352xf32, #tpu.memory_space<hbm>>
      %dma_start3A_32 = tpu.memref_slice %dma_start3A_31[%mul3A_0] : memref<100352xf32, #tpu.memory_space<hbm>> -> memref<6272xf32, #tpu.memory_space<hbm>>
      tpu.enqueue_dma source(%arg7 : memref<6272xf32, #tpu.memory_space<vmem>>) target(%dma_start3A_32 : memref<6272xf32, #tpu.memory_space<hbm>>) target_semaphore(%run_scoped3A_25 : memref<!tpu.dma_semaphore, #tpu.memory_space<semaphore_mem>>)
      %dma_wait3A = arith.constant 0 : i32
      %dma_wait3A_33 = tpu.memref_slice %arg5[%arg0, %dma_wait3A] : memref<2x100352xf32, #tpu.memory_space<hbm>> -> memref<1x100352xf32, #tpu.memory_space<hbm>>
      %dma_wait3A_34 = tpu.memref_squeeze %dma_wait3A_33 : memref<1x100352xf32, #tpu.memory_space<hbm>> -> memref<100352xf32, #tpu.memory_space<hbm>>
      %dma_wait3A_35 = tpu.memref_slice %dma_wait3A_34[%mul3A_0] : memref<100352xf32, #tpu.memory_space<hbm>> -> memref<6272xf32, #tpu.memory_space<hbm>>
      %dma_wait3A_36 = arith.constant 0 : i32
      %dma_wait3A_37 = tpu.memref_slice %arg5[%arg0, %dma_wait3A_36] : memref<2x100352xf32, #tpu.memory_space<hbm>> -> memref<1x100352xf32, #tpu.memory_space<hbm>>
      %dma_wait3A_38 = tpu.memref_squeeze %dma_wait3A_37 : memref<1x100352xf32, #tpu.memory_space<hbm>> -> memref<100352xf32, #tpu.memory_space<hbm>>
      %dma_wait3A_39 = tpu.memref_slice %dma_wait3A_38[%mul3A_0] : memref<100352xf32, #tpu.memory_space<hbm>> -> memref<6272xf32, #tpu.memory_space<hbm>>
      tpu.wait_dma2 semaphore(%run_scoped3A_25 : memref<!tpu.dma_semaphore, #tpu.memory_space<semaphore_mem>>) src(%arg7 : memref<6272xf32, #tpu.memory_space<vmem>>) dst(%dma_wait3A_39 : memref<6272xf32, #tpu.memory_space<hbm>>)
      tpu.yield
    }) : () -> ()
    return
  }
}

#map = affine_map<(d0, d1) -> (0)>
#map1 = affine_map<(d0, d1) -> (0, 0)>
#map2 = affine_map<(d0, d1) -> (0, 0, 0)>
module attributes {stable_mosaic.version = 14 : i64} {
  func.func @body(%arg0: i32, %arg1: i32, %arg2: memref<6400000xi32, #tpu.memory_space<hbm>>, %arg3: memref<6400000xi32, #tpu.memory_space<hbm>>, %arg4: memref<100352x5xf32, #tpu.memory_space<hbm>>, %arg5: memref<2x100352x5xf32, #tpu.memory_space<hbm>>, %arg6: memref<100352x5xf32, #tpu.memory_space<vmem_shared>>, %arg7: memref<100352x5xf32, #tpu.memory_space<vmem_shared>>, %arg8: memref<6272x5xf32, #tpu.memory_space<vmem>>, %arg9: memref<2x1024xi32, #tpu.memory_space<vmem>>, %arg10: memref<2x1024xi32, #tpu.memory_space<vmem>>, %arg11: memref<1024x5xf32, #tpu.memory_space<vmem>>, %arg12: memref<!tpu.dma_semaphore, #tpu.memory_space<semaphore_mem>>, %arg13: memref<!tpu.dma_semaphore, #tpu.memory_space<semaphore_mem>>, %arg14: memref<!tpu.dma_semaphore, #tpu.memory_space<semaphore_mem>>) attributes {dimension_semantics = [#tpu.dimension_semantics<core_parallel>, #tpu.dimension_semantics<subcore_parallel>], iteration_bounds = array<i64: 2, 16>, scalar_prefetch = 0 : i64, scratch_operands = 9 : i64, tpu.core_type = #tpu.core_type<sc_vector_subcore>, window_params = [{transform_indices = #map}, {transform_indices = #map}, {transform_indices = #map1}, {transform_indices = #map2}]} {
    %mul3A = arith.constant 6272 : i32
    %mul3A_0 = arith.muli %arg1, %mul3A : i32
    "tpu.region"() ({
      %run_scoped3A_26 = tpu.sem_alloc : memref<!tpu.dma_semaphore, #tpu.memory_space<semaphore_mem>>
      %dma_start3A = arith.constant 0 : i32
      %dma_start3A_27 = tpu.memref_slice %arg4[%mul3A_0, %dma_start3A] : memref<100352x5xf32, #tpu.memory_space<hbm>> -> memref<6272x5xf32, #tpu.memory_space<hbm>>
      %dma_start3A_28 = arith.constant 0 : i32
      %dma_start3A_29 = tpu.memref_slice %arg4[%mul3A_0, %dma_start3A_28] : memref<100352x5xf32, #tpu.memory_space<hbm>> -> memref<6272x5xf32, #tpu.memory_space<hbm>>
      tpu.enqueue_dma source(%dma_start3A_29 : memref<6272x5xf32, #tpu.memory_space<hbm>>) target(%arg8 : memref<6272x5xf32, #tpu.memory_space<vmem>>) target_semaphore(%run_scoped3A_26 : memref<!tpu.dma_semaphore, #tpu.memory_space<semaphore_mem>>)
      %dma_wait3A = arith.constant 0 : i32
      %dma_wait3A_30 = tpu.memref_slice %arg4[%mul3A_0, %dma_wait3A] : memref<100352x5xf32, #tpu.memory_space<hbm>> -> memref<6272x5xf32, #tpu.memory_space<hbm>>
      %dma_wait3A_31 = arith.constant 0 : i32
      %dma_wait3A_32 = tpu.memref_slice %arg4[%mul3A_0, %dma_wait3A_31] : memref<100352x5xf32, #tpu.memory_space<hbm>> -> memref<6272x5xf32, #tpu.memory_space<hbm>>
      tpu.wait_dma2 semaphore(%run_scoped3A_26 : memref<!tpu.dma_semaphore, #tpu.memory_space<semaphore_mem>>) src(%dma_wait3A_32 : memref<6272x5xf32, #tpu.memory_space<hbm>>) dst(%arg8 : memref<6272x5xf32, #tpu.memory_space<vmem>>)
      tpu.yield
    }) : () -> ()
    "tpu.region"() ({
      %run_scoped3A_26 = tpu.sem_alloc : memref<!tpu.dma_semaphore, #tpu.memory_space<semaphore_mem>>
      %dma_start3A = arith.constant 0 : i32
      %dma_start3A_27 = tpu.memref_slice %arg6[%mul3A_0, %dma_start3A] : memref<100352x5xf32, #tpu.memory_space<vmem_shared>> -> memref<6272x5xf32, #tpu.memory_space<vmem_shared>>
      %dma_start3A_28 = arith.constant 0 : i32
      %dma_start3A_29 = tpu.memref_slice %arg6[%mul3A_0, %dma_start3A_28] : memref<100352x5xf32, #tpu.memory_space<vmem_shared>> -> memref<6272x5xf32, #tpu.memory_space<vmem_shared>>
      tpu.enqueue_dma source(%arg8 : memref<6272x5xf32, #tpu.memory_space<vmem>>) target(%dma_start3A_29 : memref<6272x5xf32, #tpu.memory_space<vmem_shared>>) target_semaphore(%run_scoped3A_26 : memref<!tpu.dma_semaphore, #tpu.memory_space<semaphore_mem>>)
      %dma_wait3A = arith.constant 0 : i32
      %dma_wait3A_30 = tpu.memref_slice %arg6[%mul3A_0, %dma_wait3A] : memref<100352x5xf32, #tpu.memory_space<vmem_shared>> -> memref<6272x5xf32, #tpu.memory_space<vmem_shared>>
      %dma_wait3A_31 = arith.constant 0 : i32
      %dma_wait3A_32 = tpu.memref_slice %arg6[%mul3A_0, %dma_wait3A_31] : memref<100352x5xf32, #tpu.memory_space<vmem_shared>> -> memref<6272x5xf32, #tpu.memory_space<vmem_shared>>
      tpu.wait_dma2 semaphore(%run_scoped3A_26 : memref<!tpu.dma_semaphore, #tpu.memory_space<semaphore_mem>>) src(%arg8 : memref<6272x5xf32, #tpu.memory_space<vmem>>) dst(%dma_wait3A_32 : memref<6272x5xf32, #tpu.memory_space<vmem_shared>>)
      tpu.yield
    }) : () -> ()
    "tpu.region"() ({
      %run_scoped3A_26 = tpu.sem_alloc : memref<!tpu.dma_semaphore, #tpu.memory_space<semaphore_mem>>
      %dma_start3A = arith.constant 0 : i32
      %dma_start3A_27 = tpu.memref_slice %arg7[%mul3A_0, %dma_start3A] : memref<100352x5xf32, #tpu.memory_space<vmem_shared>> -> memref<6272x5xf32, #tpu.memory_space<vmem_shared>>
      %dma_start3A_28 = arith.constant 0 : i32
      %dma_start3A_29 = tpu.memref_slice %arg7[%mul3A_0, %dma_start3A_28] : memref<100352x5xf32, #tpu.memory_space<vmem_shared>> -> memref<6272x5xf32, #tpu.memory_space<vmem_shared>>
      tpu.enqueue_dma source(%arg8 : memref<6272x5xf32, #tpu.memory_space<vmem>>) target(%dma_start3A_29 : memref<6272x5xf32, #tpu.memory_space<vmem_shared>>) target_semaphore(%run_scoped3A_26 : memref<!tpu.dma_semaphore, #tpu.memory_space<semaphore_mem>>)
      %dma_wait3A = arith.constant 0 : i32
      %dma_wait3A_30 = tpu.memref_slice %arg7[%mul3A_0, %dma_wait3A] : memref<100352x5xf32, #tpu.memory_space<vmem_shared>> -> memref<6272x5xf32, #tpu.memory_space<vmem_shared>>
      %dma_wait3A_31 = arith.constant 0 : i32
      %dma_wait3A_32 = tpu.memref_slice %arg7[%mul3A_0, %dma_wait3A_31] : memref<100352x5xf32, #tpu.memory_space<vmem_shared>> -> memref<6272x5xf32, #tpu.memory_space<vmem_shared>>
      tpu.wait_dma2 semaphore(%run_scoped3A_26 : memref<!tpu.dma_semaphore, #tpu.memory_space<semaphore_mem>>) src(%arg8 : memref<6272x5xf32, #tpu.memory_space<vmem>>) dst(%dma_wait3A_32 : memref<6272x5xf32, #tpu.memory_space<vmem_shared>>)
      tpu.yield
    }) : () -> ()
    %barrier3A = arith.constant 0 : index
    tpu.barrier barrier_id(%barrier3A)
    %mul3A_1 = arith.constant 3125 : i32
    %mul3A_2 = arith.muli %arg0, %mul3A_1 : i32
    %mul3A_3 = arith.constant 195 : i32
    %mul3A_4 = arith.muli %arg1, %mul3A_3 : i32
    %add3A = arith.addi %mul3A_2, %mul3A_4 : i32
    %min3A = arith.constant 5 : i32
    %min3A_5 = arith.minsi %arg1, %min3A : i32
    %add3A_6 = arith.addi %add3A, %min3A_5 : i32
    %lt3A = arith.constant 5 : i32
    %lt3A_7 = arith.cmpi slt, %arg1, %lt3A : i32
    %jit3A = arith.constant 1 : i32
    %jit3A_8 = arith.constant 0 : i32
    %select_n3A = arith.select %lt3A_7, %jit3A, %jit3A_8 : i32
    %add3A_9 = arith.constant 195 : i32
    %add3A_10 = arith.addi %add3A_9, %select_n3A : i32
    %mul3A_11 = arith.constant 1024 : i32
    %mul3A_12 = arith.muli %add3A_6, %mul3A_11 : i32
    %multiple_of3A = tpu.assume_multiple %mul3A_12, 1024 : i32
    %run_scoped3A = arith.constant 0 : i32
    "tpu.region"() ({
      %run_scoped3A_26 = tpu.sem_alloc : memref<!tpu.dma_semaphore, #tpu.memory_space<semaphore_mem>>
      %dma_start3A = arith.constant 0 : i32
      %dma_start3A_27 = tpu.memref_slice %arg9[%run_scoped3A, %dma_start3A] : memref<2x1024xi32, #tpu.memory_space<vmem>> -> memref<1x1024xi32, #tpu.memory_space<vmem>>
      %dma_start3A_28 = tpu.memref_squeeze %dma_start3A_27 : memref<1x1024xi32, #tpu.memory_space<vmem>> -> memref<1024xi32, #tpu.memory_space<vmem>>
      %dma_start3A_29 = tpu.memref_slice %arg2[%multiple_of3A] : memref<6400000xi32, #tpu.memory_space<hbm>> -> memref<1024xi32, #tpu.memory_space<hbm>>
      %dma_start3A_30 = arith.constant 0 : i32
      %dma_start3A_31 = tpu.memref_slice %arg9[%run_scoped3A, %dma_start3A_30] : memref<2x1024xi32, #tpu.memory_space<vmem>> -> memref<1x1024xi32, #tpu.memory_space<vmem>>
      %dma_start3A_32 = tpu.memref_squeeze %dma_start3A_31 : memref<1x1024xi32, #tpu.memory_space<vmem>> -> memref<1024xi32, #tpu.memory_space<vmem>>
      %dma_start3A_33 = tpu.memref_slice %arg2[%multiple_of3A] : memref<6400000xi32, #tpu.memory_space<hbm>> -> memref<1024xi32, #tpu.memory_space<hbm>>
      tpu.enqueue_dma source(%dma_start3A_33 : memref<1024xi32, #tpu.memory_space<hbm>>) target(%dma_start3A_32 : memref<1024xi32, #tpu.memory_space<vmem>>) target_semaphore(%run_scoped3A_26 : memref<!tpu.dma_semaphore, #tpu.memory_space<semaphore_mem>>)
      %dma_wait3A = arith.constant 0 : i32
      %dma_wait3A_34 = tpu.memref_slice %arg9[%run_scoped3A, %dma_wait3A] : memref<2x1024xi32, #tpu.memory_space<vmem>> -> memref<1x1024xi32, #tpu.memory_space<vmem>>
      %dma_wait3A_35 = tpu.memref_squeeze %dma_wait3A_34 : memref<1x1024xi32, #tpu.memory_space<vmem>> -> memref<1024xi32, #tpu.memory_space<vmem>>
      %dma_wait3A_36 = tpu.memref_slice %arg2[%multiple_of3A] : memref<6400000xi32, #tpu.memory_space<hbm>> -> memref<1024xi32, #tpu.memory_space<hbm>>
      %dma_wait3A_37 = arith.constant 0 : i32
      %dma_wait3A_38 = tpu.memref_slice %arg9[%run_scoped3A, %dma_wait3A_37] : memref<2x1024xi32, #tpu.memory_space<vmem>> -> memref<1x1024xi32, #tpu.memory_space<vmem>>
      %dma_wait3A_39 = tpu.memref_squeeze %dma_wait3A_38 : memref<1x1024xi32, #tpu.memory_space<vmem>> -> memref<1024xi32, #tpu.memory_space<vmem>>
      %dma_wait3A_40 = tpu.memref_slice %arg2[%multiple_of3A] : memref<6400000xi32, #tpu.memory_space<hbm>> -> memref<1024xi32, #tpu.memory_space<hbm>>
      tpu.wait_dma2 semaphore(%run_scoped3A_26 : memref<!tpu.dma_semaphore, #tpu.memory_space<semaphore_mem>>) src(%dma_wait3A_40 : memref<1024xi32, #tpu.memory_space<hbm>>) dst(%dma_wait3A_39 : memref<1024xi32, #tpu.memory_space<vmem>>)
      tpu.yield
    }) : () -> ()
    %run_scoped3A_13 = arith.constant 0 : i32
    "tpu.region"() ({
      %run_scoped3A_26 = tpu.sem_alloc : memref<!tpu.dma_semaphore, #tpu.memory_space<semaphore_mem>>
      %dma_start3A = arith.constant 0 : i32
      %dma_start3A_27 = tpu.memref_slice %arg10[%run_scoped3A_13, %dma_start3A] : memref<2x1024xi32, #tpu.memory_space<vmem>> -> memref<1x1024xi32, #tpu.memory_space<vmem>>
      %dma_start3A_28 = tpu.memref_squeeze %dma_start3A_27 : memref<1x1024xi32, #tpu.memory_space<vmem>> -> memref<1024xi32, #tpu.memory_space<vmem>>
      %dma_start3A_29 = tpu.memref_slice %arg3[%multiple_of3A] : memref<6400000xi32, #tpu.memory_space<hbm>> -> memref<1024xi32, #tpu.memory_space<hbm>>
      %dma_start3A_30 = arith.constant 0 : i32
      %dma_start3A_31 = tpu.memref_slice %arg10[%run_scoped3A_13, %dma_start3A_30] : memref<2x1024xi32, #tpu.memory_space<vmem>> -> memref<1x1024xi32, #tpu.memory_space<vmem>>
      %dma_start3A_32 = tpu.memref_squeeze %dma_start3A_31 : memref<1x1024xi32, #tpu.memory_space<vmem>> -> memref<1024xi32, #tpu.memory_space<vmem>>
      %dma_start3A_33 = tpu.memref_slice %arg3[%multiple_of3A] : memref<6400000xi32, #tpu.memory_space<hbm>> -> memref<1024xi32, #tpu.memory_space<hbm>>
      tpu.enqueue_dma source(%dma_start3A_33 : memref<1024xi32, #tpu.memory_space<hbm>>) target(%dma_start3A_32 : memref<1024xi32, #tpu.memory_space<vmem>>) target_semaphore(%run_scoped3A_26 : memref<!tpu.dma_semaphore, #tpu.memory_space<semaphore_mem>>)
      %dma_wait3A = arith.constant 0 : i32
      %dma_wait3A_34 = tpu.memref_slice %arg10[%run_scoped3A_13, %dma_wait3A] : memref<2x1024xi32, #tpu.memory_space<vmem>> -> memref<1x1024xi32, #tpu.memory_space<vmem>>
      %dma_wait3A_35 = tpu.memref_squeeze %dma_wait3A_34 : memref<1x1024xi32, #tpu.memory_space<vmem>> -> memref<1024xi32, #tpu.memory_space<vmem>>
      %dma_wait3A_36 = tpu.memref_slice %arg3[%multiple_of3A] : memref<6400000xi32, #tpu.memory_space<hbm>> -> memref<1024xi32, #tpu.memory_space<hbm>>
      %dma_wait3A_37 = arith.constant 0 : i32
      %dma_wait3A_38 = tpu.memref_slice %arg10[%run_scoped3A_13, %dma_wait3A_37] : memref<2x1024xi32, #tpu.memory_space<vmem>> -> memref<1x1024xi32, #tpu.memory_space<vmem>>
      %dma_wait3A_39 = tpu.memref_squeeze %dma_wait3A_38 : memref<1x1024xi32, #tpu.memory_space<vmem>> -> memref<1024xi32, #tpu.memory_space<vmem>>
      %dma_wait3A_40 = tpu.memref_slice %arg3[%multiple_of3A] : memref<6400000xi32, #tpu.memory_space<hbm>> -> memref<1024xi32, #tpu.memory_space<hbm>>
      tpu.wait_dma2 semaphore(%run_scoped3A_26 : memref<!tpu.dma_semaphore, #tpu.memory_space<semaphore_mem>>) src(%dma_wait3A_40 : memref<1024xi32, #tpu.memory_space<hbm>>) dst(%dma_wait3A_39 : memref<1024xi32, #tpu.memory_space<vmem>>)
      tpu.yield
    }) : () -> ()
    %while3A = arith.constant 0 : i32
    %while3A_14 = arith.constant 0 : i32
    %while3A_15 = arith.subi %add3A_10, %while3A : i32
    %while3A_16 = arith.addi %while3A, %while3A_15 : i32
    %while3A_17 = arith.constant 1 : i32
    %while3A_18 = arith.divsi %while3A_15, %while3A_17 : i32
    %while3A_19 = arith.muli %while3A_18, %while3A_17 : i32
    %while3A_20 = arith.addi %while3A, %while3A_19 : i32
    %while3A_21 = arith.constant 1 : i32
    %while3A_22 = scf.for %while3A_26 = %while3A to %while3A_20 step %while3A_21 iter_args(%while3A_27 = %while3A_14) -> (i32)  : i32 {
      %rem3A = arith.constant 2 : i32
      %rem3A_28 = arith.remsi %while3A_26, %rem3A : i32
      %add3A_29 = arith.constant 1 : i32
      %add3A_30 = arith.addi %while3A_26, %add3A_29 : i32
      %sub3A = arith.constant 1 : i32
      %sub3A_31 = arith.subi %add3A_10, %sub3A : i32
      %min3A_32 = arith.minsi %add3A_30, %sub3A_31 : i32
      %add3A_33 = arith.addi %add3A_6, %min3A_32 : i32
      %mul3A_34 = arith.constant 1024 : i32
      %mul3A_35 = arith.muli %add3A_33, %mul3A_34 : i32
      %multiple_of3A_36 = tpu.assume_multiple %mul3A_35, 1024 : i32
      %dma_start3A = arith.constant 0 : i32
      %dma_start3A_37 = arith.constant 0 : i32
      %dma_start3A_38 = tpu.memref_slice %arg11[%dma_start3A, %dma_start3A_37] : memref<1024x5xf32, #tpu.memory_space<vmem>> -> memref<256x5xf32, #tpu.memory_space<vmem>>
      %dma_start3A_39 = arith.constant 0 : i32
      %dma_start3A_40 = tpu.memref_slice %arg9[%rem3A_28, %dma_start3A_39] : memref<2x1024xi32, #tpu.memory_space<vmem>> -> memref<1x256xi32, #tpu.memory_space<vmem>>
      %dma_start3A_41 = tpu.memref_squeeze %dma_start3A_40 : memref<1x256xi32, #tpu.memory_space<vmem>> -> memref<256xi32, #tpu.memory_space<vmem>>
      %dma_start3A_42 = arith.constant 0 : i32
      %dma_start3A_43 = arith.constant 0 : i32
      %dma_start3A_44 = tpu.memref_slice %arg6[%dma_start3A_42, %dma_start3A_43] : memref<100352x5xf32, #tpu.memory_space<vmem_shared>> -> memref<100352x5xf32, #tpu.memory_space<vmem_shared>>
      tpu.enqueue_indirect_dma source(%dma_start3A_44 : memref<100352x5xf32, #tpu.memory_space<vmem_shared>>) target(%dma_start3A_38 : memref<256x5xf32, #tpu.memory_space<vmem>>) offsets(%dma_start3A_41 : memref<256xi32, #tpu.memory_space<vmem>>) semaphore(%arg12 : memref<!tpu.dma_semaphore, #tpu.memory_space<semaphore_mem>>)
      %dma_start3A_45 = arith.constant 256 : i32
      %dma_start3A_46 = arith.constant 0 : i32
      %dma_start3A_47 = tpu.memref_slice %arg11[%dma_start3A_45, %dma_start3A_46] : memref<1024x5xf32, #tpu.memory_space<vmem>> -> memref<256x5xf32, #tpu.memory_space<vmem>>
      %dma_start3A_48 = arith.constant 256 : i32
      %dma_start3A_49 = tpu.memref_slice %arg9[%rem3A_28, %dma_start3A_48] : memref<2x1024xi32, #tpu.memory_space<vmem>> -> memref<1x256xi32, #tpu.memory_space<vmem>>
      %dma_start3A_50 = tpu.memref_squeeze %dma_start3A_49 : memref<1x256xi32, #tpu.memory_space<vmem>> -> memref<256xi32, #tpu.memory_space<vmem>>
      %dma_start3A_51 = arith.constant 0 : i32
      %dma_start3A_52 = arith.constant 0 : i32
      %dma_start3A_53 = tpu.memref_slice %arg6[%dma_start3A_51, %dma_start3A_52] : memref<100352x5xf32, #tpu.memory_space<vmem_shared>> -> memref<100352x5xf32, #tpu.memory_space<vmem_shared>>
      tpu.enqueue_indirect_dma source(%dma_start3A_53 : memref<100352x5xf32, #tpu.memory_space<vmem_shared>>) target(%dma_start3A_47 : memref<256x5xf32, #tpu.memory_space<vmem>>) offsets(%dma_start3A_50 : memref<256xi32, #tpu.memory_space<vmem>>) semaphore(%arg12 : memref<!tpu.dma_semaphore, #tpu.memory_space<semaphore_mem>>)
      %dma_start3A_54 = arith.constant 512 : i32
      %dma_start3A_55 = arith.constant 0 : i32
      %dma_start3A_56 = tpu.memref_slice %arg11[%dma_start3A_54, %dma_start3A_55] : memref<1024x5xf32, #tpu.memory_space<vmem>> -> memref<256x5xf32, #tpu.memory_space<vmem>>
      %dma_start3A_57 = arith.constant 512 : i32
      %dma_start3A_58 = tpu.memref_slice %arg9[%rem3A_28, %dma_start3A_57] : memref<2x1024xi32, #tpu.memory_space<vmem>> -> memref<1x256xi32, #tpu.memory_space<vmem>>
      %dma_start3A_59 = tpu.memref_squeeze %dma_start3A_58 : memref<1x256xi32, #tpu.memory_space<vmem>> -> memref<256xi32, #tpu.memory_space<vmem>>
      %dma_start3A_60 = arith.constant 0 : i32
      %dma_start3A_61 = arith.constant 0 : i32
      %dma_start3A_62 = tpu.memref_slice %arg6[%dma_start3A_60, %dma_start3A_61] : memref<100352x5xf32, #tpu.memory_space<vmem_shared>> -> memref<100352x5xf32, #tpu.memory_space<vmem_shared>>
      tpu.enqueue_indirect_dma source(%dma_start3A_62 : memref<100352x5xf32, #tpu.memory_space<vmem_shared>>) target(%dma_start3A_56 : memref<256x5xf32, #tpu.memory_space<vmem>>) offsets(%dma_start3A_59 : memref<256xi32, #tpu.memory_space<vmem>>) semaphore(%arg12 : memref<!tpu.dma_semaphore, #tpu.memory_space<semaphore_mem>>)
      %dma_start3A_63 = arith.constant 768 : i32
      %dma_start3A_64 = arith.constant 0 : i32
      %dma_start3A_65 = tpu.memref_slice %arg11[%dma_start3A_63, %dma_start3A_64] : memref<1024x5xf32, #tpu.memory_space<vmem>> -> memref<256x5xf32, #tpu.memory_space<vmem>>
      %dma_start3A_66 = arith.constant 768 : i32
      %dma_start3A_67 = tpu.memref_slice %arg9[%rem3A_28, %dma_start3A_66] : memref<2x1024xi32, #tpu.memory_space<vmem>> -> memref<1x256xi32, #tpu.memory_space<vmem>>
      %dma_start3A_68 = tpu.memref_squeeze %dma_start3A_67 : memref<1x256xi32, #tpu.memory_space<vmem>> -> memref<256xi32, #tpu.memory_space<vmem>>
      %dma_start3A_69 = arith.constant 0 : i32
      %dma_start3A_70 = arith.constant 0 : i32
      %dma_start3A_71 = tpu.memref_slice %arg6[%dma_start3A_69, %dma_start3A_70] : memref<100352x5xf32, #tpu.memory_space<vmem_shared>> -> memref<100352x5xf32, #tpu.memory_space<vmem_shared>>
      tpu.enqueue_indirect_dma source(%dma_start3A_71 : memref<100352x5xf32, #tpu.memory_space<vmem_shared>>) target(%dma_start3A_65 : memref<256x5xf32, #tpu.memory_space<vmem>>) offsets(%dma_start3A_68 : memref<256xi32, #tpu.memory_space<vmem>>) semaphore(%arg12 : memref<!tpu.dma_semaphore, #tpu.memory_space<semaphore_mem>>)
      %sub3A_72 = arith.constant 1 : i32
      %sub3A_73 = arith.subi %sub3A_72, %rem3A_28 : i32
      %dma_start3A_74 = arith.constant 0 : i32
      %dma_start3A_75 = tpu.memref_slice %arg9[%sub3A_73, %dma_start3A_74] : memref<2x1024xi32, #tpu.memory_space<vmem>> -> memref<1x1024xi32, #tpu.memory_space<vmem>>
      %dma_start3A_76 = tpu.memref_squeeze %dma_start3A_75 : memref<1x1024xi32, #tpu.memory_space<vmem>> -> memref<1024xi32, #tpu.memory_space<vmem>>
      %dma_start3A_77 = tpu.memref_slice %arg2[%multiple_of3A_36] : memref<6400000xi32, #tpu.memory_space<hbm>> -> memref<1024xi32, #tpu.memory_space<hbm>>
      %dma_start3A_78 = arith.constant 0 : i32
      %dma_start3A_79 = tpu.memref_slice %arg9[%sub3A_73, %dma_start3A_78] : memref<2x1024xi32, #tpu.memory_space<vmem>> -> memref<1x1024xi32, #tpu.memory_space<vmem>>
      %dma_start3A_80 = tpu.memref_squeeze %dma_start3A_79 : memref<1x1024xi32, #tpu.memory_space<vmem>> -> memref<1024xi32, #tpu.memory_space<vmem>>
      %dma_start3A_81 = tpu.memref_slice %arg2[%multiple_of3A_36] : memref<6400000xi32, #tpu.memory_space<hbm>> -> memref<1024xi32, #tpu.memory_space<hbm>>
      tpu.enqueue_dma source(%dma_start3A_81 : memref<1024xi32, #tpu.memory_space<hbm>>) target(%dma_start3A_80 : memref<1024xi32, #tpu.memory_space<vmem>>) target_semaphore(%arg14 : memref<!tpu.dma_semaphore, #tpu.memory_space<semaphore_mem>>)
      %sub3A_82 = arith.constant 1 : i32
      %sub3A_83 = arith.subi %sub3A_82, %rem3A_28 : i32
      %dma_start3A_84 = arith.constant 0 : i32
      %dma_start3A_85 = tpu.memref_slice %arg10[%sub3A_83, %dma_start3A_84] : memref<2x1024xi32, #tpu.memory_space<vmem>> -> memref<1x1024xi32, #tpu.memory_space<vmem>>
      %dma_start3A_86 = tpu.memref_squeeze %dma_start3A_85 : memref<1x1024xi32, #tpu.memory_space<vmem>> -> memref<1024xi32, #tpu.memory_space<vmem>>
      %dma_start3A_87 = tpu.memref_slice %arg3[%multiple_of3A_36] : memref<6400000xi32, #tpu.memory_space<hbm>> -> memref<1024xi32, #tpu.memory_space<hbm>>
      %dma_start3A_88 = arith.constant 0 : i32
      %dma_start3A_89 = tpu.memref_slice %arg10[%sub3A_83, %dma_start3A_88] : memref<2x1024xi32, #tpu.memory_space<vmem>> -> memref<1x1024xi32, #tpu.memory_space<vmem>>
      %dma_start3A_90 = tpu.memref_squeeze %dma_start3A_89 : memref<1x1024xi32, #tpu.memory_space<vmem>> -> memref<1024xi32, #tpu.memory_space<vmem>>
      %dma_start3A_91 = tpu.memref_slice %arg3[%multiple_of3A_36] : memref<6400000xi32, #tpu.memory_space<hbm>> -> memref<1024xi32, #tpu.memory_space<hbm>>
      tpu.enqueue_dma source(%dma_start3A_91 : memref<1024xi32, #tpu.memory_space<hbm>>) target(%dma_start3A_90 : memref<1024xi32, #tpu.memory_space<vmem>>) target_semaphore(%arg14 : memref<!tpu.dma_semaphore, #tpu.memory_space<semaphore_mem>>)
      %dma_wait3A = arith.constant 0 : i32
      %dma_wait3A_92 = arith.constant 0 : i32
      %dma_wait3A_93 = tpu.memref_slice %arg11[%dma_wait3A, %dma_wait3A_92] : memref<1024x5xf32, #tpu.memory_space<vmem>> -> memref<256x5xf32, #tpu.memory_space<vmem>>
      %dma_wait3A_94 = arith.constant 0 : i32
      %dma_wait3A_95 = tpu.memref_slice %arg9[%rem3A_28, %dma_wait3A_94] : memref<2x1024xi32, #tpu.memory_space<vmem>> -> memref<1x256xi32, #tpu.memory_space<vmem>>
      %dma_wait3A_96 = tpu.memref_squeeze %dma_wait3A_95 : memref<1x256xi32, #tpu.memory_space<vmem>> -> memref<256xi32, #tpu.memory_space<vmem>>
      %dma_wait3A_97 = arith.constant 0 : i32
      %dma_wait3A_98 = arith.constant 0 : i32
      %dma_wait3A_99 = tpu.memref_slice %arg6[%dma_wait3A_97, %dma_wait3A_98] : memref<100352x5xf32, #tpu.memory_space<vmem_shared>> -> memref<100352x5xf32, #tpu.memory_space<vmem_shared>>
      tpu.wait_indirect_dma semaphore(%arg12 : memref<!tpu.dma_semaphore, #tpu.memory_space<semaphore_mem>>) src(%dma_wait3A_99 : memref<100352x5xf32, #tpu.memory_space<vmem_shared>>) dst(%dma_wait3A_93 : memref<256x5xf32, #tpu.memory_space<vmem>>)
      %dma_start3A_100 = arith.constant 0 : i32
      %dma_start3A_101 = arith.constant 0 : i32
      %dma_start3A_102 = tpu.memref_slice %arg11[%dma_start3A_100, %dma_start3A_101] : memref<1024x5xf32, #tpu.memory_space<vmem>> -> memref<256x5xf32, #tpu.memory_space<vmem>>
      %dma_start3A_103 = arith.constant 0 : i32
      %dma_start3A_104 = tpu.memref_slice %arg10[%rem3A_28, %dma_start3A_103] : memref<2x1024xi32, #tpu.memory_space<vmem>> -> memref<1x256xi32, #tpu.memory_space<vmem>>
      %dma_start3A_105 = tpu.memref_squeeze %dma_start3A_104 : memref<1x256xi32, #tpu.memory_space<vmem>> -> memref<256xi32, #tpu.memory_space<vmem>>
      %dma_start3A_106 = arith.constant 0 : i32
      %dma_start3A_107 = arith.constant 0 : i32
      %dma_start3A_108 = tpu.memref_slice %arg7[%dma_start3A_106, %dma_start3A_107] : memref<100352x5xf32, #tpu.memory_space<vmem_shared>> -> memref<100352x5xf32, #tpu.memory_space<vmem_shared>>
      tpu.enqueue_indirect_dma source(%dma_start3A_102 : memref<256x5xf32, #tpu.memory_space<vmem>>) target(%dma_start3A_108 : memref<100352x5xf32, #tpu.memory_space<vmem_shared>>) offsets(%dma_start3A_105 : memref<256xi32, #tpu.memory_space<vmem>>) semaphore(%arg13 : memref<!tpu.dma_semaphore, #tpu.memory_space<semaphore_mem>>) {add = true}
      %dma_wait3A_109 = arith.constant 256 : i32
      %dma_wait3A_110 = arith.constant 0 : i32
      %dma_wait3A_111 = tpu.memref_slice %arg11[%dma_wait3A_109, %dma_wait3A_110] : memref<1024x5xf32, #tpu.memory_space<vmem>> -> memref<256x5xf32, #tpu.memory_space<vmem>>
      %dma_wait3A_112 = arith.constant 256 : i32
      %dma_wait3A_113 = tpu.memref_slice %arg9[%rem3A_28, %dma_wait3A_112] : memref<2x1024xi32, #tpu.memory_space<vmem>> -> memref<1x256xi32, #tpu.memory_space<vmem>>
      %dma_wait3A_114 = tpu.memref_squeeze %dma_wait3A_113 : memref<1x256xi32, #tpu.memory_space<vmem>> -> memref<256xi32, #tpu.memory_space<vmem>>
      %dma_wait3A_115 = arith.constant 0 : i32
      %dma_wait3A_116 = arith.constant 0 : i32
      %dma_wait3A_117 = tpu.memref_slice %arg6[%dma_wait3A_115, %dma_wait3A_116] : memref<100352x5xf32, #tpu.memory_space<vmem_shared>> -> memref<100352x5xf32, #tpu.memory_space<vmem_shared>>
      tpu.wait_indirect_dma semaphore(%arg12 : memref<!tpu.dma_semaphore, #tpu.memory_space<semaphore_mem>>) src(%dma_wait3A_117 : memref<100352x5xf32, #tpu.memory_space<vmem_shared>>) dst(%dma_wait3A_111 : memref<256x5xf32, #tpu.memory_space<vmem>>)
      %dma_start3A_118 = arith.constant 256 : i32
      %dma_start3A_119 = arith.constant 0 : i32
      %dma_start3A_120 = tpu.memref_slice %arg11[%dma_start3A_118, %dma_start3A_119] : memref<1024x5xf32, #tpu.memory_space<vmem>> -> memref<256x5xf32, #tpu.memory_space<vmem>>
      %dma_start3A_121 = arith.constant 256 : i32
      %dma_start3A_122 = tpu.memref_slice %arg10[%rem3A_28, %dma_start3A_121] : memref<2x1024xi32, #tpu.memory_space<vmem>> -> memref<1x256xi32, #tpu.memory_space<vmem>>
      %dma_start3A_123 = tpu.memref_squeeze %dma_start3A_122 : memref<1x256xi32, #tpu.memory_space<vmem>> -> memref<256xi32, #tpu.memory_space<vmem>>
      %dma_start3A_124 = arith.constant 0 : i32
      %dma_start3A_125 = arith.constant 0 : i32
      %dma_start3A_126 = tpu.memref_slice %arg7[%dma_start3A_124, %dma_start3A_125] : memref<100352x5xf32, #tpu.memory_space<vmem_shared>> -> memref<100352x5xf32, #tpu.memory_space<vmem_shared>>
      tpu.enqueue_indirect_dma source(%dma_start3A_120 : memref<256x5xf32, #tpu.memory_space<vmem>>) target(%dma_start3A_126 : memref<100352x5xf32, #tpu.memory_space<vmem_shared>>) offsets(%dma_start3A_123 : memref<256xi32, #tpu.memory_space<vmem>>) semaphore(%arg13 : memref<!tpu.dma_semaphore, #tpu.memory_space<semaphore_mem>>) {add = true}
      %dma_wait3A_127 = arith.constant 512 : i32
      %dma_wait3A_128 = arith.constant 0 : i32
      %dma_wait3A_129 = tpu.memref_slice %arg11[%dma_wait3A_127, %dma_wait3A_128] : memref<1024x5xf32, #tpu.memory_space<vmem>> -> memref<256x5xf32, #tpu.memory_space<vmem>>
      %dma_wait3A_130 = arith.constant 512 : i32
      %dma_wait3A_131 = tpu.memref_slice %arg9[%rem3A_28, %dma_wait3A_130] : memref<2x1024xi32, #tpu.memory_space<vmem>> -> memref<1x256xi32, #tpu.memory_space<vmem>>
      %dma_wait3A_132 = tpu.memref_squeeze %dma_wait3A_131 : memref<1x256xi32, #tpu.memory_space<vmem>> -> memref<256xi32, #tpu.memory_space<vmem>>
      %dma_wait3A_133 = arith.constant 0 : i32
      %dma_wait3A_134 = arith.constant 0 : i32
      %dma_wait3A_135 = tpu.memref_slice %arg6[%dma_wait3A_133, %dma_wait3A_134] : memref<100352x5xf32, #tpu.memory_space<vmem_shared>> -> memref<100352x5xf32, #tpu.memory_space<vmem_shared>>
      tpu.wait_indirect_dma semaphore(%arg12 : memref<!tpu.dma_semaphore, #tpu.memory_space<semaphore_mem>>) src(%dma_wait3A_135 : memref<100352x5xf32, #tpu.memory_space<vmem_shared>>) dst(%dma_wait3A_129 : memref<256x5xf32, #tpu.memory_space<vmem>>)
      %dma_start3A_136 = arith.constant 512 : i32
      %dma_start3A_137 = arith.constant 0 : i32
      %dma_start3A_138 = tpu.memref_slice %arg11[%dma_start3A_136, %dma_start3A_137] : memref<1024x5xf32, #tpu.memory_space<vmem>> -> memref<256x5xf32, #tpu.memory_space<vmem>>
      %dma_start3A_139 = arith.constant 512 : i32
      %dma_start3A_140 = tpu.memref_slice %arg10[%rem3A_28, %dma_start3A_139] : memref<2x1024xi32, #tpu.memory_space<vmem>> -> memref<1x256xi32, #tpu.memory_space<vmem>>
      %dma_start3A_141 = tpu.memref_squeeze %dma_start3A_140 : memref<1x256xi32, #tpu.memory_space<vmem>> -> memref<256xi32, #tpu.memory_space<vmem>>
      %dma_start3A_142 = arith.constant 0 : i32
      %dma_start3A_143 = arith.constant 0 : i32
      %dma_start3A_144 = tpu.memref_slice %arg7[%dma_start3A_142, %dma_start3A_143] : memref<100352x5xf32, #tpu.memory_space<vmem_shared>> -> memref<100352x5xf32, #tpu.memory_space<vmem_shared>>
      tpu.enqueue_indirect_dma source(%dma_start3A_138 : memref<256x5xf32, #tpu.memory_space<vmem>>) target(%dma_start3A_144 : memref<100352x5xf32, #tpu.memory_space<vmem_shared>>) offsets(%dma_start3A_141 : memref<256xi32, #tpu.memory_space<vmem>>) semaphore(%arg13 : memref<!tpu.dma_semaphore, #tpu.memory_space<semaphore_mem>>) {add = true}
      %dma_wait3A_145 = arith.constant 768 : i32
      %dma_wait3A_146 = arith.constant 0 : i32
      %dma_wait3A_147 = tpu.memref_slice %arg11[%dma_wait3A_145, %dma_wait3A_146] : memref<1024x5xf32, #tpu.memory_space<vmem>> -> memref<256x5xf32, #tpu.memory_space<vmem>>
      %dma_wait3A_148 = arith.constant 768 : i32
      %dma_wait3A_149 = tpu.memref_slice %arg9[%rem3A_28, %dma_wait3A_148] : memref<2x1024xi32, #tpu.memory_space<vmem>> -> memref<1x256xi32, #tpu.memory_space<vmem>>
      %dma_wait3A_150 = tpu.memref_squeeze %dma_wait3A_149 : memref<1x256xi32, #tpu.memory_space<vmem>> -> memref<256xi32, #tpu.memory_space<vmem>>
      %dma_wait3A_151 = arith.constant 0 : i32
      %dma_wait3A_152 = arith.constant 0 : i32
      %dma_wait3A_153 = tpu.memref_slice %arg6[%dma_wait3A_151, %dma_wait3A_152] : memref<100352x5xf32, #tpu.memory_space<vmem_shared>> -> memref<100352x5xf32, #tpu.memory_space<vmem_shared>>
      tpu.wait_indirect_dma semaphore(%arg12 : memref<!tpu.dma_semaphore, #tpu.memory_space<semaphore_mem>>) src(%dma_wait3A_153 : memref<100352x5xf32, #tpu.memory_space<vmem_shared>>) dst(%dma_wait3A_147 : memref<256x5xf32, #tpu.memory_space<vmem>>)
      %dma_start3A_154 = arith.constant 768 : i32
      %dma_start3A_155 = arith.constant 0 : i32
      %dma_start3A_156 = tpu.memref_slice %arg11[%dma_start3A_154, %dma_start3A_155] : memref<1024x5xf32, #tpu.memory_space<vmem>> -> memref<256x5xf32, #tpu.memory_space<vmem>>
      %dma_start3A_157 = arith.constant 768 : i32
      %dma_start3A_158 = tpu.memref_slice %arg10[%rem3A_28, %dma_start3A_157] : memref<2x1024xi32, #tpu.memory_space<vmem>> -> memref<1x256xi32, #tpu.memory_space<vmem>>
      %dma_start3A_159 = tpu.memref_squeeze %dma_start3A_158 : memref<1x256xi32, #tpu.memory_space<vmem>> -> memref<256xi32, #tpu.memory_space<vmem>>
      %dma_start3A_160 = arith.constant 0 : i32
      %dma_start3A_161 = arith.constant 0 : i32
      %dma_start3A_162 = tpu.memref_slice %arg7[%dma_start3A_160, %dma_start3A_161] : memref<100352x5xf32, #tpu.memory_space<vmem_shared>> -> memref<100352x5xf32, #tpu.memory_space<vmem_shared>>
      tpu.enqueue_indirect_dma source(%dma_start3A_156 : memref<256x5xf32, #tpu.memory_space<vmem>>) target(%dma_start3A_162 : memref<100352x5xf32, #tpu.memory_space<vmem_shared>>) offsets(%dma_start3A_159 : memref<256xi32, #tpu.memory_space<vmem>>) semaphore(%arg13 : memref<!tpu.dma_semaphore, #tpu.memory_space<semaphore_mem>>) {add = true}
      %dma_wait3A_163 = arith.constant 0 : i32
      %dma_wait3A_164 = arith.constant 0 : i32
      %dma_wait3A_165 = tpu.memref_slice %arg11[%dma_wait3A_163, %dma_wait3A_164] : memref<1024x5xf32, #tpu.memory_space<vmem>> -> memref<256x5xf32, #tpu.memory_space<vmem>>
      %dma_wait3A_166 = arith.constant 0 : i32
      %dma_wait3A_167 = tpu.memref_slice %arg10[%rem3A_28, %dma_wait3A_166] : memref<2x1024xi32, #tpu.memory_space<vmem>> -> memref<1x256xi32, #tpu.memory_space<vmem>>
      %dma_wait3A_168 = tpu.memref_squeeze %dma_wait3A_167 : memref<1x256xi32, #tpu.memory_space<vmem>> -> memref<256xi32, #tpu.memory_space<vmem>>
      %dma_wait3A_169 = arith.constant 0 : i32
      %dma_wait3A_170 = arith.constant 0 : i32
      %dma_wait3A_171 = tpu.memref_slice %arg7[%dma_wait3A_169, %dma_wait3A_170] : memref<100352x5xf32, #tpu.memory_space<vmem_shared>> -> memref<100352x5xf32, #tpu.memory_space<vmem_shared>>
      tpu.wait_indirect_dma semaphore(%arg13 : memref<!tpu.dma_semaphore, #tpu.memory_space<semaphore_mem>>) src(%dma_wait3A_165 : memref<256x5xf32, #tpu.memory_space<vmem>>) dst(%dma_wait3A_171 : memref<100352x5xf32, #tpu.memory_space<vmem_shared>>)
      %dma_wait3A_172 = arith.constant 256 : i32
      %dma_wait3A_173 = arith.constant 0 : i32
      %dma_wait3A_174 = tpu.memref_slice %arg11[%dma_wait3A_172, %dma_wait3A_173] : memref<1024x5xf32, #tpu.memory_space<vmem>> -> memref<256x5xf32, #tpu.memory_space<vmem>>
      %dma_wait3A_175 = arith.constant 256 : i32
      %dma_wait3A_176 = tpu.memref_slice %arg10[%rem3A_28, %dma_wait3A_175] : memref<2x1024xi32, #tpu.memory_space<vmem>> -> memref<1x256xi32, #tpu.memory_space<vmem>>
      %dma_wait3A_177 = tpu.memref_squeeze %dma_wait3A_176 : memref<1x256xi32, #tpu.memory_space<vmem>> -> memref<256xi32, #tpu.memory_space<vmem>>
      %dma_wait3A_178 = arith.constant 0 : i32
      %dma_wait3A_179 = arith.constant 0 : i32
      %dma_wait3A_180 = tpu.memref_slice %arg7[%dma_wait3A_178, %dma_wait3A_179] : memref<100352x5xf32, #tpu.memory_space<vmem_shared>> -> memref<100352x5xf32, #tpu.memory_space<vmem_shared>>
      tpu.wait_indirect_dma semaphore(%arg13 : memref<!tpu.dma_semaphore, #tpu.memory_space<semaphore_mem>>) src(%dma_wait3A_174 : memref<256x5xf32, #tpu.memory_space<vmem>>) dst(%dma_wait3A_180 : memref<100352x5xf32, #tpu.memory_space<vmem_shared>>)
      %dma_wait3A_181 = arith.constant 512 : i32
      %dma_wait3A_182 = arith.constant 0 : i32
      %dma_wait3A_183 = tpu.memref_slice %arg11[%dma_wait3A_181, %dma_wait3A_182] : memref<1024x5xf32, #tpu.memory_space<vmem>> -> memref<256x5xf32, #tpu.memory_space<vmem>>
      %dma_wait3A_184 = arith.constant 512 : i32
      %dma_wait3A_185 = tpu.memref_slice %arg10[%rem3A_28, %dma_wait3A_184] : memref<2x1024xi32, #tpu.memory_space<vmem>> -> memref<1x256xi32, #tpu.memory_space<vmem>>
      %dma_wait3A_186 = tpu.memref_squeeze %dma_wait3A_185 : memref<1x256xi32, #tpu.memory_space<vmem>> -> memref<256xi32, #tpu.memory_space<vmem>>
      %dma_wait3A_187 = arith.constant 0 : i32
      %dma_wait3A_188 = arith.constant 0 : i32
      %dma_wait3A_189 = tpu.memref_slice %arg7[%dma_wait3A_187, %dma_wait3A_188] : memref<100352x5xf32, #tpu.memory_space<vmem_shared>> -> memref<100352x5xf32, #tpu.memory_space<vmem_shared>>
      tpu.wait_indirect_dma semaphore(%arg13 : memref<!tpu.dma_semaphore, #tpu.memory_space<semaphore_mem>>) src(%dma_wait3A_183 : memref<256x5xf32, #tpu.memory_space<vmem>>) dst(%dma_wait3A_189 : memref<100352x5xf32, #tpu.memory_space<vmem_shared>>)
      %dma_wait3A_190 = arith.constant 768 : i32
      %dma_wait3A_191 = arith.constant 0 : i32
      %dma_wait3A_192 = tpu.memref_slice %arg11[%dma_wait3A_190, %dma_wait3A_191] : memref<1024x5xf32, #tpu.memory_space<vmem>> -> memref<256x5xf32, #tpu.memory_space<vmem>>
      %dma_wait3A_193 = arith.constant 768 : i32
      %dma_wait3A_194 = tpu.memref_slice %arg10[%rem3A_28, %dma_wait3A_193] : memref<2x1024xi32, #tpu.memory_space<vmem>> -> memref<1x256xi32, #tpu.memory_space<vmem>>
      %dma_wait3A_195 = tpu.memref_squeeze %dma_wait3A_194 : memref<1x256xi32, #tpu.memory_space<vmem>> -> memref<256xi32, #tpu.memory_space<vmem>>
      %dma_wait3A_196 = arith.constant 0 : i32
      %dma_wait3A_197 = arith.constant 0 : i32
      %dma_wait3A_198 = tpu.memref_slice %arg7[%dma_wait3A_196, %dma_wait3A_197] : memref<100352x5xf32, #tpu.memory_space<vmem_shared>> -> memref<100352x5xf32, #tpu.memory_space<vmem_shared>>
      tpu.wait_indirect_dma semaphore(%arg13 : memref<!tpu.dma_semaphore, #tpu.memory_space<semaphore_mem>>) src(%dma_wait3A_192 : memref<256x5xf32, #tpu.memory_space<vmem>>) dst(%dma_wait3A_198 : memref<100352x5xf32, #tpu.memory_space<vmem_shared>>)
      %dma_wait3A_199 = arith.constant 0 : i32
      %dma_wait3A_200 = tpu.memref_slice %arg9[%sub3A_73, %dma_wait3A_199] : memref<2x1024xi32, #tpu.memory_space<vmem>> -> memref<1x1024xi32, #tpu.memory_space<vmem>>
      %dma_wait3A_201 = tpu.memref_squeeze %dma_wait3A_200 : memref<1x1024xi32, #tpu.memory_space<vmem>> -> memref<1024xi32, #tpu.memory_space<vmem>>
      %dma_wait3A_202 = tpu.memref_slice %arg2[%multiple_of3A_36] : memref<6400000xi32, #tpu.memory_space<hbm>> -> memref<1024xi32, #tpu.memory_space<hbm>>
      %dma_wait3A_203 = arith.constant 0 : i32
      %dma_wait3A_204 = tpu.memref_slice %arg9[%sub3A_73, %dma_wait3A_203] : memref<2x1024xi32, #tpu.memory_space<vmem>> -> memref<1x1024xi32, #tpu.memory_space<vmem>>
      %dma_wait3A_205 = tpu.memref_squeeze %dma_wait3A_204 : memref<1x1024xi32, #tpu.memory_space<vmem>> -> memref<1024xi32, #tpu.memory_space<vmem>>
      %dma_wait3A_206 = tpu.memref_slice %arg2[%multiple_of3A_36] : memref<6400000xi32, #tpu.memory_space<hbm>> -> memref<1024xi32, #tpu.memory_space<hbm>>
      tpu.wait_dma2 semaphore(%arg14 : memref<!tpu.dma_semaphore, #tpu.memory_space<semaphore_mem>>) src(%dma_wait3A_206 : memref<1024xi32, #tpu.memory_space<hbm>>) dst(%dma_wait3A_205 : memref<1024xi32, #tpu.memory_space<vmem>>)
      %dma_wait3A_207 = arith.constant 0 : i32
      %dma_wait3A_208 = tpu.memref_slice %arg10[%sub3A_83, %dma_wait3A_207] : memref<2x1024xi32, #tpu.memory_space<vmem>> -> memref<1x1024xi32, #tpu.memory_space<vmem>>
      %dma_wait3A_209 = tpu.memref_squeeze %dma_wait3A_208 : memref<1x1024xi32, #tpu.memory_space<vmem>> -> memref<1024xi32, #tpu.memory_space<vmem>>
      %dma_wait3A_210 = tpu.memref_slice %arg3[%multiple_of3A_36] : memref<6400000xi32, #tpu.memory_space<hbm>> -> memref<1024xi32, #tpu.memory_space<hbm>>
      %dma_wait3A_211 = arith.constant 0 : i32
      %dma_wait3A_212 = tpu.memref_slice %arg10[%sub3A_83, %dma_wait3A_211] : memref<2x1024xi32, #tpu.memory_space<vmem>> -> memref<1x1024xi32, #tpu.memory_space<vmem>>
      %dma_wait3A_213 = tpu.memref_squeeze %dma_wait3A_212 : memref<1x1024xi32, #tpu.memory_space<vmem>> -> memref<1024xi32, #tpu.memory_space<vmem>>
      %dma_wait3A_214 = tpu.memref_slice %arg3[%multiple_of3A_36] : memref<6400000xi32, #tpu.memory_space<hbm>> -> memref<1024xi32, #tpu.memory_space<hbm>>
      tpu.wait_dma2 semaphore(%arg14 : memref<!tpu.dma_semaphore, #tpu.memory_space<semaphore_mem>>) src(%dma_wait3A_214 : memref<1024xi32, #tpu.memory_space<hbm>>) dst(%dma_wait3A_213 : memref<1024xi32, #tpu.memory_space<vmem>>)
      %while3A_215 = arith.constant 0 : i32
      scf.yield %while3A_215 : i32
    }
    %while3A_23 = arith.constant 1 : i32
    %while3A_24 = scf.for %while3A_26 = %while3A_20 to %while3A_16 step %while3A_23 iter_args(%while3A_27 = %while3A_22) -> (i32)  : i32 {
      %rem3A = arith.constant 2 : i32
      %rem3A_28 = arith.remsi %while3A_26, %rem3A : i32
      %add3A_29 = arith.constant 1 : i32
      %add3A_30 = arith.addi %while3A_26, %add3A_29 : i32
      %sub3A = arith.constant 1 : i32
      %sub3A_31 = arith.subi %add3A_10, %sub3A : i32
      %min3A_32 = arith.minsi %add3A_30, %sub3A_31 : i32
      %add3A_33 = arith.addi %add3A_6, %min3A_32 : i32
      %mul3A_34 = arith.constant 1024 : i32
      %mul3A_35 = arith.muli %add3A_33, %mul3A_34 : i32
      %multiple_of3A_36 = tpu.assume_multiple %mul3A_35, 1024 : i32
      %dma_start3A = arith.constant 0 : i32
      %dma_start3A_37 = arith.constant 0 : i32
      %dma_start3A_38 = tpu.memref_slice %arg11[%dma_start3A, %dma_start3A_37] : memref<1024x5xf32, #tpu.memory_space<vmem>> -> memref<256x5xf32, #tpu.memory_space<vmem>>
      %dma_start3A_39 = arith.constant 0 : i32
      %dma_start3A_40 = tpu.memref_slice %arg9[%rem3A_28, %dma_start3A_39] : memref<2x1024xi32, #tpu.memory_space<vmem>> -> memref<1x256xi32, #tpu.memory_space<vmem>>
      %dma_start3A_41 = tpu.memref_squeeze %dma_start3A_40 : memref<1x256xi32, #tpu.memory_space<vmem>> -> memref<256xi32, #tpu.memory_space<vmem>>
      %dma_start3A_42 = arith.constant 0 : i32
      %dma_start3A_43 = arith.constant 0 : i32
      %dma_start3A_44 = tpu.memref_slice %arg6[%dma_start3A_42, %dma_start3A_43] : memref<100352x5xf32, #tpu.memory_space<vmem_shared>> -> memref<100352x5xf32, #tpu.memory_space<vmem_shared>>
      tpu.enqueue_indirect_dma source(%dma_start3A_44 : memref<100352x5xf32, #tpu.memory_space<vmem_shared>>) target(%dma_start3A_38 : memref<256x5xf32, #tpu.memory_space<vmem>>) offsets(%dma_start3A_41 : memref<256xi32, #tpu.memory_space<vmem>>) semaphore(%arg12 : memref<!tpu.dma_semaphore, #tpu.memory_space<semaphore_mem>>)
      %dma_start3A_45 = arith.constant 256 : i32
      %dma_start3A_46 = arith.constant 0 : i32
      %dma_start3A_47 = tpu.memref_slice %arg11[%dma_start3A_45, %dma_start3A_46] : memref<1024x5xf32, #tpu.memory_space<vmem>> -> memref<256x5xf32, #tpu.memory_space<vmem>>
      %dma_start3A_48 = arith.constant 256 : i32
      %dma_start3A_49 = tpu.memref_slice %arg9[%rem3A_28, %dma_start3A_48] : memref<2x1024xi32, #tpu.memory_space<vmem>> -> memref<1x256xi32, #tpu.memory_space<vmem>>
      %dma_start3A_50 = tpu.memref_squeeze %dma_start3A_49 : memref<1x256xi32, #tpu.memory_space<vmem>> -> memref<256xi32, #tpu.memory_space<vmem>>
      %dma_start3A_51 = arith.constant 0 : i32
      %dma_start3A_52 = arith.constant 0 : i32
      %dma_start3A_53 = tpu.memref_slice %arg6[%dma_start3A_51, %dma_start3A_52] : memref<100352x5xf32, #tpu.memory_space<vmem_shared>> -> memref<100352x5xf32, #tpu.memory_space<vmem_shared>>
      tpu.enqueue_indirect_dma source(%dma_start3A_53 : memref<100352x5xf32, #tpu.memory_space<vmem_shared>>) target(%dma_start3A_47 : memref<256x5xf32, #tpu.memory_space<vmem>>) offsets(%dma_start3A_50 : memref<256xi32, #tpu.memory_space<vmem>>) semaphore(%arg12 : memref<!tpu.dma_semaphore, #tpu.memory_space<semaphore_mem>>)
      %dma_start3A_54 = arith.constant 512 : i32
      %dma_start3A_55 = arith.constant 0 : i32
      %dma_start3A_56 = tpu.memref_slice %arg11[%dma_start3A_54, %dma_start3A_55] : memref<1024x5xf32, #tpu.memory_space<vmem>> -> memref<256x5xf32, #tpu.memory_space<vmem>>
      %dma_start3A_57 = arith.constant 512 : i32
      %dma_start3A_58 = tpu.memref_slice %arg9[%rem3A_28, %dma_start3A_57] : memref<2x1024xi32, #tpu.memory_space<vmem>> -> memref<1x256xi32, #tpu.memory_space<vmem>>
      %dma_start3A_59 = tpu.memref_squeeze %dma_start3A_58 : memref<1x256xi32, #tpu.memory_space<vmem>> -> memref<256xi32, #tpu.memory_space<vmem>>
      %dma_start3A_60 = arith.constant 0 : i32
      %dma_start3A_61 = arith.constant 0 : i32
      %dma_start3A_62 = tpu.memref_slice %arg6[%dma_start3A_60, %dma_start3A_61] : memref<100352x5xf32, #tpu.memory_space<vmem_shared>> -> memref<100352x5xf32, #tpu.memory_space<vmem_shared>>
      tpu.enqueue_indirect_dma source(%dma_start3A_62 : memref<100352x5xf32, #tpu.memory_space<vmem_shared>>) target(%dma_start3A_56 : memref<256x5xf32, #tpu.memory_space<vmem>>) offsets(%dma_start3A_59 : memref<256xi32, #tpu.memory_space<vmem>>) semaphore(%arg12 : memref<!tpu.dma_semaphore, #tpu.memory_space<semaphore_mem>>)
      %dma_start3A_63 = arith.constant 768 : i32
      %dma_start3A_64 = arith.constant 0 : i32
      %dma_start3A_65 = tpu.memref_slice %arg11[%dma_start3A_63, %dma_start3A_64] : memref<1024x5xf32, #tpu.memory_space<vmem>> -> memref<256x5xf32, #tpu.memory_space<vmem>>
      %dma_start3A_66 = arith.constant 768 : i32
      %dma_start3A_67 = tpu.memref_slice %arg9[%rem3A_28, %dma_start3A_66] : memref<2x1024xi32, #tpu.memory_space<vmem>> -> memref<1x256xi32, #tpu.memory_space<vmem>>
      %dma_start3A_68 = tpu.memref_squeeze %dma_start3A_67 : memref<1x256xi32, #tpu.memory_space<vmem>> -> memref<256xi32, #tpu.memory_space<vmem>>
      %dma_start3A_69 = arith.constant 0 : i32
      %dma_start3A_70 = arith.constant 0 : i32
      %dma_start3A_71 = tpu.memref_slice %arg6[%dma_start3A_69, %dma_start3A_70] : memref<100352x5xf32, #tpu.memory_space<vmem_shared>> -> memref<100352x5xf32, #tpu.memory_space<vmem_shared>>
      tpu.enqueue_indirect_dma source(%dma_start3A_71 : memref<100352x5xf32, #tpu.memory_space<vmem_shared>>) target(%dma_start3A_65 : memref<256x5xf32, #tpu.memory_space<vmem>>) offsets(%dma_start3A_68 : memref<256xi32, #tpu.memory_space<vmem>>) semaphore(%arg12 : memref<!tpu.dma_semaphore, #tpu.memory_space<semaphore_mem>>)
      %sub3A_72 = arith.constant 1 : i32
      %sub3A_73 = arith.subi %sub3A_72, %rem3A_28 : i32
      %dma_start3A_74 = arith.constant 0 : i32
      %dma_start3A_75 = tpu.memref_slice %arg9[%sub3A_73, %dma_start3A_74] : memref<2x1024xi32, #tpu.memory_space<vmem>> -> memref<1x1024xi32, #tpu.memory_space<vmem>>
      %dma_start3A_76 = tpu.memref_squeeze %dma_start3A_75 : memref<1x1024xi32, #tpu.memory_space<vmem>> -> memref<1024xi32, #tpu.memory_space<vmem>>
      %dma_start3A_77 = tpu.memref_slice %arg2[%multiple_of3A_36] : memref<6400000xi32, #tpu.memory_space<hbm>> -> memref<1024xi32, #tpu.memory_space<hbm>>
      %dma_start3A_78 = arith.constant 0 : i32
      %dma_start3A_79 = tpu.memref_slice %arg9[%sub3A_73, %dma_start3A_78] : memref<2x1024xi32, #tpu.memory_space<vmem>> -> memref<1x1024xi32, #tpu.memory_space<vmem>>
      %dma_start3A_80 = tpu.memref_squeeze %dma_start3A_79 : memref<1x1024xi32, #tpu.memory_space<vmem>> -> memref<1024xi32, #tpu.memory_space<vmem>>
      %dma_start3A_81 = tpu.memref_slice %arg2[%multiple_of3A_36] : memref<6400000xi32, #tpu.memory_space<hbm>> -> memref<1024xi32, #tpu.memory_space<hbm>>
      tpu.enqueue_dma source(%dma_start3A_81 : memref<1024xi32, #tpu.memory_space<hbm>>) target(%dma_start3A_80 : memref<1024xi32, #tpu.memory_space<vmem>>) target_semaphore(%arg14 : memref<!tpu.dma_semaphore, #tpu.memory_space<semaphore_mem>>)
      %sub3A_82 = arith.constant 1 : i32
      %sub3A_83 = arith.subi %sub3A_82, %rem3A_28 : i32
      %dma_start3A_84 = arith.constant 0 : i32
      %dma_start3A_85 = tpu.memref_slice %arg10[%sub3A_83, %dma_start3A_84] : memref<2x1024xi32, #tpu.memory_space<vmem>> -> memref<1x1024xi32, #tpu.memory_space<vmem>>
      %dma_start3A_86 = tpu.memref_squeeze %dma_start3A_85 : memref<1x1024xi32, #tpu.memory_space<vmem>> -> memref<1024xi32, #tpu.memory_space<vmem>>
      %dma_start3A_87 = tpu.memref_slice %arg3[%multiple_of3A_36] : memref<6400000xi32, #tpu.memory_space<hbm>> -> memref<1024xi32, #tpu.memory_space<hbm>>
      %dma_start3A_88 = arith.constant 0 : i32
      %dma_start3A_89 = tpu.memref_slice %arg10[%sub3A_83, %dma_start3A_88] : memref<2x1024xi32, #tpu.memory_space<vmem>> -> memref<1x1024xi32, #tpu.memory_space<vmem>>
      %dma_start3A_90 = tpu.memref_squeeze %dma_start3A_89 : memref<1x1024xi32, #tpu.memory_space<vmem>> -> memref<1024xi32, #tpu.memory_space<vmem>>
      %dma_start3A_91 = tpu.memref_slice %arg3[%multiple_of3A_36] : memref<6400000xi32, #tpu.memory_space<hbm>> -> memref<1024xi32, #tpu.memory_space<hbm>>
      tpu.enqueue_dma source(%dma_start3A_91 : memref<1024xi32, #tpu.memory_space<hbm>>) target(%dma_start3A_90 : memref<1024xi32, #tpu.memory_space<vmem>>) target_semaphore(%arg14 : memref<!tpu.dma_semaphore, #tpu.memory_space<semaphore_mem>>)
      %dma_wait3A = arith.constant 0 : i32
      %dma_wait3A_92 = arith.constant 0 : i32
      %dma_wait3A_93 = tpu.memref_slice %arg11[%dma_wait3A, %dma_wait3A_92] : memref<1024x5xf32, #tpu.memory_space<vmem>> -> memref<256x5xf32, #tpu.memory_space<vmem>>
      %dma_wait3A_94 = arith.constant 0 : i32
      %dma_wait3A_95 = tpu.memref_slice %arg9[%rem3A_28, %dma_wait3A_94] : memref<2x1024xi32, #tpu.memory_space<vmem>> -> memref<1x256xi32, #tpu.memory_space<vmem>>
      %dma_wait3A_96 = tpu.memref_squeeze %dma_wait3A_95 : memref<1x256xi32, #tpu.memory_space<vmem>> -> memref<256xi32, #tpu.memory_space<vmem>>
      %dma_wait3A_97 = arith.constant 0 : i32
      %dma_wait3A_98 = arith.constant 0 : i32
      %dma_wait3A_99 = tpu.memref_slice %arg6[%dma_wait3A_97, %dma_wait3A_98] : memref<100352x5xf32, #tpu.memory_space<vmem_shared>> -> memref<100352x5xf32, #tpu.memory_space<vmem_shared>>
      tpu.wait_indirect_dma semaphore(%arg12 : memref<!tpu.dma_semaphore, #tpu.memory_space<semaphore_mem>>) src(%dma_wait3A_99 : memref<100352x5xf32, #tpu.memory_space<vmem_shared>>) dst(%dma_wait3A_93 : memref<256x5xf32, #tpu.memory_space<vmem>>)
      %dma_start3A_100 = arith.constant 0 : i32
      %dma_start3A_101 = arith.constant 0 : i32
      %dma_start3A_102 = tpu.memref_slice %arg11[%dma_start3A_100, %dma_start3A_101] : memref<1024x5xf32, #tpu.memory_space<vmem>> -> memref<256x5xf32, #tpu.memory_space<vmem>>
      %dma_start3A_103 = arith.constant 0 : i32
      %dma_start3A_104 = tpu.memref_slice %arg10[%rem3A_28, %dma_start3A_103] : memref<2x1024xi32, #tpu.memory_space<vmem>> -> memref<1x256xi32, #tpu.memory_space<vmem>>
      %dma_start3A_105 = tpu.memref_squeeze %dma_start3A_104 : memref<1x256xi32, #tpu.memory_space<vmem>> -> memref<256xi32, #tpu.memory_space<vmem>>
      %dma_start3A_106 = arith.constant 0 : i32
      %dma_start3A_107 = arith.constant 0 : i32
      %dma_start3A_108 = tpu.memref_slice %arg7[%dma_start3A_106, %dma_start3A_107] : memref<100352x5xf32, #tpu.memory_space<vmem_shared>> -> memref<100352x5xf32, #tpu.memory_space<vmem_shared>>
      tpu.enqueue_indirect_dma source(%dma_start3A_102 : memref<256x5xf32, #tpu.memory_space<vmem>>) target(%dma_start3A_108 : memref<100352x5xf32, #tpu.memory_space<vmem_shared>>) offsets(%dma_start3A_105 : memref<256xi32, #tpu.memory_space<vmem>>) semaphore(%arg13 : memref<!tpu.dma_semaphore, #tpu.memory_space<semaphore_mem>>) {add = true}
      %dma_wait3A_109 = arith.constant 256 : i32
      %dma_wait3A_110 = arith.constant 0 : i32
      %dma_wait3A_111 = tpu.memref_slice %arg11[%dma_wait3A_109, %dma_wait3A_110] : memref<1024x5xf32, #tpu.memory_space<vmem>> -> memref<256x5xf32, #tpu.memory_space<vmem>>
      %dma_wait3A_112 = arith.constant 256 : i32
      %dma_wait3A_113 = tpu.memref_slice %arg9[%rem3A_28, %dma_wait3A_112] : memref<2x1024xi32, #tpu.memory_space<vmem>> -> memref<1x256xi32, #tpu.memory_space<vmem>>
      %dma_wait3A_114 = tpu.memref_squeeze %dma_wait3A_113 : memref<1x256xi32, #tpu.memory_space<vmem>> -> memref<256xi32, #tpu.memory_space<vmem>>
      %dma_wait3A_115 = arith.constant 0 : i32
      %dma_wait3A_116 = arith.constant 0 : i32
      %dma_wait3A_117 = tpu.memref_slice %arg6[%dma_wait3A_115, %dma_wait3A_116] : memref<100352x5xf32, #tpu.memory_space<vmem_shared>> -> memref<100352x5xf32, #tpu.memory_space<vmem_shared>>
      tpu.wait_indirect_dma semaphore(%arg12 : memref<!tpu.dma_semaphore, #tpu.memory_space<semaphore_mem>>) src(%dma_wait3A_117 : memref<100352x5xf32, #tpu.memory_space<vmem_shared>>) dst(%dma_wait3A_111 : memref<256x5xf32, #tpu.memory_space<vmem>>)
      %dma_start3A_118 = arith.constant 256 : i32
      %dma_start3A_119 = arith.constant 0 : i32
      %dma_start3A_120 = tpu.memref_slice %arg11[%dma_start3A_118, %dma_start3A_119] : memref<1024x5xf32, #tpu.memory_space<vmem>> -> memref<256x5xf32, #tpu.memory_space<vmem>>
      %dma_start3A_121 = arith.constant 256 : i32
      %dma_start3A_122 = tpu.memref_slice %arg10[%rem3A_28, %dma_start3A_121] : memref<2x1024xi32, #tpu.memory_space<vmem>> -> memref<1x256xi32, #tpu.memory_space<vmem>>
      %dma_start3A_123 = tpu.memref_squeeze %dma_start3A_122 : memref<1x256xi32, #tpu.memory_space<vmem>> -> memref<256xi32, #tpu.memory_space<vmem>>
      %dma_start3A_124 = arith.constant 0 : i32
      %dma_start3A_125 = arith.constant 0 : i32
      %dma_start3A_126 = tpu.memref_slice %arg7[%dma_start3A_124, %dma_start3A_125] : memref<100352x5xf32, #tpu.memory_space<vmem_shared>> -> memref<100352x5xf32, #tpu.memory_space<vmem_shared>>
      tpu.enqueue_indirect_dma source(%dma_start3A_120 : memref<256x5xf32, #tpu.memory_space<vmem>>) target(%dma_start3A_126 : memref<100352x5xf32, #tpu.memory_space<vmem_shared>>) offsets(%dma_start3A_123 : memref<256xi32, #tpu.memory_space<vmem>>) semaphore(%arg13 : memref<!tpu.dma_semaphore, #tpu.memory_space<semaphore_mem>>) {add = true}
      %dma_wait3A_127 = arith.constant 512 : i32
      %dma_wait3A_128 = arith.constant 0 : i32
      %dma_wait3A_129 = tpu.memref_slice %arg11[%dma_wait3A_127, %dma_wait3A_128] : memref<1024x5xf32, #tpu.memory_space<vmem>> -> memref<256x5xf32, #tpu.memory_space<vmem>>
      %dma_wait3A_130 = arith.constant 512 : i32
      %dma_wait3A_131 = tpu.memref_slice %arg9[%rem3A_28, %dma_wait3A_130] : memref<2x1024xi32, #tpu.memory_space<vmem>> -> memref<1x256xi32, #tpu.memory_space<vmem>>
      %dma_wait3A_132 = tpu.memref_squeeze %dma_wait3A_131 : memref<1x256xi32, #tpu.memory_space<vmem>> -> memref<256xi32, #tpu.memory_space<vmem>>
      %dma_wait3A_133 = arith.constant 0 : i32
      %dma_wait3A_134 = arith.constant 0 : i32
      %dma_wait3A_135 = tpu.memref_slice %arg6[%dma_wait3A_133, %dma_wait3A_134] : memref<100352x5xf32, #tpu.memory_space<vmem_shared>> -> memref<100352x5xf32, #tpu.memory_space<vmem_shared>>
      tpu.wait_indirect_dma semaphore(%arg12 : memref<!tpu.dma_semaphore, #tpu.memory_space<semaphore_mem>>) src(%dma_wait3A_135 : memref<100352x5xf32, #tpu.memory_space<vmem_shared>>) dst(%dma_wait3A_129 : memref<256x5xf32, #tpu.memory_space<vmem>>)
      %dma_start3A_136 = arith.constant 512 : i32
      %dma_start3A_137 = arith.constant 0 : i32
      %dma_start3A_138 = tpu.memref_slice %arg11[%dma_start3A_136, %dma_start3A_137] : memref<1024x5xf32, #tpu.memory_space<vmem>> -> memref<256x5xf32, #tpu.memory_space<vmem>>
      %dma_start3A_139 = arith.constant 512 : i32
      %dma_start3A_140 = tpu.memref_slice %arg10[%rem3A_28, %dma_start3A_139] : memref<2x1024xi32, #tpu.memory_space<vmem>> -> memref<1x256xi32, #tpu.memory_space<vmem>>
      %dma_start3A_141 = tpu.memref_squeeze %dma_start3A_140 : memref<1x256xi32, #tpu.memory_space<vmem>> -> memref<256xi32, #tpu.memory_space<vmem>>
      %dma_start3A_142 = arith.constant 0 : i32
      %dma_start3A_143 = arith.constant 0 : i32
      %dma_start3A_144 = tpu.memref_slice %arg7[%dma_start3A_142, %dma_start3A_143] : memref<100352x5xf32, #tpu.memory_space<vmem_shared>> -> memref<100352x5xf32, #tpu.memory_space<vmem_shared>>
      tpu.enqueue_indirect_dma source(%dma_start3A_138 : memref<256x5xf32, #tpu.memory_space<vmem>>) target(%dma_start3A_144 : memref<100352x5xf32, #tpu.memory_space<vmem_shared>>) offsets(%dma_start3A_141 : memref<256xi32, #tpu.memory_space<vmem>>) semaphore(%arg13 : memref<!tpu.dma_semaphore, #tpu.memory_space<semaphore_mem>>) {add = true}
      %dma_wait3A_145 = arith.constant 768 : i32
      %dma_wait3A_146 = arith.constant 0 : i32
      %dma_wait3A_147 = tpu.memref_slice %arg11[%dma_wait3A_145, %dma_wait3A_146] : memref<1024x5xf32, #tpu.memory_space<vmem>> -> memref<256x5xf32, #tpu.memory_space<vmem>>
      %dma_wait3A_148 = arith.constant 768 : i32
      %dma_wait3A_149 = tpu.memref_slice %arg9[%rem3A_28, %dma_wait3A_148] : memref<2x1024xi32, #tpu.memory_space<vmem>> -> memref<1x256xi32, #tpu.memory_space<vmem>>
      %dma_wait3A_150 = tpu.memref_squeeze %dma_wait3A_149 : memref<1x256xi32, #tpu.memory_space<vmem>> -> memref<256xi32, #tpu.memory_space<vmem>>
      %dma_wait3A_151 = arith.constant 0 : i32
      %dma_wait3A_152 = arith.constant 0 : i32
      %dma_wait3A_153 = tpu.memref_slice %arg6[%dma_wait3A_151, %dma_wait3A_152] : memref<100352x5xf32, #tpu.memory_space<vmem_shared>> -> memref<100352x5xf32, #tpu.memory_space<vmem_shared>>
      tpu.wait_indirect_dma semaphore(%arg12 : memref<!tpu.dma_semaphore, #tpu.memory_space<semaphore_mem>>) src(%dma_wait3A_153 : memref<100352x5xf32, #tpu.memory_space<vmem_shared>>) dst(%dma_wait3A_147 : memref<256x5xf32, #tpu.memory_space<vmem>>)
      %dma_start3A_154 = arith.constant 768 : i32
      %dma_start3A_155 = arith.constant 0 : i32
      %dma_start3A_156 = tpu.memref_slice %arg11[%dma_start3A_154, %dma_start3A_155] : memref<1024x5xf32, #tpu.memory_space<vmem>> -> memref<256x5xf32, #tpu.memory_space<vmem>>
      %dma_start3A_157 = arith.constant 768 : i32
      %dma_start3A_158 = tpu.memref_slice %arg10[%rem3A_28, %dma_start3A_157] : memref<2x1024xi32, #tpu.memory_space<vmem>> -> memref<1x256xi32, #tpu.memory_space<vmem>>
      %dma_start3A_159 = tpu.memref_squeeze %dma_start3A_158 : memref<1x256xi32, #tpu.memory_space<vmem>> -> memref<256xi32, #tpu.memory_space<vmem>>
      %dma_start3A_160 = arith.constant 0 : i32
      %dma_start3A_161 = arith.constant 0 : i32
      %dma_start3A_162 = tpu.memref_slice %arg7[%dma_start3A_160, %dma_start3A_161] : memref<100352x5xf32, #tpu.memory_space<vmem_shared>> -> memref<100352x5xf32, #tpu.memory_space<vmem_shared>>
      tpu.enqueue_indirect_dma source(%dma_start3A_156 : memref<256x5xf32, #tpu.memory_space<vmem>>) target(%dma_start3A_162 : memref<100352x5xf32, #tpu.memory_space<vmem_shared>>) offsets(%dma_start3A_159 : memref<256xi32, #tpu.memory_space<vmem>>) semaphore(%arg13 : memref<!tpu.dma_semaphore, #tpu.memory_space<semaphore_mem>>) {add = true}
      %dma_wait3A_163 = arith.constant 0 : i32
      %dma_wait3A_164 = arith.constant 0 : i32
      %dma_wait3A_165 = tpu.memref_slice %arg11[%dma_wait3A_163, %dma_wait3A_164] : memref<1024x5xf32, #tpu.memory_space<vmem>> -> memref<256x5xf32, #tpu.memory_space<vmem>>
      %dma_wait3A_166 = arith.constant 0 : i32
      %dma_wait3A_167 = tpu.memref_slice %arg10[%rem3A_28, %dma_wait3A_166] : memref<2x1024xi32, #tpu.memory_space<vmem>> -> memref<1x256xi32, #tpu.memory_space<vmem>>
      %dma_wait3A_168 = tpu.memref_squeeze %dma_wait3A_167 : memref<1x256xi32, #tpu.memory_space<vmem>> -> memref<256xi32, #tpu.memory_space<vmem>>
      %dma_wait3A_169 = arith.constant 0 : i32
      %dma_wait3A_170 = arith.constant 0 : i32
      %dma_wait3A_171 = tpu.memref_slice %arg7[%dma_wait3A_169, %dma_wait3A_170] : memref<100352x5xf32, #tpu.memory_space<vmem_shared>> -> memref<100352x5xf32, #tpu.memory_space<vmem_shared>>
      tpu.wait_indirect_dma semaphore(%arg13 : memref<!tpu.dma_semaphore, #tpu.memory_space<semaphore_mem>>) src(%dma_wait3A_165 : memref<256x5xf32, #tpu.memory_space<vmem>>) dst(%dma_wait3A_171 : memref<100352x5xf32, #tpu.memory_space<vmem_shared>>)
      %dma_wait3A_172 = arith.constant 256 : i32
      %dma_wait3A_173 = arith.constant 0 : i32
      %dma_wait3A_174 = tpu.memref_slice %arg11[%dma_wait3A_172, %dma_wait3A_173] : memref<1024x5xf32, #tpu.memory_space<vmem>> -> memref<256x5xf32, #tpu.memory_space<vmem>>
      %dma_wait3A_175 = arith.constant 256 : i32
      %dma_wait3A_176 = tpu.memref_slice %arg10[%rem3A_28, %dma_wait3A_175] : memref<2x1024xi32, #tpu.memory_space<vmem>> -> memref<1x256xi32, #tpu.memory_space<vmem>>
      %dma_wait3A_177 = tpu.memref_squeeze %dma_wait3A_176 : memref<1x256xi32, #tpu.memory_space<vmem>> -> memref<256xi32, #tpu.memory_space<vmem>>
      %dma_wait3A_178 = arith.constant 0 : i32
      %dma_wait3A_179 = arith.constant 0 : i32
      %dma_wait3A_180 = tpu.memref_slice %arg7[%dma_wait3A_178, %dma_wait3A_179] : memref<100352x5xf32, #tpu.memory_space<vmem_shared>> -> memref<100352x5xf32, #tpu.memory_space<vmem_shared>>
      tpu.wait_indirect_dma semaphore(%arg13 : memref<!tpu.dma_semaphore, #tpu.memory_space<semaphore_mem>>) src(%dma_wait3A_174 : memref<256x5xf32, #tpu.memory_space<vmem>>) dst(%dma_wait3A_180 : memref<100352x5xf32, #tpu.memory_space<vmem_shared>>)
      %dma_wait3A_181 = arith.constant 512 : i32
      %dma_wait3A_182 = arith.constant 0 : i32
      %dma_wait3A_183 = tpu.memref_slice %arg11[%dma_wait3A_181, %dma_wait3A_182] : memref<1024x5xf32, #tpu.memory_space<vmem>> -> memref<256x5xf32, #tpu.memory_space<vmem>>
      %dma_wait3A_184 = arith.constant 512 : i32
      %dma_wait3A_185 = tpu.memref_slice %arg10[%rem3A_28, %dma_wait3A_184] : memref<2x1024xi32, #tpu.memory_space<vmem>> -> memref<1x256xi32, #tpu.memory_space<vmem>>
      %dma_wait3A_186 = tpu.memref_squeeze %dma_wait3A_185 : memref<1x256xi32, #tpu.memory_space<vmem>> -> memref<256xi32, #tpu.memory_space<vmem>>
      %dma_wait3A_187 = arith.constant 0 : i32
      %dma_wait3A_188 = arith.constant 0 : i32
      %dma_wait3A_189 = tpu.memref_slice %arg7[%dma_wait3A_187, %dma_wait3A_188] : memref<100352x5xf32, #tpu.memory_space<vmem_shared>> -> memref<100352x5xf32, #tpu.memory_space<vmem_shared>>
      tpu.wait_indirect_dma semaphore(%arg13 : memref<!tpu.dma_semaphore, #tpu.memory_space<semaphore_mem>>) src(%dma_wait3A_183 : memref<256x5xf32, #tpu.memory_space<vmem>>) dst(%dma_wait3A_189 : memref<100352x5xf32, #tpu.memory_space<vmem_shared>>)
      %dma_wait3A_190 = arith.constant 768 : i32
      %dma_wait3A_191 = arith.constant 0 : i32
      %dma_wait3A_192 = tpu.memref_slice %arg11[%dma_wait3A_190, %dma_wait3A_191] : memref<1024x5xf32, #tpu.memory_space<vmem>> -> memref<256x5xf32, #tpu.memory_space<vmem>>
      %dma_wait3A_193 = arith.constant 768 : i32
      %dma_wait3A_194 = tpu.memref_slice %arg10[%rem3A_28, %dma_wait3A_193] : memref<2x1024xi32, #tpu.memory_space<vmem>> -> memref<1x256xi32, #tpu.memory_space<vmem>>
      %dma_wait3A_195 = tpu.memref_squeeze %dma_wait3A_194 : memref<1x256xi32, #tpu.memory_space<vmem>> -> memref<256xi32, #tpu.memory_space<vmem>>
      %dma_wait3A_196 = arith.constant 0 : i32
      %dma_wait3A_197 = arith.constant 0 : i32
      %dma_wait3A_198 = tpu.memref_slice %arg7[%dma_wait3A_196, %dma_wait3A_197] : memref<100352x5xf32, #tpu.memory_space<vmem_shared>> -> memref<100352x5xf32, #tpu.memory_space<vmem_shared>>
      tpu.wait_indirect_dma semaphore(%arg13 : memref<!tpu.dma_semaphore, #tpu.memory_space<semaphore_mem>>) src(%dma_wait3A_192 : memref<256x5xf32, #tpu.memory_space<vmem>>) dst(%dma_wait3A_198 : memref<100352x5xf32, #tpu.memory_space<vmem_shared>>)
      %dma_wait3A_199 = arith.constant 0 : i32
      %dma_wait3A_200 = tpu.memref_slice %arg9[%sub3A_73, %dma_wait3A_199] : memref<2x1024xi32, #tpu.memory_space<vmem>> -> memref<1x1024xi32, #tpu.memory_space<vmem>>
      %dma_wait3A_201 = tpu.memref_squeeze %dma_wait3A_200 : memref<1x1024xi32, #tpu.memory_space<vmem>> -> memref<1024xi32, #tpu.memory_space<vmem>>
      %dma_wait3A_202 = tpu.memref_slice %arg2[%multiple_of3A_36] : memref<6400000xi32, #tpu.memory_space<hbm>> -> memref<1024xi32, #tpu.memory_space<hbm>>
      %dma_wait3A_203 = arith.constant 0 : i32
      %dma_wait3A_204 = tpu.memref_slice %arg9[%sub3A_73, %dma_wait3A_203] : memref<2x1024xi32, #tpu.memory_space<vmem>> -> memref<1x1024xi32, #tpu.memory_space<vmem>>
      %dma_wait3A_205 = tpu.memref_squeeze %dma_wait3A_204 : memref<1x1024xi32, #tpu.memory_space<vmem>> -> memref<1024xi32, #tpu.memory_space<vmem>>
      %dma_wait3A_206 = tpu.memref_slice %arg2[%multiple_of3A_36] : memref<6400000xi32, #tpu.memory_space<hbm>> -> memref<1024xi32, #tpu.memory_space<hbm>>
      tpu.wait_dma2 semaphore(%arg14 : memref<!tpu.dma_semaphore, #tpu.memory_space<semaphore_mem>>) src(%dma_wait3A_206 : memref<1024xi32, #tpu.memory_space<hbm>>) dst(%dma_wait3A_205 : memref<1024xi32, #tpu.memory_space<vmem>>)
      %dma_wait3A_207 = arith.constant 0 : i32
      %dma_wait3A_208 = tpu.memref_slice %arg10[%sub3A_83, %dma_wait3A_207] : memref<2x1024xi32, #tpu.memory_space<vmem>> -> memref<1x1024xi32, #tpu.memory_space<vmem>>
      %dma_wait3A_209 = tpu.memref_squeeze %dma_wait3A_208 : memref<1x1024xi32, #tpu.memory_space<vmem>> -> memref<1024xi32, #tpu.memory_space<vmem>>
      %dma_wait3A_210 = tpu.memref_slice %arg3[%multiple_of3A_36] : memref<6400000xi32, #tpu.memory_space<hbm>> -> memref<1024xi32, #tpu.memory_space<hbm>>
      %dma_wait3A_211 = arith.constant 0 : i32
      %dma_wait3A_212 = tpu.memref_slice %arg10[%sub3A_83, %dma_wait3A_211] : memref<2x1024xi32, #tpu.memory_space<vmem>> -> memref<1x1024xi32, #tpu.memory_space<vmem>>
      %dma_wait3A_213 = tpu.memref_squeeze %dma_wait3A_212 : memref<1x1024xi32, #tpu.memory_space<vmem>> -> memref<1024xi32, #tpu.memory_space<vmem>>
      %dma_wait3A_214 = tpu.memref_slice %arg3[%multiple_of3A_36] : memref<6400000xi32, #tpu.memory_space<hbm>> -> memref<1024xi32, #tpu.memory_space<hbm>>
      tpu.wait_dma2 semaphore(%arg14 : memref<!tpu.dma_semaphore, #tpu.memory_space<semaphore_mem>>) src(%dma_wait3A_214 : memref<1024xi32, #tpu.memory_space<hbm>>) dst(%dma_wait3A_213 : memref<1024xi32, #tpu.memory_space<vmem>>)
      %while3A_215 = arith.constant 0 : i32
      scf.yield %while3A_215 : i32
    }
    %barrier3A_25 = arith.constant 0 : index
    tpu.barrier barrier_id(%barrier3A_25)
    "tpu.region"() ({
      %run_scoped3A_26 = tpu.sem_alloc : memref<!tpu.dma_semaphore, #tpu.memory_space<semaphore_mem>>
      %dma_start3A = arith.constant 0 : i32
      %dma_start3A_27 = tpu.memref_slice %arg7[%mul3A_0, %dma_start3A] : memref<100352x5xf32, #tpu.memory_space<vmem_shared>> -> memref<6272x5xf32, #tpu.memory_space<vmem_shared>>
      %dma_start3A_28 = arith.constant 0 : i32
      %dma_start3A_29 = tpu.memref_slice %arg7[%mul3A_0, %dma_start3A_28] : memref<100352x5xf32, #tpu.memory_space<vmem_shared>> -> memref<6272x5xf32, #tpu.memory_space<vmem_shared>>
      tpu.enqueue_dma source(%dma_start3A_29 : memref<6272x5xf32, #tpu.memory_space<vmem_shared>>) target(%arg8 : memref<6272x5xf32, #tpu.memory_space<vmem>>) target_semaphore(%run_scoped3A_26 : memref<!tpu.dma_semaphore, #tpu.memory_space<semaphore_mem>>)
      %dma_wait3A = arith.constant 0 : i32
      %dma_wait3A_30 = tpu.memref_slice %arg7[%mul3A_0, %dma_wait3A] : memref<100352x5xf32, #tpu.memory_space<vmem_shared>> -> memref<6272x5xf32, #tpu.memory_space<vmem_shared>>
      %dma_wait3A_31 = arith.constant 0 : i32
      %dma_wait3A_32 = tpu.memref_slice %arg7[%mul3A_0, %dma_wait3A_31] : memref<100352x5xf32, #tpu.memory_space<vmem_shared>> -> memref<6272x5xf32, #tpu.memory_space<vmem_shared>>
      tpu.wait_dma2 semaphore(%run_scoped3A_26 : memref<!tpu.dma_semaphore, #tpu.memory_space<semaphore_mem>>) src(%dma_wait3A_32 : memref<6272x5xf32, #tpu.memory_space<vmem_shared>>) dst(%arg8 : memref<6272x5xf32, #tpu.memory_space<vmem>>)
      tpu.yield
    }) : () -> ()
    "tpu.region"() ({
      %run_scoped3A_26 = tpu.sem_alloc : memref<!tpu.dma_semaphore, #tpu.memory_space<semaphore_mem>>
      %dma_start3A = arith.constant 0 : i32
      %dma_start3A_27 = arith.constant 0 : i32
      %dma_start3A_28 = tpu.memref_slice %arg5[%arg0, %dma_start3A, %dma_start3A_27] : memref<2x100352x5xf32, #tpu.memory_space<hbm>> -> memref<1x100352x5xf32, #tpu.memory_space<hbm>>
      %dma_start3A_29 = tpu.memref_squeeze %dma_start3A_28 : memref<1x100352x5xf32, #tpu.memory_space<hbm>> -> memref<100352x5xf32, #tpu.memory_space<hbm>>
      %dma_start3A_30 = arith.constant 0 : i32
      %dma_start3A_31 = tpu.memref_slice %dma_start3A_29[%mul3A_0, %dma_start3A_30] : memref<100352x5xf32, #tpu.memory_space<hbm>> -> memref<6272x5xf32, #tpu.memory_space<hbm>>
      %dma_start3A_32 = arith.constant 0 : i32
      %dma_start3A_33 = arith.constant 0 : i32
      %dma_start3A_34 = tpu.memref_slice %arg5[%arg0, %dma_start3A_32, %dma_start3A_33] : memref<2x100352x5xf32, #tpu.memory_space<hbm>> -> memref<1x100352x5xf32, #tpu.memory_space<hbm>>
      %dma_start3A_35 = tpu.memref_squeeze %dma_start3A_34 : memref<1x100352x5xf32, #tpu.memory_space<hbm>> -> memref<100352x5xf32, #tpu.memory_space<hbm>>
      %dma_start3A_36 = arith.constant 0 : i32
      %dma_start3A_37 = tpu.memref_slice %dma_start3A_35[%mul3A_0, %dma_start3A_36] : memref<100352x5xf32, #tpu.memory_space<hbm>> -> memref<6272x5xf32, #tpu.memory_space<hbm>>
      tpu.enqueue_dma source(%arg8 : memref<6272x5xf32, #tpu.memory_space<vmem>>) target(%dma_start3A_37 : memref<6272x5xf32, #tpu.memory_space<hbm>>) target_semaphore(%run_scoped3A_26 : memref<!tpu.dma_semaphore, #tpu.memory_space<semaphore_mem>>)
      %dma_wait3A = arith.constant 0 : i32
      %dma_wait3A_38 = arith.constant 0 : i32
      %dma_wait3A_39 = tpu.memref_slice %arg5[%arg0, %dma_wait3A, %dma_wait3A_38] : memref<2x100352x5xf32, #tpu.memory_space<hbm>> -> memref<1x100352x5xf32, #tpu.memory_space<hbm>>
      %dma_wait3A_40 = tpu.memref_squeeze %dma_wait3A_39 : memref<1x100352x5xf32, #tpu.memory_space<hbm>> -> memref<100352x5xf32, #tpu.memory_space<hbm>>
      %dma_wait3A_41 = arith.constant 0 : i32
      %dma_wait3A_42 = tpu.memref_slice %dma_wait3A_40[%mul3A_0, %dma_wait3A_41] : memref<100352x5xf32, #tpu.memory_space<hbm>> -> memref<6272x5xf32, #tpu.memory_space<hbm>>
      %dma_wait3A_43 = arith.constant 0 : i32
      %dma_wait3A_44 = arith.constant 0 : i32
      %dma_wait3A_45 = tpu.memref_slice %arg5[%arg0, %dma_wait3A_43, %dma_wait3A_44] : memref<2x100352x5xf32, #tpu.memory_space<hbm>> -> memref<1x100352x5xf32, #tpu.memory_space<hbm>>
      %dma_wait3A_46 = tpu.memref_squeeze %dma_wait3A_45 : memref<1x100352x5xf32, #tpu.memory_space<hbm>> -> memref<100352x5xf32, #tpu.memory_space<hbm>>
      %dma_wait3A_47 = arith.constant 0 : i32
      %dma_wait3A_48 = tpu.memref_slice %dma_wait3A_46[%mul3A_0, %dma_wait3A_47] : memref<100352x5xf32, #tpu.memory_space<hbm>> -> memref<6272x5xf32, #tpu.memory_space<hbm>>
      tpu.wait_dma2 semaphore(%run_scoped3A_26 : memref<!tpu.dma_semaphore, #tpu.memory_space<semaphore_mem>>) src(%arg8 : memref<6272x5xf32, #tpu.memory_space<vmem>>) dst(%dma_wait3A_48 : memref<6272x5xf32, #tpu.memory_space<hbm>>)
      tpu.yield
    }) : () -> ()
    return
  }
}

#map = affine_map<(d0, d1) -> (0)>
#map1 = affine_map<(d0, d1) -> (0, 0)>
#map2 = affine_map<(d0, d1) -> (0, 0, 0)>
module attributes {stable_mosaic.version = 14 : i64} {
  func.func @body(%arg0: i32, %arg1: i32, %arg2: memref<6400000xi32, #tpu.memory_space<hbm>>, %arg3: memref<6400000xi32, #tpu.memory_space<hbm>>, %arg4: memref<100352x3xf32, #tpu.memory_space<hbm>>, %arg5: memref<100352xf32, #tpu.memory_space<hbm>>, %arg6: memref<2x100352x3xf32, #tpu.memory_space<hbm>>, %arg7: memref<2x100352xf32, #tpu.memory_space<hbm>>, %arg8: memref<100352x3xf32, #tpu.memory_space<vmem_shared>>, %arg9: memref<100352x3xf32, #tpu.memory_space<vmem_shared>>, %arg10: memref<100352xf32, #tpu.memory_space<vmem_shared>>, %arg11: memref<100352xf32, #tpu.memory_space<vmem_shared>>, %arg12: memref<6272x3xf32, #tpu.memory_space<vmem>>, %arg13: memref<6272xf32, #tpu.memory_space<vmem>>, %arg14: memref<2x1024xi32, #tpu.memory_space<vmem>>, %arg15: memref<2x1024xi32, #tpu.memory_space<vmem>>, %arg16: memref<1024x3xf32, #tpu.memory_space<vmem>>, %arg17: memref<1024xf32, #tpu.memory_space<vmem>>, %arg18: memref<!tpu.dma_semaphore, #tpu.memory_space<semaphore_mem>>, %arg19: memref<!tpu.dma_semaphore, #tpu.memory_space<semaphore_mem>>, %arg20: memref<!tpu.dma_semaphore, #tpu.memory_space<semaphore_mem>>) attributes {dimension_semantics = [#tpu.dimension_semantics<core_parallel>, #tpu.dimension_semantics<subcore_parallel>], iteration_bounds = array<i64: 2, 16>, scalar_prefetch = 0 : i64, scratch_operands = 13 : i64, tpu.core_type = #tpu.core_type<sc_vector_subcore>, window_params = [{transform_indices = #map}, {transform_indices = #map}, {transform_indices = #map1}, {transform_indices = #map}, {transform_indices = #map2}, {transform_indices = #map1}]} {
    %mul3A = arith.constant 6272 : i32
    %mul3A_0 = arith.muli %arg1, %mul3A : i32
    "tpu.region"() ({
      %run_scoped3A_26 = tpu.sem_alloc : memref<!tpu.dma_semaphore, #tpu.memory_space<semaphore_mem>>
      %dma_start3A = arith.constant 0 : i32
      %dma_start3A_27 = tpu.memref_slice %arg4[%mul3A_0, %dma_start3A] : memref<100352x3xf32, #tpu.memory_space<hbm>> -> memref<6272x3xf32, #tpu.memory_space<hbm>>
      %dma_start3A_28 = arith.constant 0 : i32
      %dma_start3A_29 = tpu.memref_slice %arg4[%mul3A_0, %dma_start3A_28] : memref<100352x3xf32, #tpu.memory_space<hbm>> -> memref<6272x3xf32, #tpu.memory_space<hbm>>
      tpu.enqueue_dma source(%dma_start3A_29 : memref<6272x3xf32, #tpu.memory_space<hbm>>) target(%arg12 : memref<6272x3xf32, #tpu.memory_space<vmem>>) target_semaphore(%run_scoped3A_26 : memref<!tpu.dma_semaphore, #tpu.memory_space<semaphore_mem>>)
      %dma_wait3A = arith.constant 0 : i32
      %dma_wait3A_30 = tpu.memref_slice %arg4[%mul3A_0, %dma_wait3A] : memref<100352x3xf32, #tpu.memory_space<hbm>> -> memref<6272x3xf32, #tpu.memory_space<hbm>>
      %dma_wait3A_31 = arith.constant 0 : i32
      %dma_wait3A_32 = tpu.memref_slice %arg4[%mul3A_0, %dma_wait3A_31] : memref<100352x3xf32, #tpu.memory_space<hbm>> -> memref<6272x3xf32, #tpu.memory_space<hbm>>
      tpu.wait_dma2 semaphore(%run_scoped3A_26 : memref<!tpu.dma_semaphore, #tpu.memory_space<semaphore_mem>>) src(%dma_wait3A_32 : memref<6272x3xf32, #tpu.memory_space<hbm>>) dst(%arg12 : memref<6272x3xf32, #tpu.memory_space<vmem>>)
      tpu.yield
    }) : () -> ()
    "tpu.region"() ({
      %run_scoped3A_26 = tpu.sem_alloc : memref<!tpu.dma_semaphore, #tpu.memory_space<semaphore_mem>>
      %dma_start3A = arith.constant 0 : i32
      %dma_start3A_27 = tpu.memref_slice %arg8[%mul3A_0, %dma_start3A] : memref<100352x3xf32, #tpu.memory_space<vmem_shared>> -> memref<6272x3xf32, #tpu.memory_space<vmem_shared>>
      %dma_start3A_28 = arith.constant 0 : i32
      %dma_start3A_29 = tpu.memref_slice %arg8[%mul3A_0, %dma_start3A_28] : memref<100352x3xf32, #tpu.memory_space<vmem_shared>> -> memref<6272x3xf32, #tpu.memory_space<vmem_shared>>
      tpu.enqueue_dma source(%arg12 : memref<6272x3xf32, #tpu.memory_space<vmem>>) target(%dma_start3A_29 : memref<6272x3xf32, #tpu.memory_space<vmem_shared>>) target_semaphore(%run_scoped3A_26 : memref<!tpu.dma_semaphore, #tpu.memory_space<semaphore_mem>>)
      %dma_wait3A = arith.constant 0 : i32
      %dma_wait3A_30 = tpu.memref_slice %arg8[%mul3A_0, %dma_wait3A] : memref<100352x3xf32, #tpu.memory_space<vmem_shared>> -> memref<6272x3xf32, #tpu.memory_space<vmem_shared>>
      %dma_wait3A_31 = arith.constant 0 : i32
      %dma_wait3A_32 = tpu.memref_slice %arg8[%mul3A_0, %dma_wait3A_31] : memref<100352x3xf32, #tpu.memory_space<vmem_shared>> -> memref<6272x3xf32, #tpu.memory_space<vmem_shared>>
      tpu.wait_dma2 semaphore(%run_scoped3A_26 : memref<!tpu.dma_semaphore, #tpu.memory_space<semaphore_mem>>) src(%arg12 : memref<6272x3xf32, #tpu.memory_space<vmem>>) dst(%dma_wait3A_32 : memref<6272x3xf32, #tpu.memory_space<vmem_shared>>)
      tpu.yield
    }) : () -> ()
    "tpu.region"() ({
      %run_scoped3A_26 = tpu.sem_alloc : memref<!tpu.dma_semaphore, #tpu.memory_space<semaphore_mem>>
      %dma_start3A = arith.constant 0 : i32
      %dma_start3A_27 = tpu.memref_slice %arg9[%mul3A_0, %dma_start3A] : memref<100352x3xf32, #tpu.memory_space<vmem_shared>> -> memref<6272x3xf32, #tpu.memory_space<vmem_shared>>
      %dma_start3A_28 = arith.constant 0 : i32
      %dma_start3A_29 = tpu.memref_slice %arg9[%mul3A_0, %dma_start3A_28] : memref<100352x3xf32, #tpu.memory_space<vmem_shared>> -> memref<6272x3xf32, #tpu.memory_space<vmem_shared>>
      tpu.enqueue_dma source(%arg12 : memref<6272x3xf32, #tpu.memory_space<vmem>>) target(%dma_start3A_29 : memref<6272x3xf32, #tpu.memory_space<vmem_shared>>) target_semaphore(%run_scoped3A_26 : memref<!tpu.dma_semaphore, #tpu.memory_space<semaphore_mem>>)
      %dma_wait3A = arith.constant 0 : i32
      %dma_wait3A_30 = tpu.memref_slice %arg9[%mul3A_0, %dma_wait3A] : memref<100352x3xf32, #tpu.memory_space<vmem_shared>> -> memref<6272x3xf32, #tpu.memory_space<vmem_shared>>
      %dma_wait3A_31 = arith.constant 0 : i32
      %dma_wait3A_32 = tpu.memref_slice %arg9[%mul3A_0, %dma_wait3A_31] : memref<100352x3xf32, #tpu.memory_space<vmem_shared>> -> memref<6272x3xf32, #tpu.memory_space<vmem_shared>>
      tpu.wait_dma2 semaphore(%run_scoped3A_26 : memref<!tpu.dma_semaphore, #tpu.memory_space<semaphore_mem>>) src(%arg12 : memref<6272x3xf32, #tpu.memory_space<vmem>>) dst(%dma_wait3A_32 : memref<6272x3xf32, #tpu.memory_space<vmem_shared>>)
      tpu.yield
    }) : () -> ()
    "tpu.region"() ({
      %run_scoped3A_26 = tpu.sem_alloc : memref<!tpu.dma_semaphore, #tpu.memory_space<semaphore_mem>>
      %dma_start3A = tpu.memref_slice %arg5[%mul3A_0] : memref<100352xf32, #tpu.memory_space<hbm>> -> memref<6272xf32, #tpu.memory_space<hbm>>
      %dma_start3A_27 = tpu.memref_slice %arg5[%mul3A_0] : memref<100352xf32, #tpu.memory_space<hbm>> -> memref<6272xf32, #tpu.memory_space<hbm>>
      tpu.enqueue_dma source(%dma_start3A_27 : memref<6272xf32, #tpu.memory_space<hbm>>) target(%arg13 : memref<6272xf32, #tpu.memory_space<vmem>>) target_semaphore(%run_scoped3A_26 : memref<!tpu.dma_semaphore, #tpu.memory_space<semaphore_mem>>)
      %dma_wait3A = tpu.memref_slice %arg5[%mul3A_0] : memref<100352xf32, #tpu.memory_space<hbm>> -> memref<6272xf32, #tpu.memory_space<hbm>>
      %dma_wait3A_28 = tpu.memref_slice %arg5[%mul3A_0] : memref<100352xf32, #tpu.memory_space<hbm>> -> memref<6272xf32, #tpu.memory_space<hbm>>
      tpu.wait_dma2 semaphore(%run_scoped3A_26 : memref<!tpu.dma_semaphore, #tpu.memory_space<semaphore_mem>>) src(%dma_wait3A_28 : memref<6272xf32, #tpu.memory_space<hbm>>) dst(%arg13 : memref<6272xf32, #tpu.memory_space<vmem>>)
      tpu.yield
    }) : () -> ()
    "tpu.region"() ({
      %run_scoped3A_26 = tpu.sem_alloc : memref<!tpu.dma_semaphore, #tpu.memory_space<semaphore_mem>>
      %dma_start3A = tpu.memref_slice %arg10[%mul3A_0] : memref<100352xf32, #tpu.memory_space<vmem_shared>> -> memref<6272xf32, #tpu.memory_space<vmem_shared>>
      %dma_start3A_27 = tpu.memref_slice %arg10[%mul3A_0] : memref<100352xf32, #tpu.memory_space<vmem_shared>> -> memref<6272xf32, #tpu.memory_space<vmem_shared>>
      tpu.enqueue_dma source(%arg13 : memref<6272xf32, #tpu.memory_space<vmem>>) target(%dma_start3A_27 : memref<6272xf32, #tpu.memory_space<vmem_shared>>) target_semaphore(%run_scoped3A_26 : memref<!tpu.dma_semaphore, #tpu.memory_space<semaphore_mem>>)
      %dma_wait3A = tpu.memref_slice %arg10[%mul3A_0] : memref<100352xf32, #tpu.memory_space<vmem_shared>> -> memref<6272xf32, #tpu.memory_space<vmem_shared>>
      %dma_wait3A_28 = tpu.memref_slice %arg10[%mul3A_0] : memref<100352xf32, #tpu.memory_space<vmem_shared>> -> memref<6272xf32, #tpu.memory_space<vmem_shared>>
      tpu.wait_dma2 semaphore(%run_scoped3A_26 : memref<!tpu.dma_semaphore, #tpu.memory_space<semaphore_mem>>) src(%arg13 : memref<6272xf32, #tpu.memory_space<vmem>>) dst(%dma_wait3A_28 : memref<6272xf32, #tpu.memory_space<vmem_shared>>)
      tpu.yield
    }) : () -> ()
    "tpu.region"() ({
      %run_scoped3A_26 = tpu.sem_alloc : memref<!tpu.dma_semaphore, #tpu.memory_space<semaphore_mem>>
      %dma_start3A = tpu.memref_slice %arg11[%mul3A_0] : memref<100352xf32, #tpu.memory_space<vmem_shared>> -> memref<6272xf32, #tpu.memory_space<vmem_shared>>
      %dma_start3A_27 = tpu.memref_slice %arg11[%mul3A_0] : memref<100352xf32, #tpu.memory_space<vmem_shared>> -> memref<6272xf32, #tpu.memory_space<vmem_shared>>
      tpu.enqueue_dma source(%arg13 : memref<6272xf32, #tpu.memory_space<vmem>>) target(%dma_start3A_27 : memref<6272xf32, #tpu.memory_space<vmem_shared>>) target_semaphore(%run_scoped3A_26 : memref<!tpu.dma_semaphore, #tpu.memory_space<semaphore_mem>>)
      %dma_wait3A = tpu.memref_slice %arg11[%mul3A_0] : memref<100352xf32, #tpu.memory_space<vmem_shared>> -> memref<6272xf32, #tpu.memory_space<vmem_shared>>
      %dma_wait3A_28 = tpu.memref_slice %arg11[%mul3A_0] : memref<100352xf32, #tpu.memory_space<vmem_shared>> -> memref<6272xf32, #tpu.memory_space<vmem_shared>>
      tpu.wait_dma2 semaphore(%run_scoped3A_26 : memref<!tpu.dma_semaphore, #tpu.memory_space<semaphore_mem>>) src(%arg13 : memref<6272xf32, #tpu.memory_space<vmem>>) dst(%dma_wait3A_28 : memref<6272xf32, #tpu.memory_space<vmem_shared>>)
      tpu.yield
    }) : () -> ()
    %barrier3A = arith.constant 0 : index
    tpu.barrier barrier_id(%barrier3A)
    %mul3A_1 = arith.constant 3125 : i32
    %mul3A_2 = arith.muli %arg0, %mul3A_1 : i32
    %mul3A_3 = arith.constant 195 : i32
    %mul3A_4 = arith.muli %arg1, %mul3A_3 : i32
    %add3A = arith.addi %mul3A_2, %mul3A_4 : i32
    %min3A = arith.constant 5 : i32
    %min3A_5 = arith.minsi %arg1, %min3A : i32
    %add3A_6 = arith.addi %add3A, %min3A_5 : i32
    %lt3A = arith.constant 5 : i32
    %lt3A_7 = arith.cmpi slt, %arg1, %lt3A : i32
    %jit3A = arith.constant 1 : i32
    %jit3A_8 = arith.constant 0 : i32
    %select_n3A = arith.select %lt3A_7, %jit3A, %jit3A_8 : i32
    %add3A_9 = arith.constant 195 : i32
    %add3A_10 = arith.addi %add3A_9, %select_n3A : i32
    %mul3A_11 = arith.constant 1024 : i32
    %mul3A_12 = arith.muli %add3A_6, %mul3A_11 : i32
    %multiple_of3A = tpu.assume_multiple %mul3A_12, 1024 : i32
    %run_scoped3A = arith.constant 0 : i32
    "tpu.region"() ({
      %run_scoped3A_26 = tpu.sem_alloc : memref<!tpu.dma_semaphore, #tpu.memory_space<semaphore_mem>>
      %dma_start3A = arith.constant 0 : i32
      %dma_start3A_27 = tpu.memref_slice %arg14[%run_scoped3A, %dma_start3A] : memref<2x1024xi32, #tpu.memory_space<vmem>> -> memref<1x1024xi32, #tpu.memory_space<vmem>>
      %dma_start3A_28 = tpu.memref_squeeze %dma_start3A_27 : memref<1x1024xi32, #tpu.memory_space<vmem>> -> memref<1024xi32, #tpu.memory_space<vmem>>
      %dma_start3A_29 = tpu.memref_slice %arg2[%multiple_of3A] : memref<6400000xi32, #tpu.memory_space<hbm>> -> memref<1024xi32, #tpu.memory_space<hbm>>
      %dma_start3A_30 = arith.constant 0 : i32
      %dma_start3A_31 = tpu.memref_slice %arg14[%run_scoped3A, %dma_start3A_30] : memref<2x1024xi32, #tpu.memory_space<vmem>> -> memref<1x1024xi32, #tpu.memory_space<vmem>>
      %dma_start3A_32 = tpu.memref_squeeze %dma_start3A_31 : memref<1x1024xi32, #tpu.memory_space<vmem>> -> memref<1024xi32, #tpu.memory_space<vmem>>
      %dma_start3A_33 = tpu.memref_slice %arg2[%multiple_of3A] : memref<6400000xi32, #tpu.memory_space<hbm>> -> memref<1024xi32, #tpu.memory_space<hbm>>
      tpu.enqueue_dma source(%dma_start3A_33 : memref<1024xi32, #tpu.memory_space<hbm>>) target(%dma_start3A_32 : memref<1024xi32, #tpu.memory_space<vmem>>) target_semaphore(%run_scoped3A_26 : memref<!tpu.dma_semaphore, #tpu.memory_space<semaphore_mem>>)
      %dma_wait3A = arith.constant 0 : i32
      %dma_wait3A_34 = tpu.memref_slice %arg14[%run_scoped3A, %dma_wait3A] : memref<2x1024xi32, #tpu.memory_space<vmem>> -> memref<1x1024xi32, #tpu.memory_space<vmem>>
      %dma_wait3A_35 = tpu.memref_squeeze %dma_wait3A_34 : memref<1x1024xi32, #tpu.memory_space<vmem>> -> memref<1024xi32, #tpu.memory_space<vmem>>
      %dma_wait3A_36 = tpu.memref_slice %arg2[%multiple_of3A] : memref<6400000xi32, #tpu.memory_space<hbm>> -> memref<1024xi32, #tpu.memory_space<hbm>>
      %dma_wait3A_37 = arith.constant 0 : i32
      %dma_wait3A_38 = tpu.memref_slice %arg14[%run_scoped3A, %dma_wait3A_37] : memref<2x1024xi32, #tpu.memory_space<vmem>> -> memref<1x1024xi32, #tpu.memory_space<vmem>>
      %dma_wait3A_39 = tpu.memref_squeeze %dma_wait3A_38 : memref<1x1024xi32, #tpu.memory_space<vmem>> -> memref<1024xi32, #tpu.memory_space<vmem>>
      %dma_wait3A_40 = tpu.memref_slice %arg2[%multiple_of3A] : memref<6400000xi32, #tpu.memory_space<hbm>> -> memref<1024xi32, #tpu.memory_space<hbm>>
      tpu.wait_dma2 semaphore(%run_scoped3A_26 : memref<!tpu.dma_semaphore, #tpu.memory_space<semaphore_mem>>) src(%dma_wait3A_40 : memref<1024xi32, #tpu.memory_space<hbm>>) dst(%dma_wait3A_39 : memref<1024xi32, #tpu.memory_space<vmem>>)
      tpu.yield
    }) : () -> ()
    %run_scoped3A_13 = arith.constant 0 : i32
    "tpu.region"() ({
      %run_scoped3A_26 = tpu.sem_alloc : memref<!tpu.dma_semaphore, #tpu.memory_space<semaphore_mem>>
      %dma_start3A = arith.constant 0 : i32
      %dma_start3A_27 = tpu.memref_slice %arg15[%run_scoped3A_13, %dma_start3A] : memref<2x1024xi32, #tpu.memory_space<vmem>> -> memref<1x1024xi32, #tpu.memory_space<vmem>>
      %dma_start3A_28 = tpu.memref_squeeze %dma_start3A_27 : memref<1x1024xi32, #tpu.memory_space<vmem>> -> memref<1024xi32, #tpu.memory_space<vmem>>
      %dma_start3A_29 = tpu.memref_slice %arg3[%multiple_of3A] : memref<6400000xi32, #tpu.memory_space<hbm>> -> memref<1024xi32, #tpu.memory_space<hbm>>
      %dma_start3A_30 = arith.constant 0 : i32
      %dma_start3A_31 = tpu.memref_slice %arg15[%run_scoped3A_13, %dma_start3A_30] : memref<2x1024xi32, #tpu.memory_space<vmem>> -> memref<1x1024xi32, #tpu.memory_space<vmem>>
      %dma_start3A_32 = tpu.memref_squeeze %dma_start3A_31 : memref<1x1024xi32, #tpu.memory_space<vmem>> -> memref<1024xi32, #tpu.memory_space<vmem>>
      %dma_start3A_33 = tpu.memref_slice %arg3[%multiple_of3A] : memref<6400000xi32, #tpu.memory_space<hbm>> -> memref<1024xi32, #tpu.memory_space<hbm>>
      tpu.enqueue_dma source(%dma_start3A_33 : memref<1024xi32, #tpu.memory_space<hbm>>) target(%dma_start3A_32 : memref<1024xi32, #tpu.memory_space<vmem>>) target_semaphore(%run_scoped3A_26 : memref<!tpu.dma_semaphore, #tpu.memory_space<semaphore_mem>>)
      %dma_wait3A = arith.constant 0 : i32
      %dma_wait3A_34 = tpu.memref_slice %arg15[%run_scoped3A_13, %dma_wait3A] : memref<2x1024xi32, #tpu.memory_space<vmem>> -> memref<1x1024xi32, #tpu.memory_space<vmem>>
      %dma_wait3A_35 = tpu.memref_squeeze %dma_wait3A_34 : memref<1x1024xi32, #tpu.memory_space<vmem>> -> memref<1024xi32, #tpu.memory_space<vmem>>
      %dma_wait3A_36 = tpu.memref_slice %arg3[%multiple_of3A] : memref<6400000xi32, #tpu.memory_space<hbm>> -> memref<1024xi32, #tpu.memory_space<hbm>>
      %dma_wait3A_37 = arith.constant 0 : i32
      %dma_wait3A_38 = tpu.memref_slice %arg15[%run_scoped3A_13, %dma_wait3A_37] : memref<2x1024xi32, #tpu.memory_space<vmem>> -> memref<1x1024xi32, #tpu.memory_space<vmem>>
      %dma_wait3A_39 = tpu.memref_squeeze %dma_wait3A_38 : memref<1x1024xi32, #tpu.memory_space<vmem>> -> memref<1024xi32, #tpu.memory_space<vmem>>
      %dma_wait3A_40 = tpu.memref_slice %arg3[%multiple_of3A] : memref<6400000xi32, #tpu.memory_space<hbm>> -> memref<1024xi32, #tpu.memory_space<hbm>>
      tpu.wait_dma2 semaphore(%run_scoped3A_26 : memref<!tpu.dma_semaphore, #tpu.memory_space<semaphore_mem>>) src(%dma_wait3A_40 : memref<1024xi32, #tpu.memory_space<hbm>>) dst(%dma_wait3A_39 : memref<1024xi32, #tpu.memory_space<vmem>>)
      tpu.yield
    }) : () -> ()
    %while3A = arith.constant 0 : i32
    %while3A_14 = arith.constant 0 : i32
    %while3A_15 = arith.subi %add3A_10, %while3A : i32
    %while3A_16 = arith.addi %while3A, %while3A_15 : i32
    %while3A_17 = arith.constant 1 : i32
    %while3A_18 = arith.divsi %while3A_15, %while3A_17 : i32
    %while3A_19 = arith.muli %while3A_18, %while3A_17 : i32
    %while3A_20 = arith.addi %while3A, %while3A_19 : i32
    %while3A_21 = arith.constant 1 : i32
    %while3A_22 = scf.for %while3A_26 = %while3A to %while3A_20 step %while3A_21 iter_args(%while3A_27 = %while3A_14) -> (i32)  : i32 {
      %rem3A = arith.constant 2 : i32
      %rem3A_28 = arith.remsi %while3A_26, %rem3A : i32
      %add3A_29 = arith.constant 1 : i32
      %add3A_30 = arith.addi %while3A_26, %add3A_29 : i32
      %sub3A = arith.constant 1 : i32
      %sub3A_31 = arith.subi %add3A_10, %sub3A : i32
      %min3A_32 = arith.minsi %add3A_30, %sub3A_31 : i32
      %add3A_33 = arith.addi %add3A_6, %min3A_32 : i32
      %mul3A_34 = arith.constant 1024 : i32
      %mul3A_35 = arith.muli %add3A_33, %mul3A_34 : i32
      %multiple_of3A_36 = tpu.assume_multiple %mul3A_35, 1024 : i32
      %dma_start3A = arith.constant 0 : i32
      %dma_start3A_37 = arith.constant 0 : i32
      %dma_start3A_38 = tpu.memref_slice %arg16[%dma_start3A, %dma_start3A_37] : memref<1024x3xf32, #tpu.memory_space<vmem>> -> memref<256x3xf32, #tpu.memory_space<vmem>>
      %dma_start3A_39 = arith.constant 0 : i32
      %dma_start3A_40 = tpu.memref_slice %arg14[%rem3A_28, %dma_start3A_39] : memref<2x1024xi32, #tpu.memory_space<vmem>> -> memref<1x256xi32, #tpu.memory_space<vmem>>
      %dma_start3A_41 = tpu.memref_squeeze %dma_start3A_40 : memref<1x256xi32, #tpu.memory_space<vmem>> -> memref<256xi32, #tpu.memory_space<vmem>>
      %dma_start3A_42 = arith.constant 0 : i32
      %dma_start3A_43 = arith.constant 0 : i32
      %dma_start3A_44 = tpu.memref_slice %arg8[%dma_start3A_42, %dma_start3A_43] : memref<100352x3xf32, #tpu.memory_space<vmem_shared>> -> memref<100352x3xf32, #tpu.memory_space<vmem_shared>>
      tpu.enqueue_indirect_dma source(%dma_start3A_44 : memref<100352x3xf32, #tpu.memory_space<vmem_shared>>) target(%dma_start3A_38 : memref<256x3xf32, #tpu.memory_space<vmem>>) offsets(%dma_start3A_41 : memref<256xi32, #tpu.memory_space<vmem>>) semaphore(%arg18 : memref<!tpu.dma_semaphore, #tpu.memory_space<semaphore_mem>>)
      %dma_start3A_45 = arith.constant 0 : i32
      %dma_start3A_46 = tpu.memref_slice %arg17[%dma_start3A_45] : memref<1024xf32, #tpu.memory_space<vmem>> -> memref<256xf32, #tpu.memory_space<vmem>>
      %dma_start3A_47 = arith.constant 0 : i32
      %dma_start3A_48 = tpu.memref_slice %arg15[%rem3A_28, %dma_start3A_47] : memref<2x1024xi32, #tpu.memory_space<vmem>> -> memref<1x256xi32, #tpu.memory_space<vmem>>
      %dma_start3A_49 = tpu.memref_squeeze %dma_start3A_48 : memref<1x256xi32, #tpu.memory_space<vmem>> -> memref<256xi32, #tpu.memory_space<vmem>>
      %dma_start3A_50 = arith.constant 0 : i32
      %dma_start3A_51 = tpu.memref_slice %arg10[%dma_start3A_50] : memref<100352xf32, #tpu.memory_space<vmem_shared>> -> memref<100352xf32, #tpu.memory_space<vmem_shared>>
      tpu.enqueue_indirect_dma source(%dma_start3A_51 : memref<100352xf32, #tpu.memory_space<vmem_shared>>) target(%dma_start3A_46 : memref<256xf32, #tpu.memory_space<vmem>>) offsets(%dma_start3A_49 : memref<256xi32, #tpu.memory_space<vmem>>) semaphore(%arg18 : memref<!tpu.dma_semaphore, #tpu.memory_space<semaphore_mem>>)
      %dma_start3A_52 = arith.constant 256 : i32
      %dma_start3A_53 = arith.constant 0 : i32
      %dma_start3A_54 = tpu.memref_slice %arg16[%dma_start3A_52, %dma_start3A_53] : memref<1024x3xf32, #tpu.memory_space<vmem>> -> memref<256x3xf32, #tpu.memory_space<vmem>>
      %dma_start3A_55 = arith.constant 256 : i32
      %dma_start3A_56 = tpu.memref_slice %arg14[%rem3A_28, %dma_start3A_55] : memref<2x1024xi32, #tpu.memory_space<vmem>> -> memref<1x256xi32, #tpu.memory_space<vmem>>
      %dma_start3A_57 = tpu.memref_squeeze %dma_start3A_56 : memref<1x256xi32, #tpu.memory_space<vmem>> -> memref<256xi32, #tpu.memory_space<vmem>>
      %dma_start3A_58 = arith.constant 0 : i32
      %dma_start3A_59 = arith.constant 0 : i32
      %dma_start3A_60 = tpu.memref_slice %arg8[%dma_start3A_58, %dma_start3A_59] : memref<100352x3xf32, #tpu.memory_space<vmem_shared>> -> memref<100352x3xf32, #tpu.memory_space<vmem_shared>>
      tpu.enqueue_indirect_dma source(%dma_start3A_60 : memref<100352x3xf32, #tpu.memory_space<vmem_shared>>) target(%dma_start3A_54 : memref<256x3xf32, #tpu.memory_space<vmem>>) offsets(%dma_start3A_57 : memref<256xi32, #tpu.memory_space<vmem>>) semaphore(%arg18 : memref<!tpu.dma_semaphore, #tpu.memory_space<semaphore_mem>>)
      %dma_start3A_61 = arith.constant 256 : i32
      %dma_start3A_62 = tpu.memref_slice %arg17[%dma_start3A_61] : memref<1024xf32, #tpu.memory_space<vmem>> -> memref<256xf32, #tpu.memory_space<vmem>>
      %dma_start3A_63 = arith.constant 256 : i32
      %dma_start3A_64 = tpu.memref_slice %arg15[%rem3A_28, %dma_start3A_63] : memref<2x1024xi32, #tpu.memory_space<vmem>> -> memref<1x256xi32, #tpu.memory_space<vmem>>
      %dma_start3A_65 = tpu.memref_squeeze %dma_start3A_64 : memref<1x256xi32, #tpu.memory_space<vmem>> -> memref<256xi32, #tpu.memory_space<vmem>>
      %dma_start3A_66 = arith.constant 0 : i32
      %dma_start3A_67 = tpu.memref_slice %arg10[%dma_start3A_66] : memref<100352xf32, #tpu.memory_space<vmem_shared>> -> memref<100352xf32, #tpu.memory_space<vmem_shared>>
      tpu.enqueue_indirect_dma source(%dma_start3A_67 : memref<100352xf32, #tpu.memory_space<vmem_shared>>) target(%dma_start3A_62 : memref<256xf32, #tpu.memory_space<vmem>>) offsets(%dma_start3A_65 : memref<256xi32, #tpu.memory_space<vmem>>) semaphore(%arg18 : memref<!tpu.dma_semaphore, #tpu.memory_space<semaphore_mem>>)
      %dma_start3A_68 = arith.constant 512 : i32
      %dma_start3A_69 = arith.constant 0 : i32
      %dma_start3A_70 = tpu.memref_slice %arg16[%dma_start3A_68, %dma_start3A_69] : memref<1024x3xf32, #tpu.memory_space<vmem>> -> memref<256x3xf32, #tpu.memory_space<vmem>>
      %dma_start3A_71 = arith.constant 512 : i32
      %dma_start3A_72 = tpu.memref_slice %arg14[%rem3A_28, %dma_start3A_71] : memref<2x1024xi32, #tpu.memory_space<vmem>> -> memref<1x256xi32, #tpu.memory_space<vmem>>
      %dma_start3A_73 = tpu.memref_squeeze %dma_start3A_72 : memref<1x256xi32, #tpu.memory_space<vmem>> -> memref<256xi32, #tpu.memory_space<vmem>>
      %dma_start3A_74 = arith.constant 0 : i32
      %dma_start3A_75 = arith.constant 0 : i32
      %dma_start3A_76 = tpu.memref_slice %arg8[%dma_start3A_74, %dma_start3A_75] : memref<100352x3xf32, #tpu.memory_space<vmem_shared>> -> memref<100352x3xf32, #tpu.memory_space<vmem_shared>>
      tpu.enqueue_indirect_dma source(%dma_start3A_76 : memref<100352x3xf32, #tpu.memory_space<vmem_shared>>) target(%dma_start3A_70 : memref<256x3xf32, #tpu.memory_space<vmem>>) offsets(%dma_start3A_73 : memref<256xi32, #tpu.memory_space<vmem>>) semaphore(%arg18 : memref<!tpu.dma_semaphore, #tpu.memory_space<semaphore_mem>>)
      %dma_start3A_77 = arith.constant 512 : i32
      %dma_start3A_78 = tpu.memref_slice %arg17[%dma_start3A_77] : memref<1024xf32, #tpu.memory_space<vmem>> -> memref<256xf32, #tpu.memory_space<vmem>>
      %dma_start3A_79 = arith.constant 512 : i32
      %dma_start3A_80 = tpu.memref_slice %arg15[%rem3A_28, %dma_start3A_79] : memref<2x1024xi32, #tpu.memory_space<vmem>> -> memref<1x256xi32, #tpu.memory_space<vmem>>
      %dma_start3A_81 = tpu.memref_squeeze %dma_start3A_80 : memref<1x256xi32, #tpu.memory_space<vmem>> -> memref<256xi32, #tpu.memory_space<vmem>>
      %dma_start3A_82 = arith.constant 0 : i32
      %dma_start3A_83 = tpu.memref_slice %arg10[%dma_start3A_82] : memref<100352xf32, #tpu.memory_space<vmem_shared>> -> memref<100352xf32, #tpu.memory_space<vmem_shared>>
      tpu.enqueue_indirect_dma source(%dma_start3A_83 : memref<100352xf32, #tpu.memory_space<vmem_shared>>) target(%dma_start3A_78 : memref<256xf32, #tpu.memory_space<vmem>>) offsets(%dma_start3A_81 : memref<256xi32, #tpu.memory_space<vmem>>) semaphore(%arg18 : memref<!tpu.dma_semaphore, #tpu.memory_space<semaphore_mem>>)
      %dma_start3A_84 = arith.constant 768 : i32
      %dma_start3A_85 = arith.constant 0 : i32
      %dma_start3A_86 = tpu.memref_slice %arg16[%dma_start3A_84, %dma_start3A_85] : memref<1024x3xf32, #tpu.memory_space<vmem>> -> memref<256x3xf32, #tpu.memory_space<vmem>>
      %dma_start3A_87 = arith.constant 768 : i32
      %dma_start3A_88 = tpu.memref_slice %arg14[%rem3A_28, %dma_start3A_87] : memref<2x1024xi32, #tpu.memory_space<vmem>> -> memref<1x256xi32, #tpu.memory_space<vmem>>
      %dma_start3A_89 = tpu.memref_squeeze %dma_start3A_88 : memref<1x256xi32, #tpu.memory_space<vmem>> -> memref<256xi32, #tpu.memory_space<vmem>>
      %dma_start3A_90 = arith.constant 0 : i32
      %dma_start3A_91 = arith.constant 0 : i32
      %dma_start3A_92 = tpu.memref_slice %arg8[%dma_start3A_90, %dma_start3A_91] : memref<100352x3xf32, #tpu.memory_space<vmem_shared>> -> memref<100352x3xf32, #tpu.memory_space<vmem_shared>>
      tpu.enqueue_indirect_dma source(%dma_start3A_92 : memref<100352x3xf32, #tpu.memory_space<vmem_shared>>) target(%dma_start3A_86 : memref<256x3xf32, #tpu.memory_space<vmem>>) offsets(%dma_start3A_89 : memref<256xi32, #tpu.memory_space<vmem>>) semaphore(%arg18 : memref<!tpu.dma_semaphore, #tpu.memory_space<semaphore_mem>>)
      %dma_start3A_93 = arith.constant 768 : i32
      %dma_start3A_94 = tpu.memref_slice %arg17[%dma_start3A_93] : memref<1024xf32, #tpu.memory_space<vmem>> -> memref<256xf32, #tpu.memory_space<vmem>>
      %dma_start3A_95 = arith.constant 768 : i32
      %dma_start3A_96 = tpu.memref_slice %arg15[%rem3A_28, %dma_start3A_95] : memref<2x1024xi32, #tpu.memory_space<vmem>> -> memref<1x256xi32, #tpu.memory_space<vmem>>
      %dma_start3A_97 = tpu.memref_squeeze %dma_start3A_96 : memref<1x256xi32, #tpu.memory_space<vmem>> -> memref<256xi32, #tpu.memory_space<vmem>>
      %dma_start3A_98 = arith.constant 0 : i32
      %dma_start3A_99 = tpu.memref_slice %arg10[%dma_start3A_98] : memref<100352xf32, #tpu.memory_space<vmem_shared>> -> memref<100352xf32, #tpu.memory_space<vmem_shared>>
      tpu.enqueue_indirect_dma source(%dma_start3A_99 : memref<100352xf32, #tpu.memory_space<vmem_shared>>) target(%dma_start3A_94 : memref<256xf32, #tpu.memory_space<vmem>>) offsets(%dma_start3A_97 : memref<256xi32, #tpu.memory_space<vmem>>) semaphore(%arg18 : memref<!tpu.dma_semaphore, #tpu.memory_space<semaphore_mem>>)
      %sub3A_100 = arith.constant 1 : i32
      %sub3A_101 = arith.subi %sub3A_100, %rem3A_28 : i32
      %dma_start3A_102 = arith.constant 0 : i32
      %dma_start3A_103 = tpu.memref_slice %arg14[%sub3A_101, %dma_start3A_102] : memref<2x1024xi32, #tpu.memory_space<vmem>> -> memref<1x1024xi32, #tpu.memory_space<vmem>>
      %dma_start3A_104 = tpu.memref_squeeze %dma_start3A_103 : memref<1x1024xi32, #tpu.memory_space<vmem>> -> memref<1024xi32, #tpu.memory_space<vmem>>
      %dma_start3A_105 = tpu.memref_slice %arg2[%multiple_of3A_36] : memref<6400000xi32, #tpu.memory_space<hbm>> -> memref<1024xi32, #tpu.memory_space<hbm>>
      %dma_start3A_106 = arith.constant 0 : i32
      %dma_start3A_107 = tpu.memref_slice %arg14[%sub3A_101, %dma_start3A_106] : memref<2x1024xi32, #tpu.memory_space<vmem>> -> memref<1x1024xi32, #tpu.memory_space<vmem>>
      %dma_start3A_108 = tpu.memref_squeeze %dma_start3A_107 : memref<1x1024xi32, #tpu.memory_space<vmem>> -> memref<1024xi32, #tpu.memory_space<vmem>>
      %dma_start3A_109 = tpu.memref_slice %arg2[%multiple_of3A_36] : memref<6400000xi32, #tpu.memory_space<hbm>> -> memref<1024xi32, #tpu.memory_space<hbm>>
      tpu.enqueue_dma source(%dma_start3A_109 : memref<1024xi32, #tpu.memory_space<hbm>>) target(%dma_start3A_108 : memref<1024xi32, #tpu.memory_space<vmem>>) target_semaphore(%arg20 : memref<!tpu.dma_semaphore, #tpu.memory_space<semaphore_mem>>)
      %sub3A_110 = arith.constant 1 : i32
      %sub3A_111 = arith.subi %sub3A_110, %rem3A_28 : i32
      %dma_start3A_112 = arith.constant 0 : i32
      %dma_start3A_113 = tpu.memref_slice %arg15[%sub3A_111, %dma_start3A_112] : memref<2x1024xi32, #tpu.memory_space<vmem>> -> memref<1x1024xi32, #tpu.memory_space<vmem>>
      %dma_start3A_114 = tpu.memref_squeeze %dma_start3A_113 : memref<1x1024xi32, #tpu.memory_space<vmem>> -> memref<1024xi32, #tpu.memory_space<vmem>>
      %dma_start3A_115 = tpu.memref_slice %arg3[%multiple_of3A_36] : memref<6400000xi32, #tpu.memory_space<hbm>> -> memref<1024xi32, #tpu.memory_space<hbm>>
      %dma_start3A_116 = arith.constant 0 : i32
      %dma_start3A_117 = tpu.memref_slice %arg15[%sub3A_111, %dma_start3A_116] : memref<2x1024xi32, #tpu.memory_space<vmem>> -> memref<1x1024xi32, #tpu.memory_space<vmem>>
      %dma_start3A_118 = tpu.memref_squeeze %dma_start3A_117 : memref<1x1024xi32, #tpu.memory_space<vmem>> -> memref<1024xi32, #tpu.memory_space<vmem>>
      %dma_start3A_119 = tpu.memref_slice %arg3[%multiple_of3A_36] : memref<6400000xi32, #tpu.memory_space<hbm>> -> memref<1024xi32, #tpu.memory_space<hbm>>
      tpu.enqueue_dma source(%dma_start3A_119 : memref<1024xi32, #tpu.memory_space<hbm>>) target(%dma_start3A_118 : memref<1024xi32, #tpu.memory_space<vmem>>) target_semaphore(%arg20 : memref<!tpu.dma_semaphore, #tpu.memory_space<semaphore_mem>>)
      %dma_wait3A = arith.constant 0 : i32
      %dma_wait3A_120 = arith.constant 0 : i32
      %dma_wait3A_121 = tpu.memref_slice %arg16[%dma_wait3A, %dma_wait3A_120] : memref<1024x3xf32, #tpu.memory_space<vmem>> -> memref<256x3xf32, #tpu.memory_space<vmem>>
      %dma_wait3A_122 = arith.constant 0 : i32
      %dma_wait3A_123 = tpu.memref_slice %arg14[%rem3A_28, %dma_wait3A_122] : memref<2x1024xi32, #tpu.memory_space<vmem>> -> memref<1x256xi32, #tpu.memory_space<vmem>>
      %dma_wait3A_124 = tpu.memref_squeeze %dma_wait3A_123 : memref<1x256xi32, #tpu.memory_space<vmem>> -> memref<256xi32, #tpu.memory_space<vmem>>
      %dma_wait3A_125 = arith.constant 0 : i32
      %dma_wait3A_126 = arith.constant 0 : i32
      %dma_wait3A_127 = tpu.memref_slice %arg8[%dma_wait3A_125, %dma_wait3A_126] : memref<100352x3xf32, #tpu.memory_space<vmem_shared>> -> memref<100352x3xf32, #tpu.memory_space<vmem_shared>>
      tpu.wait_indirect_dma semaphore(%arg18 : memref<!tpu.dma_semaphore, #tpu.memory_space<semaphore_mem>>) src(%dma_wait3A_127 : memref<100352x3xf32, #tpu.memory_space<vmem_shared>>) dst(%dma_wait3A_121 : memref<256x3xf32, #tpu.memory_space<vmem>>)
      %dma_wait3A_128 = arith.constant 0 : i32
      %dma_wait3A_129 = tpu.memref_slice %arg17[%dma_wait3A_128] : memref<1024xf32, #tpu.memory_space<vmem>> -> memref<256xf32, #tpu.memory_space<vmem>>
      %dma_wait3A_130 = arith.constant 0 : i32
      %dma_wait3A_131 = tpu.memref_slice %arg15[%rem3A_28, %dma_wait3A_130] : memref<2x1024xi32, #tpu.memory_space<vmem>> -> memref<1x256xi32, #tpu.memory_space<vmem>>
      %dma_wait3A_132 = tpu.memref_squeeze %dma_wait3A_131 : memref<1x256xi32, #tpu.memory_space<vmem>> -> memref<256xi32, #tpu.memory_space<vmem>>
      %dma_wait3A_133 = arith.constant 0 : i32
      %dma_wait3A_134 = tpu.memref_slice %arg10[%dma_wait3A_133] : memref<100352xf32, #tpu.memory_space<vmem_shared>> -> memref<100352xf32, #tpu.memory_space<vmem_shared>>
      tpu.wait_indirect_dma semaphore(%arg18 : memref<!tpu.dma_semaphore, #tpu.memory_space<semaphore_mem>>) src(%dma_wait3A_134 : memref<100352xf32, #tpu.memory_space<vmem_shared>>) dst(%dma_wait3A_129 : memref<256xf32, #tpu.memory_space<vmem>>)
      %dma_start3A_135 = arith.constant 0 : i32
      %dma_start3A_136 = arith.constant 0 : i32
      %dma_start3A_137 = tpu.memref_slice %arg16[%dma_start3A_135, %dma_start3A_136] : memref<1024x3xf32, #tpu.memory_space<vmem>> -> memref<256x3xf32, #tpu.memory_space<vmem>>
      %dma_start3A_138 = arith.constant 0 : i32
      %dma_start3A_139 = tpu.memref_slice %arg15[%rem3A_28, %dma_start3A_138] : memref<2x1024xi32, #tpu.memory_space<vmem>> -> memref<1x256xi32, #tpu.memory_space<vmem>>
      %dma_start3A_140 = tpu.memref_squeeze %dma_start3A_139 : memref<1x256xi32, #tpu.memory_space<vmem>> -> memref<256xi32, #tpu.memory_space<vmem>>
      %dma_start3A_141 = arith.constant 0 : i32
      %dma_start3A_142 = arith.constant 0 : i32
      %dma_start3A_143 = tpu.memref_slice %arg9[%dma_start3A_141, %dma_start3A_142] : memref<100352x3xf32, #tpu.memory_space<vmem_shared>> -> memref<100352x3xf32, #tpu.memory_space<vmem_shared>>
      tpu.enqueue_indirect_dma source(%dma_start3A_137 : memref<256x3xf32, #tpu.memory_space<vmem>>) target(%dma_start3A_143 : memref<100352x3xf32, #tpu.memory_space<vmem_shared>>) offsets(%dma_start3A_140 : memref<256xi32, #tpu.memory_space<vmem>>) semaphore(%arg19 : memref<!tpu.dma_semaphore, #tpu.memory_space<semaphore_mem>>) {add = true}
      %dma_start3A_144 = arith.constant 0 : i32
      %dma_start3A_145 = tpu.memref_slice %arg17[%dma_start3A_144] : memref<1024xf32, #tpu.memory_space<vmem>> -> memref<256xf32, #tpu.memory_space<vmem>>
      %dma_start3A_146 = arith.constant 0 : i32
      %dma_start3A_147 = tpu.memref_slice %arg14[%rem3A_28, %dma_start3A_146] : memref<2x1024xi32, #tpu.memory_space<vmem>> -> memref<1x256xi32, #tpu.memory_space<vmem>>
      %dma_start3A_148 = tpu.memref_squeeze %dma_start3A_147 : memref<1x256xi32, #tpu.memory_space<vmem>> -> memref<256xi32, #tpu.memory_space<vmem>>
      %dma_start3A_149 = arith.constant 0 : i32
      %dma_start3A_150 = tpu.memref_slice %arg11[%dma_start3A_149] : memref<100352xf32, #tpu.memory_space<vmem_shared>> -> memref<100352xf32, #tpu.memory_space<vmem_shared>>
      tpu.enqueue_indirect_dma source(%dma_start3A_145 : memref<256xf32, #tpu.memory_space<vmem>>) target(%dma_start3A_150 : memref<100352xf32, #tpu.memory_space<vmem_shared>>) offsets(%dma_start3A_148 : memref<256xi32, #tpu.memory_space<vmem>>) semaphore(%arg19 : memref<!tpu.dma_semaphore, #tpu.memory_space<semaphore_mem>>) {add = true}
      %dma_wait3A_151 = arith.constant 256 : i32
      %dma_wait3A_152 = arith.constant 0 : i32
      %dma_wait3A_153 = tpu.memref_slice %arg16[%dma_wait3A_151, %dma_wait3A_152] : memref<1024x3xf32, #tpu.memory_space<vmem>> -> memref<256x3xf32, #tpu.memory_space<vmem>>
      %dma_wait3A_154 = arith.constant 256 : i32
      %dma_wait3A_155 = tpu.memref_slice %arg14[%rem3A_28, %dma_wait3A_154] : memref<2x1024xi32, #tpu.memory_space<vmem>> -> memref<1x256xi32, #tpu.memory_space<vmem>>
      %dma_wait3A_156 = tpu.memref_squeeze %dma_wait3A_155 : memref<1x256xi32, #tpu.memory_space<vmem>> -> memref<256xi32, #tpu.memory_space<vmem>>
      %dma_wait3A_157 = arith.constant 0 : i32
      %dma_wait3A_158 = arith.constant 0 : i32
      %dma_wait3A_159 = tpu.memref_slice %arg8[%dma_wait3A_157, %dma_wait3A_158] : memref<100352x3xf32, #tpu.memory_space<vmem_shared>> -> memref<100352x3xf32, #tpu.memory_space<vmem_shared>>
      tpu.wait_indirect_dma semaphore(%arg18 : memref<!tpu.dma_semaphore, #tpu.memory_space<semaphore_mem>>) src(%dma_wait3A_159 : memref<100352x3xf32, #tpu.memory_space<vmem_shared>>) dst(%dma_wait3A_153 : memref<256x3xf32, #tpu.memory_space<vmem>>)
      %dma_wait3A_160 = arith.constant 256 : i32
      %dma_wait3A_161 = tpu.memref_slice %arg17[%dma_wait3A_160] : memref<1024xf32, #tpu.memory_space<vmem>> -> memref<256xf32, #tpu.memory_space<vmem>>
      %dma_wait3A_162 = arith.constant 256 : i32
      %dma_wait3A_163 = tpu.memref_slice %arg15[%rem3A_28, %dma_wait3A_162] : memref<2x1024xi32, #tpu.memory_space<vmem>> -> memref<1x256xi32, #tpu.memory_space<vmem>>
      %dma_wait3A_164 = tpu.memref_squeeze %dma_wait3A_163 : memref<1x256xi32, #tpu.memory_space<vmem>> -> memref<256xi32, #tpu.memory_space<vmem>>
      %dma_wait3A_165 = arith.constant 0 : i32
      %dma_wait3A_166 = tpu.memref_slice %arg10[%dma_wait3A_165] : memref<100352xf32, #tpu.memory_space<vmem_shared>> -> memref<100352xf32, #tpu.memory_space<vmem_shared>>
      tpu.wait_indirect_dma semaphore(%arg18 : memref<!tpu.dma_semaphore, #tpu.memory_space<semaphore_mem>>) src(%dma_wait3A_166 : memref<100352xf32, #tpu.memory_space<vmem_shared>>) dst(%dma_wait3A_161 : memref<256xf32, #tpu.memory_space<vmem>>)
      %dma_start3A_167 = arith.constant 256 : i32
      %dma_start3A_168 = arith.constant 0 : i32
      %dma_start3A_169 = tpu.memref_slice %arg16[%dma_start3A_167, %dma_start3A_168] : memref<1024x3xf32, #tpu.memory_space<vmem>> -> memref<256x3xf32, #tpu.memory_space<vmem>>
      %dma_start3A_170 = arith.constant 256 : i32
      %dma_start3A_171 = tpu.memref_slice %arg15[%rem3A_28, %dma_start3A_170] : memref<2x1024xi32, #tpu.memory_space<vmem>> -> memref<1x256xi32, #tpu.memory_space<vmem>>
      %dma_start3A_172 = tpu.memref_squeeze %dma_start3A_171 : memref<1x256xi32, #tpu.memory_space<vmem>> -> memref<256xi32, #tpu.memory_space<vmem>>
      %dma_start3A_173 = arith.constant 0 : i32
      %dma_start3A_174 = arith.constant 0 : i32
      %dma_start3A_175 = tpu.memref_slice %arg9[%dma_start3A_173, %dma_start3A_174] : memref<100352x3xf32, #tpu.memory_space<vmem_shared>> -> memref<100352x3xf32, #tpu.memory_space<vmem_shared>>
      tpu.enqueue_indirect_dma source(%dma_start3A_169 : memref<256x3xf32, #tpu.memory_space<vmem>>) target(%dma_start3A_175 : memref<100352x3xf32, #tpu.memory_space<vmem_shared>>) offsets(%dma_start3A_172 : memref<256xi32, #tpu.memory_space<vmem>>) semaphore(%arg19 : memref<!tpu.dma_semaphore, #tpu.memory_space<semaphore_mem>>) {add = true}
      %dma_start3A_176 = arith.constant 256 : i32
      %dma_start3A_177 = tpu.memref_slice %arg17[%dma_start3A_176] : memref<1024xf32, #tpu.memory_space<vmem>> -> memref<256xf32, #tpu.memory_space<vmem>>
      %dma_start3A_178 = arith.constant 256 : i32
      %dma_start3A_179 = tpu.memref_slice %arg14[%rem3A_28, %dma_start3A_178] : memref<2x1024xi32, #tpu.memory_space<vmem>> -> memref<1x256xi32, #tpu.memory_space<vmem>>
      %dma_start3A_180 = tpu.memref_squeeze %dma_start3A_179 : memref<1x256xi32, #tpu.memory_space<vmem>> -> memref<256xi32, #tpu.memory_space<vmem>>
      %dma_start3A_181 = arith.constant 0 : i32
      %dma_start3A_182 = tpu.memref_slice %arg11[%dma_start3A_181] : memref<100352xf32, #tpu.memory_space<vmem_shared>> -> memref<100352xf32, #tpu.memory_space<vmem_shared>>
      tpu.enqueue_indirect_dma source(%dma_start3A_177 : memref<256xf32, #tpu.memory_space<vmem>>) target(%dma_start3A_182 : memref<100352xf32, #tpu.memory_space<vmem_shared>>) offsets(%dma_start3A_180 : memref<256xi32, #tpu.memory_space<vmem>>) semaphore(%arg19 : memref<!tpu.dma_semaphore, #tpu.memory_space<semaphore_mem>>) {add = true}
      %dma_wait3A_183 = arith.constant 512 : i32
      %dma_wait3A_184 = arith.constant 0 : i32
      %dma_wait3A_185 = tpu.memref_slice %arg16[%dma_wait3A_183, %dma_wait3A_184] : memref<1024x3xf32, #tpu.memory_space<vmem>> -> memref<256x3xf32, #tpu.memory_space<vmem>>
      %dma_wait3A_186 = arith.constant 512 : i32
      %dma_wait3A_187 = tpu.memref_slice %arg14[%rem3A_28, %dma_wait3A_186] : memref<2x1024xi32, #tpu.memory_space<vmem>> -> memref<1x256xi32, #tpu.memory_space<vmem>>
      %dma_wait3A_188 = tpu.memref_squeeze %dma_wait3A_187 : memref<1x256xi32, #tpu.memory_space<vmem>> -> memref<256xi32, #tpu.memory_space<vmem>>
      %dma_wait3A_189 = arith.constant 0 : i32
      %dma_wait3A_190 = arith.constant 0 : i32
      %dma_wait3A_191 = tpu.memref_slice %arg8[%dma_wait3A_189, %dma_wait3A_190] : memref<100352x3xf32, #tpu.memory_space<vmem_shared>> -> memref<100352x3xf32, #tpu.memory_space<vmem_shared>>
      tpu.wait_indirect_dma semaphore(%arg18 : memref<!tpu.dma_semaphore, #tpu.memory_space<semaphore_mem>>) src(%dma_wait3A_191 : memref<100352x3xf32, #tpu.memory_space<vmem_shared>>) dst(%dma_wait3A_185 : memref<256x3xf32, #tpu.memory_space<vmem>>)
      %dma_wait3A_192 = arith.constant 512 : i32
      %dma_wait3A_193 = tpu.memref_slice %arg17[%dma_wait3A_192] : memref<1024xf32, #tpu.memory_space<vmem>> -> memref<256xf32, #tpu.memory_space<vmem>>
      %dma_wait3A_194 = arith.constant 512 : i32
      %dma_wait3A_195 = tpu.memref_slice %arg15[%rem3A_28, %dma_wait3A_194] : memref<2x1024xi32, #tpu.memory_space<vmem>> -> memref<1x256xi32, #tpu.memory_space<vmem>>
      %dma_wait3A_196 = tpu.memref_squeeze %dma_wait3A_195 : memref<1x256xi32, #tpu.memory_space<vmem>> -> memref<256xi32, #tpu.memory_space<vmem>>
      %dma_wait3A_197 = arith.constant 0 : i32
      %dma_wait3A_198 = tpu.memref_slice %arg10[%dma_wait3A_197] : memref<100352xf32, #tpu.memory_space<vmem_shared>> -> memref<100352xf32, #tpu.memory_space<vmem_shared>>
      tpu.wait_indirect_dma semaphore(%arg18 : memref<!tpu.dma_semaphore, #tpu.memory_space<semaphore_mem>>) src(%dma_wait3A_198 : memref<100352xf32, #tpu.memory_space<vmem_shared>>) dst(%dma_wait3A_193 : memref<256xf32, #tpu.memory_space<vmem>>)
      %dma_start3A_199 = arith.constant 512 : i32
      %dma_start3A_200 = arith.constant 0 : i32
      %dma_start3A_201 = tpu.memref_slice %arg16[%dma_start3A_199, %dma_start3A_200] : memref<1024x3xf32, #tpu.memory_space<vmem>> -> memref<256x3xf32, #tpu.memory_space<vmem>>
      %dma_start3A_202 = arith.constant 512 : i32
      %dma_start3A_203 = tpu.memref_slice %arg15[%rem3A_28, %dma_start3A_202] : memref<2x1024xi32, #tpu.memory_space<vmem>> -> memref<1x256xi32, #tpu.memory_space<vmem>>
      %dma_start3A_204 = tpu.memref_squeeze %dma_start3A_203 : memref<1x256xi32, #tpu.memory_space<vmem>> -> memref<256xi32, #tpu.memory_space<vmem>>
      %dma_start3A_205 = arith.constant 0 : i32
      %dma_start3A_206 = arith.constant 0 : i32
      %dma_start3A_207 = tpu.memref_slice %arg9[%dma_start3A_205, %dma_start3A_206] : memref<100352x3xf32, #tpu.memory_space<vmem_shared>> -> memref<100352x3xf32, #tpu.memory_space<vmem_shared>>
      tpu.enqueue_indirect_dma source(%dma_start3A_201 : memref<256x3xf32, #tpu.memory_space<vmem>>) target(%dma_start3A_207 : memref<100352x3xf32, #tpu.memory_space<vmem_shared>>) offsets(%dma_start3A_204 : memref<256xi32, #tpu.memory_space<vmem>>) semaphore(%arg19 : memref<!tpu.dma_semaphore, #tpu.memory_space<semaphore_mem>>) {add = true}
      %dma_start3A_208 = arith.constant 512 : i32
      %dma_start3A_209 = tpu.memref_slice %arg17[%dma_start3A_208] : memref<1024xf32, #tpu.memory_space<vmem>> -> memref<256xf32, #tpu.memory_space<vmem>>
      %dma_start3A_210 = arith.constant 512 : i32
      %dma_start3A_211 = tpu.memref_slice %arg14[%rem3A_28, %dma_start3A_210] : memref<2x1024xi32, #tpu.memory_space<vmem>> -> memref<1x256xi32, #tpu.memory_space<vmem>>
      %dma_start3A_212 = tpu.memref_squeeze %dma_start3A_211 : memref<1x256xi32, #tpu.memory_space<vmem>> -> memref<256xi32, #tpu.memory_space<vmem>>
      %dma_start3A_213 = arith.constant 0 : i32
      %dma_start3A_214 = tpu.memref_slice %arg11[%dma_start3A_213] : memref<100352xf32, #tpu.memory_space<vmem_shared>> -> memref<100352xf32, #tpu.memory_space<vmem_shared>>
      tpu.enqueue_indirect_dma source(%dma_start3A_209 : memref<256xf32, #tpu.memory_space<vmem>>) target(%dma_start3A_214 : memref<100352xf32, #tpu.memory_space<vmem_shared>>) offsets(%dma_start3A_212 : memref<256xi32, #tpu.memory_space<vmem>>) semaphore(%arg19 : memref<!tpu.dma_semaphore, #tpu.memory_space<semaphore_mem>>) {add = true}
      %dma_wait3A_215 = arith.constant 768 : i32
      %dma_wait3A_216 = arith.constant 0 : i32
      %dma_wait3A_217 = tpu.memref_slice %arg16[%dma_wait3A_215, %dma_wait3A_216] : memref<1024x3xf32, #tpu.memory_space<vmem>> -> memref<256x3xf32, #tpu.memory_space<vmem>>
      %dma_wait3A_218 = arith.constant 768 : i32
      %dma_wait3A_219 = tpu.memref_slice %arg14[%rem3A_28, %dma_wait3A_218] : memref<2x1024xi32, #tpu.memory_space<vmem>> -> memref<1x256xi32, #tpu.memory_space<vmem>>
      %dma_wait3A_220 = tpu.memref_squeeze %dma_wait3A_219 : memref<1x256xi32, #tpu.memory_space<vmem>> -> memref<256xi32, #tpu.memory_space<vmem>>
      %dma_wait3A_221 = arith.constant 0 : i32
      %dma_wait3A_222 = arith.constant 0 : i32
      %dma_wait3A_223 = tpu.memref_slice %arg8[%dma_wait3A_221, %dma_wait3A_222] : memref<100352x3xf32, #tpu.memory_space<vmem_shared>> -> memref<100352x3xf32, #tpu.memory_space<vmem_shared>>
      tpu.wait_indirect_dma semaphore(%arg18 : memref<!tpu.dma_semaphore, #tpu.memory_space<semaphore_mem>>) src(%dma_wait3A_223 : memref<100352x3xf32, #tpu.memory_space<vmem_shared>>) dst(%dma_wait3A_217 : memref<256x3xf32, #tpu.memory_space<vmem>>)
      %dma_wait3A_224 = arith.constant 768 : i32
      %dma_wait3A_225 = tpu.memref_slice %arg17[%dma_wait3A_224] : memref<1024xf32, #tpu.memory_space<vmem>> -> memref<256xf32, #tpu.memory_space<vmem>>
      %dma_wait3A_226 = arith.constant 768 : i32
      %dma_wait3A_227 = tpu.memref_slice %arg15[%rem3A_28, %dma_wait3A_226] : memref<2x1024xi32, #tpu.memory_space<vmem>> -> memref<1x256xi32, #tpu.memory_space<vmem>>
      %dma_wait3A_228 = tpu.memref_squeeze %dma_wait3A_227 : memref<1x256xi32, #tpu.memory_space<vmem>> -> memref<256xi32, #tpu.memory_space<vmem>>
      %dma_wait3A_229 = arith.constant 0 : i32
      %dma_wait3A_230 = tpu.memref_slice %arg10[%dma_wait3A_229] : memref<100352xf32, #tpu.memory_space<vmem_shared>> -> memref<100352xf32, #tpu.memory_space<vmem_shared>>
      tpu.wait_indirect_dma semaphore(%arg18 : memref<!tpu.dma_semaphore, #tpu.memory_space<semaphore_mem>>) src(%dma_wait3A_230 : memref<100352xf32, #tpu.memory_space<vmem_shared>>) dst(%dma_wait3A_225 : memref<256xf32, #tpu.memory_space<vmem>>)
      %dma_start3A_231 = arith.constant 768 : i32
      %dma_start3A_232 = arith.constant 0 : i32
      %dma_start3A_233 = tpu.memref_slice %arg16[%dma_start3A_231, %dma_start3A_232] : memref<1024x3xf32, #tpu.memory_space<vmem>> -> memref<256x3xf32, #tpu.memory_space<vmem>>
      %dma_start3A_234 = arith.constant 768 : i32
      %dma_start3A_235 = tpu.memref_slice %arg15[%rem3A_28, %dma_start3A_234] : memref<2x1024xi32, #tpu.memory_space<vmem>> -> memref<1x256xi32, #tpu.memory_space<vmem>>
      %dma_start3A_236 = tpu.memref_squeeze %dma_start3A_235 : memref<1x256xi32, #tpu.memory_space<vmem>> -> memref<256xi32, #tpu.memory_space<vmem>>
      %dma_start3A_237 = arith.constant 0 : i32
      %dma_start3A_238 = arith.constant 0 : i32
      %dma_start3A_239 = tpu.memref_slice %arg9[%dma_start3A_237, %dma_start3A_238] : memref<100352x3xf32, #tpu.memory_space<vmem_shared>> -> memref<100352x3xf32, #tpu.memory_space<vmem_shared>>
      tpu.enqueue_indirect_dma source(%dma_start3A_233 : memref<256x3xf32, #tpu.memory_space<vmem>>) target(%dma_start3A_239 : memref<100352x3xf32, #tpu.memory_space<vmem_shared>>) offsets(%dma_start3A_236 : memref<256xi32, #tpu.memory_space<vmem>>) semaphore(%arg19 : memref<!tpu.dma_semaphore, #tpu.memory_space<semaphore_mem>>) {add = true}
      %dma_start3A_240 = arith.constant 768 : i32
      %dma_start3A_241 = tpu.memref_slice %arg17[%dma_start3A_240] : memref<1024xf32, #tpu.memory_space<vmem>> -> memref<256xf32, #tpu.memory_space<vmem>>
      %dma_start3A_242 = arith.constant 768 : i32
      %dma_start3A_243 = tpu.memref_slice %arg14[%rem3A_28, %dma_start3A_242] : memref<2x1024xi32, #tpu.memory_space<vmem>> -> memref<1x256xi32, #tpu.memory_space<vmem>>
      %dma_start3A_244 = tpu.memref_squeeze %dma_start3A_243 : memref<1x256xi32, #tpu.memory_space<vmem>> -> memref<256xi32, #tpu.memory_space<vmem>>
      %dma_start3A_245 = arith.constant 0 : i32
      %dma_start3A_246 = tpu.memref_slice %arg11[%dma_start3A_245] : memref<100352xf32, #tpu.memory_space<vmem_shared>> -> memref<100352xf32, #tpu.memory_space<vmem_shared>>
      tpu.enqueue_indirect_dma source(%dma_start3A_241 : memref<256xf32, #tpu.memory_space<vmem>>) target(%dma_start3A_246 : memref<100352xf32, #tpu.memory_space<vmem_shared>>) offsets(%dma_start3A_244 : memref<256xi32, #tpu.memory_space<vmem>>) semaphore(%arg19 : memref<!tpu.dma_semaphore, #tpu.memory_space<semaphore_mem>>) {add = true}
      %dma_wait3A_247 = arith.constant 0 : i32
      %dma_wait3A_248 = arith.constant 0 : i32
      %dma_wait3A_249 = tpu.memref_slice %arg16[%dma_wait3A_247, %dma_wait3A_248] : memref<1024x3xf32, #tpu.memory_space<vmem>> -> memref<256x3xf32, #tpu.memory_space<vmem>>
      %dma_wait3A_250 = arith.constant 0 : i32
      %dma_wait3A_251 = tpu.memref_slice %arg15[%rem3A_28, %dma_wait3A_250] : memref<2x1024xi32, #tpu.memory_space<vmem>> -> memref<1x256xi32, #tpu.memory_space<vmem>>
      %dma_wait3A_252 = tpu.memref_squeeze %dma_wait3A_251 : memref<1x256xi32, #tpu.memory_space<vmem>> -> memref<256xi32, #tpu.memory_space<vmem>>
      %dma_wait3A_253 = arith.constant 0 : i32
      %dma_wait3A_254 = arith.constant 0 : i32
      %dma_wait3A_255 = tpu.memref_slice %arg9[%dma_wait3A_253, %dma_wait3A_254] : memref<100352x3xf32, #tpu.memory_space<vmem_shared>> -> memref<100352x3xf32, #tpu.memory_space<vmem_shared>>
      tpu.wait_indirect_dma semaphore(%arg19 : memref<!tpu.dma_semaphore, #tpu.memory_space<semaphore_mem>>) src(%dma_wait3A_249 : memref<256x3xf32, #tpu.memory_space<vmem>>) dst(%dma_wait3A_255 : memref<100352x3xf32, #tpu.memory_space<vmem_shared>>)
      %dma_wait3A_256 = arith.constant 0 : i32
      %dma_wait3A_257 = tpu.memref_slice %arg17[%dma_wait3A_256] : memref<1024xf32, #tpu.memory_space<vmem>> -> memref<256xf32, #tpu.memory_space<vmem>>
      %dma_wait3A_258 = arith.constant 0 : i32
      %dma_wait3A_259 = tpu.memref_slice %arg14[%rem3A_28, %dma_wait3A_258] : memref<2x1024xi32, #tpu.memory_space<vmem>> -> memref<1x256xi32, #tpu.memory_space<vmem>>
      %dma_wait3A_260 = tpu.memref_squeeze %dma_wait3A_259 : memref<1x256xi32, #tpu.memory_space<vmem>> -> memref<256xi32, #tpu.memory_space<vmem>>
      %dma_wait3A_261 = arith.constant 0 : i32
      %dma_wait3A_262 = tpu.memref_slice %arg11[%dma_wait3A_261] : memref<100352xf32, #tpu.memory_space<vmem_shared>> -> memref<100352xf32, #tpu.memory_space<vmem_shared>>
      tpu.wait_indirect_dma semaphore(%arg19 : memref<!tpu.dma_semaphore, #tpu.memory_space<semaphore_mem>>) src(%dma_wait3A_257 : memref<256xf32, #tpu.memory_space<vmem>>) dst(%dma_wait3A_262 : memref<100352xf32, #tpu.memory_space<vmem_shared>>)
      %dma_wait3A_263 = arith.constant 256 : i32
      %dma_wait3A_264 = arith.constant 0 : i32
      %dma_wait3A_265 = tpu.memref_slice %arg16[%dma_wait3A_263, %dma_wait3A_264] : memref<1024x3xf32, #tpu.memory_space<vmem>> -> memref<256x3xf32, #tpu.memory_space<vmem>>
      %dma_wait3A_266 = arith.constant 256 : i32
      %dma_wait3A_267 = tpu.memref_slice %arg15[%rem3A_28, %dma_wait3A_266] : memref<2x1024xi32, #tpu.memory_space<vmem>> -> memref<1x256xi32, #tpu.memory_space<vmem>>
      %dma_wait3A_268 = tpu.memref_squeeze %dma_wait3A_267 : memref<1x256xi32, #tpu.memory_space<vmem>> -> memref<256xi32, #tpu.memory_space<vmem>>
      %dma_wait3A_269 = arith.constant 0 : i32
      %dma_wait3A_270 = arith.constant 0 : i32
      %dma_wait3A_271 = tpu.memref_slice %arg9[%dma_wait3A_269, %dma_wait3A_270] : memref<100352x3xf32, #tpu.memory_space<vmem_shared>> -> memref<100352x3xf32, #tpu.memory_space<vmem_shared>>
      tpu.wait_indirect_dma semaphore(%arg19 : memref<!tpu.dma_semaphore, #tpu.memory_space<semaphore_mem>>) src(%dma_wait3A_265 : memref<256x3xf32, #tpu.memory_space<vmem>>) dst(%dma_wait3A_271 : memref<100352x3xf32, #tpu.memory_space<vmem_shared>>)
      %dma_wait3A_272 = arith.constant 256 : i32
      %dma_wait3A_273 = tpu.memref_slice %arg17[%dma_wait3A_272] : memref<1024xf32, #tpu.memory_space<vmem>> -> memref<256xf32, #tpu.memory_space<vmem>>
      %dma_wait3A_274 = arith.constant 256 : i32
      %dma_wait3A_275 = tpu.memref_slice %arg14[%rem3A_28, %dma_wait3A_274] : memref<2x1024xi32, #tpu.memory_space<vmem>> -> memref<1x256xi32, #tpu.memory_space<vmem>>
      %dma_wait3A_276 = tpu.memref_squeeze %dma_wait3A_275 : memref<1x256xi32, #tpu.memory_space<vmem>> -> memref<256xi32, #tpu.memory_space<vmem>>
      %dma_wait3A_277 = arith.constant 0 : i32
      %dma_wait3A_278 = tpu.memref_slice %arg11[%dma_wait3A_277] : memref<100352xf32, #tpu.memory_space<vmem_shared>> -> memref<100352xf32, #tpu.memory_space<vmem_shared>>
      tpu.wait_indirect_dma semaphore(%arg19 : memref<!tpu.dma_semaphore, #tpu.memory_space<semaphore_mem>>) src(%dma_wait3A_273 : memref<256xf32, #tpu.memory_space<vmem>>) dst(%dma_wait3A_278 : memref<100352xf32, #tpu.memory_space<vmem_shared>>)
      %dma_wait3A_279 = arith.constant 512 : i32
      %dma_wait3A_280 = arith.constant 0 : i32
      %dma_wait3A_281 = tpu.memref_slice %arg16[%dma_wait3A_279, %dma_wait3A_280] : memref<1024x3xf32, #tpu.memory_space<vmem>> -> memref<256x3xf32, #tpu.memory_space<vmem>>
      %dma_wait3A_282 = arith.constant 512 : i32
      %dma_wait3A_283 = tpu.memref_slice %arg15[%rem3A_28, %dma_wait3A_282] : memref<2x1024xi32, #tpu.memory_space<vmem>> -> memref<1x256xi32, #tpu.memory_space<vmem>>
      %dma_wait3A_284 = tpu.memref_squeeze %dma_wait3A_283 : memref<1x256xi32, #tpu.memory_space<vmem>> -> memref<256xi32, #tpu.memory_space<vmem>>
      %dma_wait3A_285 = arith.constant 0 : i32
      %dma_wait3A_286 = arith.constant 0 : i32
      %dma_wait3A_287 = tpu.memref_slice %arg9[%dma_wait3A_285, %dma_wait3A_286] : memref<100352x3xf32, #tpu.memory_space<vmem_shared>> -> memref<100352x3xf32, #tpu.memory_space<vmem_shared>>
      tpu.wait_indirect_dma semaphore(%arg19 : memref<!tpu.dma_semaphore, #tpu.memory_space<semaphore_mem>>) src(%dma_wait3A_281 : memref<256x3xf32, #tpu.memory_space<vmem>>) dst(%dma_wait3A_287 : memref<100352x3xf32, #tpu.memory_space<vmem_shared>>)
      %dma_wait3A_288 = arith.constant 512 : i32
      %dma_wait3A_289 = tpu.memref_slice %arg17[%dma_wait3A_288] : memref<1024xf32, #tpu.memory_space<vmem>> -> memref<256xf32, #tpu.memory_space<vmem>>
      %dma_wait3A_290 = arith.constant 512 : i32
      %dma_wait3A_291 = tpu.memref_slice %arg14[%rem3A_28, %dma_wait3A_290] : memref<2x1024xi32, #tpu.memory_space<vmem>> -> memref<1x256xi32, #tpu.memory_space<vmem>>
      %dma_wait3A_292 = tpu.memref_squeeze %dma_wait3A_291 : memref<1x256xi32, #tpu.memory_space<vmem>> -> memref<256xi32, #tpu.memory_space<vmem>>
      %dma_wait3A_293 = arith.constant 0 : i32
      %dma_wait3A_294 = tpu.memref_slice %arg11[%dma_wait3A_293] : memref<100352xf32, #tpu.memory_space<vmem_shared>> -> memref<100352xf32, #tpu.memory_space<vmem_shared>>
      tpu.wait_indirect_dma semaphore(%arg19 : memref<!tpu.dma_semaphore, #tpu.memory_space<semaphore_mem>>) src(%dma_wait3A_289 : memref<256xf32, #tpu.memory_space<vmem>>) dst(%dma_wait3A_294 : memref<100352xf32, #tpu.memory_space<vmem_shared>>)
      %dma_wait3A_295 = arith.constant 768 : i32
      %dma_wait3A_296 = arith.constant 0 : i32
      %dma_wait3A_297 = tpu.memref_slice %arg16[%dma_wait3A_295, %dma_wait3A_296] : memref<1024x3xf32, #tpu.memory_space<vmem>> -> memref<256x3xf32, #tpu.memory_space<vmem>>
      %dma_wait3A_298 = arith.constant 768 : i32
      %dma_wait3A_299 = tpu.memref_slice %arg15[%rem3A_28, %dma_wait3A_298] : memref<2x1024xi32, #tpu.memory_space<vmem>> -> memref<1x256xi32, #tpu.memory_space<vmem>>
      %dma_wait3A_300 = tpu.memref_squeeze %dma_wait3A_299 : memref<1x256xi32, #tpu.memory_space<vmem>> -> memref<256xi32, #tpu.memory_space<vmem>>
      %dma_wait3A_301 = arith.constant 0 : i32
      %dma_wait3A_302 = arith.constant 0 : i32
      %dma_wait3A_303 = tpu.memref_slice %arg9[%dma_wait3A_301, %dma_wait3A_302] : memref<100352x3xf32, #tpu.memory_space<vmem_shared>> -> memref<100352x3xf32, #tpu.memory_space<vmem_shared>>
      tpu.wait_indirect_dma semaphore(%arg19 : memref<!tpu.dma_semaphore, #tpu.memory_space<semaphore_mem>>) src(%dma_wait3A_297 : memref<256x3xf32, #tpu.memory_space<vmem>>) dst(%dma_wait3A_303 : memref<100352x3xf32, #tpu.memory_space<vmem_shared>>)
      %dma_wait3A_304 = arith.constant 768 : i32
      %dma_wait3A_305 = tpu.memref_slice %arg17[%dma_wait3A_304] : memref<1024xf32, #tpu.memory_space<vmem>> -> memref<256xf32, #tpu.memory_space<vmem>>
      %dma_wait3A_306 = arith.constant 768 : i32
      %dma_wait3A_307 = tpu.memref_slice %arg14[%rem3A_28, %dma_wait3A_306] : memref<2x1024xi32, #tpu.memory_space<vmem>> -> memref<1x256xi32, #tpu.memory_space<vmem>>
      %dma_wait3A_308 = tpu.memref_squeeze %dma_wait3A_307 : memref<1x256xi32, #tpu.memory_space<vmem>> -> memref<256xi32, #tpu.memory_space<vmem>>
      %dma_wait3A_309 = arith.constant 0 : i32
      %dma_wait3A_310 = tpu.memref_slice %arg11[%dma_wait3A_309] : memref<100352xf32, #tpu.memory_space<vmem_shared>> -> memref<100352xf32, #tpu.memory_space<vmem_shared>>
      tpu.wait_indirect_dma semaphore(%arg19 : memref<!tpu.dma_semaphore, #tpu.memory_space<semaphore_mem>>) src(%dma_wait3A_305 : memref<256xf32, #tpu.memory_space<vmem>>) dst(%dma_wait3A_310 : memref<100352xf32, #tpu.memory_space<vmem_shared>>)
      %dma_wait3A_311 = arith.constant 0 : i32
      %dma_wait3A_312 = tpu.memref_slice %arg14[%sub3A_101, %dma_wait3A_311] : memref<2x1024xi32, #tpu.memory_space<vmem>> -> memref<1x1024xi32, #tpu.memory_space<vmem>>
      %dma_wait3A_313 = tpu.memref_squeeze %dma_wait3A_312 : memref<1x1024xi32, #tpu.memory_space<vmem>> -> memref<1024xi32, #tpu.memory_space<vmem>>
      %dma_wait3A_314 = tpu.memref_slice %arg2[%multiple_of3A_36] : memref<6400000xi32, #tpu.memory_space<hbm>> -> memref<1024xi32, #tpu.memory_space<hbm>>
      %dma_wait3A_315 = arith.constant 0 : i32
      %dma_wait3A_316 = tpu.memref_slice %arg14[%sub3A_101, %dma_wait3A_315] : memref<2x1024xi32, #tpu.memory_space<vmem>> -> memref<1x1024xi32, #tpu.memory_space<vmem>>
      %dma_wait3A_317 = tpu.memref_squeeze %dma_wait3A_316 : memref<1x1024xi32, #tpu.memory_space<vmem>> -> memref<1024xi32, #tpu.memory_space<vmem>>
      %dma_wait3A_318 = tpu.memref_slice %arg2[%multiple_of3A_36] : memref<6400000xi32, #tpu.memory_space<hbm>> -> memref<1024xi32, #tpu.memory_space<hbm>>
      tpu.wait_dma2 semaphore(%arg20 : memref<!tpu.dma_semaphore, #tpu.memory_space<semaphore_mem>>) src(%dma_wait3A_318 : memref<1024xi32, #tpu.memory_space<hbm>>) dst(%dma_wait3A_317 : memref<1024xi32, #tpu.memory_space<vmem>>)
      %dma_wait3A_319 = arith.constant 0 : i32
      %dma_wait3A_320 = tpu.memref_slice %arg15[%sub3A_111, %dma_wait3A_319] : memref<2x1024xi32, #tpu.memory_space<vmem>> -> memref<1x1024xi32, #tpu.memory_space<vmem>>
      %dma_wait3A_321 = tpu.memref_squeeze %dma_wait3A_320 : memref<1x1024xi32, #tpu.memory_space<vmem>> -> memref<1024xi32, #tpu.memory_space<vmem>>
      %dma_wait3A_322 = tpu.memref_slice %arg3[%multiple_of3A_36] : memref<6400000xi32, #tpu.memory_space<hbm>> -> memref<1024xi32, #tpu.memory_space<hbm>>
      %dma_wait3A_323 = arith.constant 0 : i32
      %dma_wait3A_324 = tpu.memref_slice %arg15[%sub3A_111, %dma_wait3A_323] : memref<2x1024xi32, #tpu.memory_space<vmem>> -> memref<1x1024xi32, #tpu.memory_space<vmem>>
      %dma_wait3A_325 = tpu.memref_squeeze %dma_wait3A_324 : memref<1x1024xi32, #tpu.memory_space<vmem>> -> memref<1024xi32, #tpu.memory_space<vmem>>
      %dma_wait3A_326 = tpu.memref_slice %arg3[%multiple_of3A_36] : memref<6400000xi32, #tpu.memory_space<hbm>> -> memref<1024xi32, #tpu.memory_space<hbm>>
      tpu.wait_dma2 semaphore(%arg20 : memref<!tpu.dma_semaphore, #tpu.memory_space<semaphore_mem>>) src(%dma_wait3A_326 : memref<1024xi32, #tpu.memory_space<hbm>>) dst(%dma_wait3A_325 : memref<1024xi32, #tpu.memory_space<vmem>>)
      %while3A_327 = arith.constant 0 : i32
      scf.yield %while3A_327 : i32
    }
    %while3A_23 = arith.constant 1 : i32
    %while3A_24 = scf.for %while3A_26 = %while3A_20 to %while3A_16 step %while3A_23 iter_args(%while3A_27 = %while3A_22) -> (i32)  : i32 {
      %rem3A = arith.constant 2 : i32
      %rem3A_28 = arith.remsi %while3A_26, %rem3A : i32
      %add3A_29 = arith.constant 1 : i32
      %add3A_30 = arith.addi %while3A_26, %add3A_29 : i32
      %sub3A = arith.constant 1 : i32
      %sub3A_31 = arith.subi %add3A_10, %sub3A : i32
      %min3A_32 = arith.minsi %add3A_30, %sub3A_31 : i32
      %add3A_33 = arith.addi %add3A_6, %min3A_32 : i32
      %mul3A_34 = arith.constant 1024 : i32
      %mul3A_35 = arith.muli %add3A_33, %mul3A_34 : i32
      %multiple_of3A_36 = tpu.assume_multiple %mul3A_35, 1024 : i32
      %dma_start3A = arith.constant 0 : i32
      %dma_start3A_37 = arith.constant 0 : i32
      %dma_start3A_38 = tpu.memref_slice %arg16[%dma_start3A, %dma_start3A_37] : memref<1024x3xf32, #tpu.memory_space<vmem>> -> memref<256x3xf32, #tpu.memory_space<vmem>>
      %dma_start3A_39 = arith.constant 0 : i32
      %dma_start3A_40 = tpu.memref_slice %arg14[%rem3A_28, %dma_start3A_39] : memref<2x1024xi32, #tpu.memory_space<vmem>> -> memref<1x256xi32, #tpu.memory_space<vmem>>
      %dma_start3A_41 = tpu.memref_squeeze %dma_start3A_40 : memref<1x256xi32, #tpu.memory_space<vmem>> -> memref<256xi32, #tpu.memory_space<vmem>>
      %dma_start3A_42 = arith.constant 0 : i32
      %dma_start3A_43 = arith.constant 0 : i32
      %dma_start3A_44 = tpu.memref_slice %arg8[%dma_start3A_42, %dma_start3A_43] : memref<100352x3xf32, #tpu.memory_space<vmem_shared>> -> memref<100352x3xf32, #tpu.memory_space<vmem_shared>>
      tpu.enqueue_indirect_dma source(%dma_start3A_44 : memref<100352x3xf32, #tpu.memory_space<vmem_shared>>) target(%dma_start3A_38 : memref<256x3xf32, #tpu.memory_space<vmem>>) offsets(%dma_start3A_41 : memref<256xi32, #tpu.memory_space<vmem>>) semaphore(%arg18 : memref<!tpu.dma_semaphore, #tpu.memory_space<semaphore_mem>>)
      %dma_start3A_45 = arith.constant 0 : i32
      %dma_start3A_46 = tpu.memref_slice %arg17[%dma_start3A_45] : memref<1024xf32, #tpu.memory_space<vmem>> -> memref<256xf32, #tpu.memory_space<vmem>>
      %dma_start3A_47 = arith.constant 0 : i32
      %dma_start3A_48 = tpu.memref_slice %arg15[%rem3A_28, %dma_start3A_47] : memref<2x1024xi32, #tpu.memory_space<vmem>> -> memref<1x256xi32, #tpu.memory_space<vmem>>
      %dma_start3A_49 = tpu.memref_squeeze %dma_start3A_48 : memref<1x256xi32, #tpu.memory_space<vmem>> -> memref<256xi32, #tpu.memory_space<vmem>>
      %dma_start3A_50 = arith.constant 0 : i32
      %dma_start3A_51 = tpu.memref_slice %arg10[%dma_start3A_50] : memref<100352xf32, #tpu.memory_space<vmem_shared>> -> memref<100352xf32, #tpu.memory_space<vmem_shared>>
      tpu.enqueue_indirect_dma source(%dma_start3A_51 : memref<100352xf32, #tpu.memory_space<vmem_shared>>) target(%dma_start3A_46 : memref<256xf32, #tpu.memory_space<vmem>>) offsets(%dma_start3A_49 : memref<256xi32, #tpu.memory_space<vmem>>) semaphore(%arg18 : memref<!tpu.dma_semaphore, #tpu.memory_space<semaphore_mem>>)
      %dma_start3A_52 = arith.constant 256 : i32
      %dma_start3A_53 = arith.constant 0 : i32
      %dma_start3A_54 = tpu.memref_slice %arg16[%dma_start3A_52, %dma_start3A_53] : memref<1024x3xf32, #tpu.memory_space<vmem>> -> memref<256x3xf32, #tpu.memory_space<vmem>>
      %dma_start3A_55 = arith.constant 256 : i32
      %dma_start3A_56 = tpu.memref_slice %arg14[%rem3A_28, %dma_start3A_55] : memref<2x1024xi32, #tpu.memory_space<vmem>> -> memref<1x256xi32, #tpu.memory_space<vmem>>
      %dma_start3A_57 = tpu.memref_squeeze %dma_start3A_56 : memref<1x256xi32, #tpu.memory_space<vmem>> -> memref<256xi32, #tpu.memory_space<vmem>>
      %dma_start3A_58 = arith.constant 0 : i32
      %dma_start3A_59 = arith.constant 0 : i32
      %dma_start3A_60 = tpu.memref_slice %arg8[%dma_start3A_58, %dma_start3A_59] : memref<100352x3xf32, #tpu.memory_space<vmem_shared>> -> memref<100352x3xf32, #tpu.memory_space<vmem_shared>>
      tpu.enqueue_indirect_dma source(%dma_start3A_60 : memref<100352x3xf32, #tpu.memory_space<vmem_shared>>) target(%dma_start3A_54 : memref<256x3xf32, #tpu.memory_space<vmem>>) offsets(%dma_start3A_57 : memref<256xi32, #tpu.memory_space<vmem>>) semaphore(%arg18 : memref<!tpu.dma_semaphore, #tpu.memory_space<semaphore_mem>>)
      %dma_start3A_61 = arith.constant 256 : i32
      %dma_start3A_62 = tpu.memref_slice %arg17[%dma_start3A_61] : memref<1024xf32, #tpu.memory_space<vmem>> -> memref<256xf32, #tpu.memory_space<vmem>>
      %dma_start3A_63 = arith.constant 256 : i32
      %dma_start3A_64 = tpu.memref_slice %arg15[%rem3A_28, %dma_start3A_63] : memref<2x1024xi32, #tpu.memory_space<vmem>> -> memref<1x256xi32, #tpu.memory_space<vmem>>
      %dma_start3A_65 = tpu.memref_squeeze %dma_start3A_64 : memref<1x256xi32, #tpu.memory_space<vmem>> -> memref<256xi32, #tpu.memory_space<vmem>>
      %dma_start3A_66 = arith.constant 0 : i32
      %dma_start3A_67 = tpu.memref_slice %arg10[%dma_start3A_66] : memref<100352xf32, #tpu.memory_space<vmem_shared>> -> memref<100352xf32, #tpu.memory_space<vmem_shared>>
      tpu.enqueue_indirect_dma source(%dma_start3A_67 : memref<100352xf32, #tpu.memory_space<vmem_shared>>) target(%dma_start3A_62 : memref<256xf32, #tpu.memory_space<vmem>>) offsets(%dma_start3A_65 : memref<256xi32, #tpu.memory_space<vmem>>) semaphore(%arg18 : memref<!tpu.dma_semaphore, #tpu.memory_space<semaphore_mem>>)
      %dma_start3A_68 = arith.constant 512 : i32
      %dma_start3A_69 = arith.constant 0 : i32
      %dma_start3A_70 = tpu.memref_slice %arg16[%dma_start3A_68, %dma_start3A_69] : memref<1024x3xf32, #tpu.memory_space<vmem>> -> memref<256x3xf32, #tpu.memory_space<vmem>>
      %dma_start3A_71 = arith.constant 512 : i32
      %dma_start3A_72 = tpu.memref_slice %arg14[%rem3A_28, %dma_start3A_71] : memref<2x1024xi32, #tpu.memory_space<vmem>> -> memref<1x256xi32, #tpu.memory_space<vmem>>
      %dma_start3A_73 = tpu.memref_squeeze %dma_start3A_72 : memref<1x256xi32, #tpu.memory_space<vmem>> -> memref<256xi32, #tpu.memory_space<vmem>>
      %dma_start3A_74 = arith.constant 0 : i32
      %dma_start3A_75 = arith.constant 0 : i32
      %dma_start3A_76 = tpu.memref_slice %arg8[%dma_start3A_74, %dma_start3A_75] : memref<100352x3xf32, #tpu.memory_space<vmem_shared>> -> memref<100352x3xf32, #tpu.memory_space<vmem_shared>>
      tpu.enqueue_indirect_dma source(%dma_start3A_76 : memref<100352x3xf32, #tpu.memory_space<vmem_shared>>) target(%dma_start3A_70 : memref<256x3xf32, #tpu.memory_space<vmem>>) offsets(%dma_start3A_73 : memref<256xi32, #tpu.memory_space<vmem>>) semaphore(%arg18 : memref<!tpu.dma_semaphore, #tpu.memory_space<semaphore_mem>>)
      %dma_start3A_77 = arith.constant 512 : i32
      %dma_start3A_78 = tpu.memref_slice %arg17[%dma_start3A_77] : memref<1024xf32, #tpu.memory_space<vmem>> -> memref<256xf32, #tpu.memory_space<vmem>>
      %dma_start3A_79 = arith.constant 512 : i32
      %dma_start3A_80 = tpu.memref_slice %arg15[%rem3A_28, %dma_start3A_79] : memref<2x1024xi32, #tpu.memory_space<vmem>> -> memref<1x256xi32, #tpu.memory_space<vmem>>
      %dma_start3A_81 = tpu.memref_squeeze %dma_start3A_80 : memref<1x256xi32, #tpu.memory_space<vmem>> -> memref<256xi32, #tpu.memory_space<vmem>>
      %dma_start3A_82 = arith.constant 0 : i32
      %dma_start3A_83 = tpu.memref_slice %arg10[%dma_start3A_82] : memref<100352xf32, #tpu.memory_space<vmem_shared>> -> memref<100352xf32, #tpu.memory_space<vmem_shared>>
      tpu.enqueue_indirect_dma source(%dma_start3A_83 : memref<100352xf32, #tpu.memory_space<vmem_shared>>) target(%dma_start3A_78 : memref<256xf32, #tpu.memory_space<vmem>>) offsets(%dma_start3A_81 : memref<256xi32, #tpu.memory_space<vmem>>) semaphore(%arg18 : memref<!tpu.dma_semaphore, #tpu.memory_space<semaphore_mem>>)
      %dma_start3A_84 = arith.constant 768 : i32
      %dma_start3A_85 = arith.constant 0 : i32
      %dma_start3A_86 = tpu.memref_slice %arg16[%dma_start3A_84, %dma_start3A_85] : memref<1024x3xf32, #tpu.memory_space<vmem>> -> memref<256x3xf32, #tpu.memory_space<vmem>>
      %dma_start3A_87 = arith.constant 768 : i32
      %dma_start3A_88 = tpu.memref_slice %arg14[%rem3A_28, %dma_start3A_87] : memref<2x1024xi32, #tpu.memory_space<vmem>> -> memref<1x256xi32, #tpu.memory_space<vmem>>
      %dma_start3A_89 = tpu.memref_squeeze %dma_start3A_88 : memref<1x256xi32, #tpu.memory_space<vmem>> -> memref<256xi32, #tpu.memory_space<vmem>>
      %dma_start3A_90 = arith.constant 0 : i32
      %dma_start3A_91 = arith.constant 0 : i32
      %dma_start3A_92 = tpu.memref_slice %arg8[%dma_start3A_90, %dma_start3A_91] : memref<100352x3xf32, #tpu.memory_space<vmem_shared>> -> memref<100352x3xf32, #tpu.memory_space<vmem_shared>>
      tpu.enqueue_indirect_dma source(%dma_start3A_92 : memref<100352x3xf32, #tpu.memory_space<vmem_shared>>) target(%dma_start3A_86 : memref<256x3xf32, #tpu.memory_space<vmem>>) offsets(%dma_start3A_89 : memref<256xi32, #tpu.memory_space<vmem>>) semaphore(%arg18 : memref<!tpu.dma_semaphore, #tpu.memory_space<semaphore_mem>>)
      %dma_start3A_93 = arith.constant 768 : i32
      %dma_start3A_94 = tpu.memref_slice %arg17[%dma_start3A_93] : memref<1024xf32, #tpu.memory_space<vmem>> -> memref<256xf32, #tpu.memory_space<vmem>>
      %dma_start3A_95 = arith.constant 768 : i32
      %dma_start3A_96 = tpu.memref_slice %arg15[%rem3A_28, %dma_start3A_95] : memref<2x1024xi32, #tpu.memory_space<vmem>> -> memref<1x256xi32, #tpu.memory_space<vmem>>
      %dma_start3A_97 = tpu.memref_squeeze %dma_start3A_96 : memref<1x256xi32, #tpu.memory_space<vmem>> -> memref<256xi32, #tpu.memory_space<vmem>>
      %dma_start3A_98 = arith.constant 0 : i32
      %dma_start3A_99 = tpu.memref_slice %arg10[%dma_start3A_98] : memref<100352xf32, #tpu.memory_space<vmem_shared>> -> memref<100352xf32, #tpu.memory_space<vmem_shared>>
      tpu.enqueue_indirect_dma source(%dma_start3A_99 : memref<100352xf32, #tpu.memory_space<vmem_shared>>) target(%dma_start3A_94 : memref<256xf32, #tpu.memory_space<vmem>>) offsets(%dma_start3A_97 : memref<256xi32, #tpu.memory_space<vmem>>) semaphore(%arg18 : memref<!tpu.dma_semaphore, #tpu.memory_space<semaphore_mem>>)
      %sub3A_100 = arith.constant 1 : i32
      %sub3A_101 = arith.subi %sub3A_100, %rem3A_28 : i32
      %dma_start3A_102 = arith.constant 0 : i32
      %dma_start3A_103 = tpu.memref_slice %arg14[%sub3A_101, %dma_start3A_102] : memref<2x1024xi32, #tpu.memory_space<vmem>> -> memref<1x1024xi32, #tpu.memory_space<vmem>>
      %dma_start3A_104 = tpu.memref_squeeze %dma_start3A_103 : memref<1x1024xi32, #tpu.memory_space<vmem>> -> memref<1024xi32, #tpu.memory_space<vmem>>
      %dma_start3A_105 = tpu.memref_slice %arg2[%multiple_of3A_36] : memref<6400000xi32, #tpu.memory_space<hbm>> -> memref<1024xi32, #tpu.memory_space<hbm>>
      %dma_start3A_106 = arith.constant 0 : i32
      %dma_start3A_107 = tpu.memref_slice %arg14[%sub3A_101, %dma_start3A_106] : memref<2x1024xi32, #tpu.memory_space<vmem>> -> memref<1x1024xi32, #tpu.memory_space<vmem>>
      %dma_start3A_108 = tpu.memref_squeeze %dma_start3A_107 : memref<1x1024xi32, #tpu.memory_space<vmem>> -> memref<1024xi32, #tpu.memory_space<vmem>>
      %dma_start3A_109 = tpu.memref_slice %arg2[%multiple_of3A_36] : memref<6400000xi32, #tpu.memory_space<hbm>> -> memref<1024xi32, #tpu.memory_space<hbm>>
      tpu.enqueue_dma source(%dma_start3A_109 : memref<1024xi32, #tpu.memory_space<hbm>>) target(%dma_start3A_108 : memref<1024xi32, #tpu.memory_space<vmem>>) target_semaphore(%arg20 : memref<!tpu.dma_semaphore, #tpu.memory_space<semaphore_mem>>)
      %sub3A_110 = arith.constant 1 : i32
      %sub3A_111 = arith.subi %sub3A_110, %rem3A_28 : i32
      %dma_start3A_112 = arith.constant 0 : i32
      %dma_start3A_113 = tpu.memref_slice %arg15[%sub3A_111, %dma_start3A_112] : memref<2x1024xi32, #tpu.memory_space<vmem>> -> memref<1x1024xi32, #tpu.memory_space<vmem>>
      %dma_start3A_114 = tpu.memref_squeeze %dma_start3A_113 : memref<1x1024xi32, #tpu.memory_space<vmem>> -> memref<1024xi32, #tpu.memory_space<vmem>>
      %dma_start3A_115 = tpu.memref_slice %arg3[%multiple_of3A_36] : memref<6400000xi32, #tpu.memory_space<hbm>> -> memref<1024xi32, #tpu.memory_space<hbm>>
      %dma_start3A_116 = arith.constant 0 : i32
      %dma_start3A_117 = tpu.memref_slice %arg15[%sub3A_111, %dma_start3A_116] : memref<2x1024xi32, #tpu.memory_space<vmem>> -> memref<1x1024xi32, #tpu.memory_space<vmem>>
      %dma_start3A_118 = tpu.memref_squeeze %dma_start3A_117 : memref<1x1024xi32, #tpu.memory_space<vmem>> -> memref<1024xi32, #tpu.memory_space<vmem>>
      %dma_start3A_119 = tpu.memref_slice %arg3[%multiple_of3A_36] : memref<6400000xi32, #tpu.memory_space<hbm>> -> memref<1024xi32, #tpu.memory_space<hbm>>
      tpu.enqueue_dma source(%dma_start3A_119 : memref<1024xi32, #tpu.memory_space<hbm>>) target(%dma_start3A_118 : memref<1024xi32, #tpu.memory_space<vmem>>) target_semaphore(%arg20 : memref<!tpu.dma_semaphore, #tpu.memory_space<semaphore_mem>>)
      %dma_wait3A = arith.constant 0 : i32
      %dma_wait3A_120 = arith.constant 0 : i32
      %dma_wait3A_121 = tpu.memref_slice %arg16[%dma_wait3A, %dma_wait3A_120] : memref<1024x3xf32, #tpu.memory_space<vmem>> -> memref<256x3xf32, #tpu.memory_space<vmem>>
      %dma_wait3A_122 = arith.constant 0 : i32
      %dma_wait3A_123 = tpu.memref_slice %arg14[%rem3A_28, %dma_wait3A_122] : memref<2x1024xi32, #tpu.memory_space<vmem>> -> memref<1x256xi32, #tpu.memory_space<vmem>>
      %dma_wait3A_124 = tpu.memref_squeeze %dma_wait3A_123 : memref<1x256xi32, #tpu.memory_space<vmem>> -> memref<256xi32, #tpu.memory_space<vmem>>
      %dma_wait3A_125 = arith.constant 0 : i32
      %dma_wait3A_126 = arith.constant 0 : i32
      %dma_wait3A_127 = tpu.memref_slice %arg8[%dma_wait3A_125, %dma_wait3A_126] : memref<100352x3xf32, #tpu.memory_space<vmem_shared>> -> memref<100352x3xf32, #tpu.memory_space<vmem_shared>>
      tpu.wait_indirect_dma semaphore(%arg18 : memref<!tpu.dma_semaphore, #tpu.memory_space<semaphore_mem>>) src(%dma_wait3A_127 : memref<100352x3xf32, #tpu.memory_space<vmem_shared>>) dst(%dma_wait3A_121 : memref<256x3xf32, #tpu.memory_space<vmem>>)
      %dma_wait3A_128 = arith.constant 0 : i32
      %dma_wait3A_129 = tpu.memref_slice %arg17[%dma_wait3A_128] : memref<1024xf32, #tpu.memory_space<vmem>> -> memref<256xf32, #tpu.memory_space<vmem>>
      %dma_wait3A_130 = arith.constant 0 : i32
      %dma_wait3A_131 = tpu.memref_slice %arg15[%rem3A_28, %dma_wait3A_130] : memref<2x1024xi32, #tpu.memory_space<vmem>> -> memref<1x256xi32, #tpu.memory_space<vmem>>
      %dma_wait3A_132 = tpu.memref_squeeze %dma_wait3A_131 : memref<1x256xi32, #tpu.memory_space<vmem>> -> memref<256xi32, #tpu.memory_space<vmem>>
      %dma_wait3A_133 = arith.constant 0 : i32
      %dma_wait3A_134 = tpu.memref_slice %arg10[%dma_wait3A_133] : memref<100352xf32, #tpu.memory_space<vmem_shared>> -> memref<100352xf32, #tpu.memory_space<vmem_shared>>
      tpu.wait_indirect_dma semaphore(%arg18 : memref<!tpu.dma_semaphore, #tpu.memory_space<semaphore_mem>>) src(%dma_wait3A_134 : memref<100352xf32, #tpu.memory_space<vmem_shared>>) dst(%dma_wait3A_129 : memref<256xf32, #tpu.memory_space<vmem>>)
      %dma_start3A_135 = arith.constant 0 : i32
      %dma_start3A_136 = arith.constant 0 : i32
      %dma_start3A_137 = tpu.memref_slice %arg16[%dma_start3A_135, %dma_start3A_136] : memref<1024x3xf32, #tpu.memory_space<vmem>> -> memref<256x3xf32, #tpu.memory_space<vmem>>
      %dma_start3A_138 = arith.constant 0 : i32
      %dma_start3A_139 = tpu.memref_slice %arg15[%rem3A_28, %dma_start3A_138] : memref<2x1024xi32, #tpu.memory_space<vmem>> -> memref<1x256xi32, #tpu.memory_space<vmem>>
      %dma_start3A_140 = tpu.memref_squeeze %dma_start3A_139 : memref<1x256xi32, #tpu.memory_space<vmem>> -> memref<256xi32, #tpu.memory_space<vmem>>
      %dma_start3A_141 = arith.constant 0 : i32
      %dma_start3A_142 = arith.constant 0 : i32
      %dma_start3A_143 = tpu.memref_slice %arg9[%dma_start3A_141, %dma_start3A_142] : memref<100352x3xf32, #tpu.memory_space<vmem_shared>> -> memref<100352x3xf32, #tpu.memory_space<vmem_shared>>
      tpu.enqueue_indirect_dma source(%dma_start3A_137 : memref<256x3xf32, #tpu.memory_space<vmem>>) target(%dma_start3A_143 : memref<100352x3xf32, #tpu.memory_space<vmem_shared>>) offsets(%dma_start3A_140 : memref<256xi32, #tpu.memory_space<vmem>>) semaphore(%arg19 : memref<!tpu.dma_semaphore, #tpu.memory_space<semaphore_mem>>) {add = true}
      %dma_start3A_144 = arith.constant 0 : i32
      %dma_start3A_145 = tpu.memref_slice %arg17[%dma_start3A_144] : memref<1024xf32, #tpu.memory_space<vmem>> -> memref<256xf32, #tpu.memory_space<vmem>>
      %dma_start3A_146 = arith.constant 0 : i32
      %dma_start3A_147 = tpu.memref_slice %arg14[%rem3A_28, %dma_start3A_146] : memref<2x1024xi32, #tpu.memory_space<vmem>> -> memref<1x256xi32, #tpu.memory_space<vmem>>
      %dma_start3A_148 = tpu.memref_squeeze %dma_start3A_147 : memref<1x256xi32, #tpu.memory_space<vmem>> -> memref<256xi32, #tpu.memory_space<vmem>>
      %dma_start3A_149 = arith.constant 0 : i32
      %dma_start3A_150 = tpu.memref_slice %arg11[%dma_start3A_149] : memref<100352xf32, #tpu.memory_space<vmem_shared>> -> memref<100352xf32, #tpu.memory_space<vmem_shared>>
      tpu.enqueue_indirect_dma source(%dma_start3A_145 : memref<256xf32, #tpu.memory_space<vmem>>) target(%dma_start3A_150 : memref<100352xf32, #tpu.memory_space<vmem_shared>>) offsets(%dma_start3A_148 : memref<256xi32, #tpu.memory_space<vmem>>) semaphore(%arg19 : memref<!tpu.dma_semaphore, #tpu.memory_space<semaphore_mem>>) {add = true}
      %dma_wait3A_151 = arith.constant 256 : i32
      %dma_wait3A_152 = arith.constant 0 : i32
      %dma_wait3A_153 = tpu.memref_slice %arg16[%dma_wait3A_151, %dma_wait3A_152] : memref<1024x3xf32, #tpu.memory_space<vmem>> -> memref<256x3xf32, #tpu.memory_space<vmem>>
      %dma_wait3A_154 = arith.constant 256 : i32
      %dma_wait3A_155 = tpu.memref_slice %arg14[%rem3A_28, %dma_wait3A_154] : memref<2x1024xi32, #tpu.memory_space<vmem>> -> memref<1x256xi32, #tpu.memory_space<vmem>>
      %dma_wait3A_156 = tpu.memref_squeeze %dma_wait3A_155 : memref<1x256xi32, #tpu.memory_space<vmem>> -> memref<256xi32, #tpu.memory_space<vmem>>
      %dma_wait3A_157 = arith.constant 0 : i32
      %dma_wait3A_158 = arith.constant 0 : i32
      %dma_wait3A_159 = tpu.memref_slice %arg8[%dma_wait3A_157, %dma_wait3A_158] : memref<100352x3xf32, #tpu.memory_space<vmem_shared>> -> memref<100352x3xf32, #tpu.memory_space<vmem_shared>>
      tpu.wait_indirect_dma semaphore(%arg18 : memref<!tpu.dma_semaphore, #tpu.memory_space<semaphore_mem>>) src(%dma_wait3A_159 : memref<100352x3xf32, #tpu.memory_space<vmem_shared>>) dst(%dma_wait3A_153 : memref<256x3xf32, #tpu.memory_space<vmem>>)
      %dma_wait3A_160 = arith.constant 256 : i32
      %dma_wait3A_161 = tpu.memref_slice %arg17[%dma_wait3A_160] : memref<1024xf32, #tpu.memory_space<vmem>> -> memref<256xf32, #tpu.memory_space<vmem>>
      %dma_wait3A_162 = arith.constant 256 : i32
      %dma_wait3A_163 = tpu.memref_slice %arg15[%rem3A_28, %dma_wait3A_162] : memref<2x1024xi32, #tpu.memory_space<vmem>> -> memref<1x256xi32, #tpu.memory_space<vmem>>
      %dma_wait3A_164 = tpu.memref_squeeze %dma_wait3A_163 : memref<1x256xi32, #tpu.memory_space<vmem>> -> memref<256xi32, #tpu.memory_space<vmem>>
      %dma_wait3A_165 = arith.constant 0 : i32
      %dma_wait3A_166 = tpu.memref_slice %arg10[%dma_wait3A_165] : memref<100352xf32, #tpu.memory_space<vmem_shared>> -> memref<100352xf32, #tpu.memory_space<vmem_shared>>
      tpu.wait_indirect_dma semaphore(%arg18 : memref<!tpu.dma_semaphore, #tpu.memory_space<semaphore_mem>>) src(%dma_wait3A_166 : memref<100352xf32, #tpu.memory_space<vmem_shared>>) dst(%dma_wait3A_161 : memref<256xf32, #tpu.memory_space<vmem>>)
      %dma_start3A_167 = arith.constant 256 : i32
      %dma_start3A_168 = arith.constant 0 : i32
      %dma_start3A_169 = tpu.memref_slice %arg16[%dma_start3A_167, %dma_start3A_168] : memref<1024x3xf32, #tpu.memory_space<vmem>> -> memref<256x3xf32, #tpu.memory_space<vmem>>
      %dma_start3A_170 = arith.constant 256 : i32
      %dma_start3A_171 = tpu.memref_slice %arg15[%rem3A_28, %dma_start3A_170] : memref<2x1024xi32, #tpu.memory_space<vmem>> -> memref<1x256xi32, #tpu.memory_space<vmem>>
      %dma_start3A_172 = tpu.memref_squeeze %dma_start3A_171 : memref<1x256xi32, #tpu.memory_space<vmem>> -> memref<256xi32, #tpu.memory_space<vmem>>
      %dma_start3A_173 = arith.constant 0 : i32
      %dma_start3A_174 = arith.constant 0 : i32
      %dma_start3A_175 = tpu.memref_slice %arg9[%dma_start3A_173, %dma_start3A_174] : memref<100352x3xf32, #tpu.memory_space<vmem_shared>> -> memref<100352x3xf32, #tpu.memory_space<vmem_shared>>
      tpu.enqueue_indirect_dma source(%dma_start3A_169 : memref<256x3xf32, #tpu.memory_space<vmem>>) target(%dma_start3A_175 : memref<100352x3xf32, #tpu.memory_space<vmem_shared>>) offsets(%dma_start3A_172 : memref<256xi32, #tpu.memory_space<vmem>>) semaphore(%arg19 : memref<!tpu.dma_semaphore, #tpu.memory_space<semaphore_mem>>) {add = true}
      %dma_start3A_176 = arith.constant 256 : i32
      %dma_start3A_177 = tpu.memref_slice %arg17[%dma_start3A_176] : memref<1024xf32, #tpu.memory_space<vmem>> -> memref<256xf32, #tpu.memory_space<vmem>>
      %dma_start3A_178 = arith.constant 256 : i32
      %dma_start3A_179 = tpu.memref_slice %arg14[%rem3A_28, %dma_start3A_178] : memref<2x1024xi32, #tpu.memory_space<vmem>> -> memref<1x256xi32, #tpu.memory_space<vmem>>
      %dma_start3A_180 = tpu.memref_squeeze %dma_start3A_179 : memref<1x256xi32, #tpu.memory_space<vmem>> -> memref<256xi32, #tpu.memory_space<vmem>>
      %dma_start3A_181 = arith.constant 0 : i32
      %dma_start3A_182 = tpu.memref_slice %arg11[%dma_start3A_181] : memref<100352xf32, #tpu.memory_space<vmem_shared>> -> memref<100352xf32, #tpu.memory_space<vmem_shared>>
      tpu.enqueue_indirect_dma source(%dma_start3A_177 : memref<256xf32, #tpu.memory_space<vmem>>) target(%dma_start3A_182 : memref<100352xf32, #tpu.memory_space<vmem_shared>>) offsets(%dma_start3A_180 : memref<256xi32, #tpu.memory_space<vmem>>) semaphore(%arg19 : memref<!tpu.dma_semaphore, #tpu.memory_space<semaphore_mem>>) {add = true}
      %dma_wait3A_183 = arith.constant 512 : i32
      %dma_wait3A_184 = arith.constant 0 : i32
      %dma_wait3A_185 = tpu.memref_slice %arg16[%dma_wait3A_183, %dma_wait3A_184] : memref<1024x3xf32, #tpu.memory_space<vmem>> -> memref<256x3xf32, #tpu.memory_space<vmem>>
      %dma_wait3A_186 = arith.constant 512 : i32
      %dma_wait3A_187 = tpu.memref_slice %arg14[%rem3A_28, %dma_wait3A_186] : memref<2x1024xi32, #tpu.memory_space<vmem>> -> memref<1x256xi32, #tpu.memory_space<vmem>>
      %dma_wait3A_188 = tpu.memref_squeeze %dma_wait3A_187 : memref<1x256xi32, #tpu.memory_space<vmem>> -> memref<256xi32, #tpu.memory_space<vmem>>
      %dma_wait3A_189 = arith.constant 0 : i32
      %dma_wait3A_190 = arith.constant 0 : i32
      %dma_wait3A_191 = tpu.memref_slice %arg8[%dma_wait3A_189, %dma_wait3A_190] : memref<100352x3xf32, #tpu.memory_space<vmem_shared>> -> memref<100352x3xf32, #tpu.memory_space<vmem_shared>>
      tpu.wait_indirect_dma semaphore(%arg18 : memref<!tpu.dma_semaphore, #tpu.memory_space<semaphore_mem>>) src(%dma_wait3A_191 : memref<100352x3xf32, #tpu.memory_space<vmem_shared>>) dst(%dma_wait3A_185 : memref<256x3xf32, #tpu.memory_space<vmem>>)
      %dma_wait3A_192 = arith.constant 512 : i32
      %dma_wait3A_193 = tpu.memref_slice %arg17[%dma_wait3A_192] : memref<1024xf32, #tpu.memory_space<vmem>> -> memref<256xf32, #tpu.memory_space<vmem>>
      %dma_wait3A_194 = arith.constant 512 : i32
      %dma_wait3A_195 = tpu.memref_slice %arg15[%rem3A_28, %dma_wait3A_194] : memref<2x1024xi32, #tpu.memory_space<vmem>> -> memref<1x256xi32, #tpu.memory_space<vmem>>
      %dma_wait3A_196 = tpu.memref_squeeze %dma_wait3A_195 : memref<1x256xi32, #tpu.memory_space<vmem>> -> memref<256xi32, #tpu.memory_space<vmem>>
      %dma_wait3A_197 = arith.constant 0 : i32
      %dma_wait3A_198 = tpu.memref_slice %arg10[%dma_wait3A_197] : memref<100352xf32, #tpu.memory_space<vmem_shared>> -> memref<100352xf32, #tpu.memory_space<vmem_shared>>
      tpu.wait_indirect_dma semaphore(%arg18 : memref<!tpu.dma_semaphore, #tpu.memory_space<semaphore_mem>>) src(%dma_wait3A_198 : memref<100352xf32, #tpu.memory_space<vmem_shared>>) dst(%dma_wait3A_193 : memref<256xf32, #tpu.memory_space<vmem>>)
      %dma_start3A_199 = arith.constant 512 : i32
      %dma_start3A_200 = arith.constant 0 : i32
      %dma_start3A_201 = tpu.memref_slice %arg16[%dma_start3A_199, %dma_start3A_200] : memref<1024x3xf32, #tpu.memory_space<vmem>> -> memref<256x3xf32, #tpu.memory_space<vmem>>
      %dma_start3A_202 = arith.constant 512 : i32
      %dma_start3A_203 = tpu.memref_slice %arg15[%rem3A_28, %dma_start3A_202] : memref<2x1024xi32, #tpu.memory_space<vmem>> -> memref<1x256xi32, #tpu.memory_space<vmem>>
      %dma_start3A_204 = tpu.memref_squeeze %dma_start3A_203 : memref<1x256xi32, #tpu.memory_space<vmem>> -> memref<256xi32, #tpu.memory_space<vmem>>
      %dma_start3A_205 = arith.constant 0 : i32
      %dma_start3A_206 = arith.constant 0 : i32
      %dma_start3A_207 = tpu.memref_slice %arg9[%dma_start3A_205, %dma_start3A_206] : memref<100352x3xf32, #tpu.memory_space<vmem_shared>> -> memref<100352x3xf32, #tpu.memory_space<vmem_shared>>
      tpu.enqueue_indirect_dma source(%dma_start3A_201 : memref<256x3xf32, #tpu.memory_space<vmem>>) target(%dma_start3A_207 : memref<100352x3xf32, #tpu.memory_space<vmem_shared>>) offsets(%dma_start3A_204 : memref<256xi32, #tpu.memory_space<vmem>>) semaphore(%arg19 : memref<!tpu.dma_semaphore, #tpu.memory_space<semaphore_mem>>) {add = true}
      %dma_start3A_208 = arith.constant 512 : i32
      %dma_start3A_209 = tpu.memref_slice %arg17[%dma_start3A_208] : memref<1024xf32, #tpu.memory_space<vmem>> -> memref<256xf32, #tpu.memory_space<vmem>>
      %dma_start3A_210 = arith.constant 512 : i32
      %dma_start3A_211 = tpu.memref_slice %arg14[%rem3A_28, %dma_start3A_210] : memref<2x1024xi32, #tpu.memory_space<vmem>> -> memref<1x256xi32, #tpu.memory_space<vmem>>
      %dma_start3A_212 = tpu.memref_squeeze %dma_start3A_211 : memref<1x256xi32, #tpu.memory_space<vmem>> -> memref<256xi32, #tpu.memory_space<vmem>>
      %dma_start3A_213 = arith.constant 0 : i32
      %dma_start3A_214 = tpu.memref_slice %arg11[%dma_start3A_213] : memref<100352xf32, #tpu.memory_space<vmem_shared>> -> memref<100352xf32, #tpu.memory_space<vmem_shared>>
      tpu.enqueue_indirect_dma source(%dma_start3A_209 : memref<256xf32, #tpu.memory_space<vmem>>) target(%dma_start3A_214 : memref<100352xf32, #tpu.memory_space<vmem_shared>>) offsets(%dma_start3A_212 : memref<256xi32, #tpu.memory_space<vmem>>) semaphore(%arg19 : memref<!tpu.dma_semaphore, #tpu.memory_space<semaphore_mem>>) {add = true}
      %dma_wait3A_215 = arith.constant 768 : i32
      %dma_wait3A_216 = arith.constant 0 : i32
      %dma_wait3A_217 = tpu.memref_slice %arg16[%dma_wait3A_215, %dma_wait3A_216] : memref<1024x3xf32, #tpu.memory_space<vmem>> -> memref<256x3xf32, #tpu.memory_space<vmem>>
      %dma_wait3A_218 = arith.constant 768 : i32
      %dma_wait3A_219 = tpu.memref_slice %arg14[%rem3A_28, %dma_wait3A_218] : memref<2x1024xi32, #tpu.memory_space<vmem>> -> memref<1x256xi32, #tpu.memory_space<vmem>>
      %dma_wait3A_220 = tpu.memref_squeeze %dma_wait3A_219 : memref<1x256xi32, #tpu.memory_space<vmem>> -> memref<256xi32, #tpu.memory_space<vmem>>
      %dma_wait3A_221 = arith.constant 0 : i32
      %dma_wait3A_222 = arith.constant 0 : i32
      %dma_wait3A_223 = tpu.memref_slice %arg8[%dma_wait3A_221, %dma_wait3A_222] : memref<100352x3xf32, #tpu.memory_space<vmem_shared>> -> memref<100352x3xf32, #tpu.memory_space<vmem_shared>>
      tpu.wait_indirect_dma semaphore(%arg18 : memref<!tpu.dma_semaphore, #tpu.memory_space<semaphore_mem>>) src(%dma_wait3A_223 : memref<100352x3xf32, #tpu.memory_space<vmem_shared>>) dst(%dma_wait3A_217 : memref<256x3xf32, #tpu.memory_space<vmem>>)
      %dma_wait3A_224 = arith.constant 768 : i32
      %dma_wait3A_225 = tpu.memref_slice %arg17[%dma_wait3A_224] : memref<1024xf32, #tpu.memory_space<vmem>> -> memref<256xf32, #tpu.memory_space<vmem>>
      %dma_wait3A_226 = arith.constant 768 : i32
      %dma_wait3A_227 = tpu.memref_slice %arg15[%rem3A_28, %dma_wait3A_226] : memref<2x1024xi32, #tpu.memory_space<vmem>> -> memref<1x256xi32, #tpu.memory_space<vmem>>
      %dma_wait3A_228 = tpu.memref_squeeze %dma_wait3A_227 : memref<1x256xi32, #tpu.memory_space<vmem>> -> memref<256xi32, #tpu.memory_space<vmem>>
      %dma_wait3A_229 = arith.constant 0 : i32
      %dma_wait3A_230 = tpu.memref_slice %arg10[%dma_wait3A_229] : memref<100352xf32, #tpu.memory_space<vmem_shared>> -> memref<100352xf32, #tpu.memory_space<vmem_shared>>
      tpu.wait_indirect_dma semaphore(%arg18 : memref<!tpu.dma_semaphore, #tpu.memory_space<semaphore_mem>>) src(%dma_wait3A_230 : memref<100352xf32, #tpu.memory_space<vmem_shared>>) dst(%dma_wait3A_225 : memref<256xf32, #tpu.memory_space<vmem>>)
      %dma_start3A_231 = arith.constant 768 : i32
      %dma_start3A_232 = arith.constant 0 : i32
      %dma_start3A_233 = tpu.memref_slice %arg16[%dma_start3A_231, %dma_start3A_232] : memref<1024x3xf32, #tpu.memory_space<vmem>> -> memref<256x3xf32, #tpu.memory_space<vmem>>
      %dma_start3A_234 = arith.constant 768 : i32
      %dma_start3A_235 = tpu.memref_slice %arg15[%rem3A_28, %dma_start3A_234] : memref<2x1024xi32, #tpu.memory_space<vmem>> -> memref<1x256xi32, #tpu.memory_space<vmem>>
      %dma_start3A_236 = tpu.memref_squeeze %dma_start3A_235 : memref<1x256xi32, #tpu.memory_space<vmem>> -> memref<256xi32, #tpu.memory_space<vmem>>
      %dma_start3A_237 = arith.constant 0 : i32
      %dma_start3A_238 = arith.constant 0 : i32
      %dma_start3A_239 = tpu.memref_slice %arg9[%dma_start3A_237, %dma_start3A_238] : memref<100352x3xf32, #tpu.memory_space<vmem_shared>> -> memref<100352x3xf32, #tpu.memory_space<vmem_shared>>
      tpu.enqueue_indirect_dma source(%dma_start3A_233 : memref<256x3xf32, #tpu.memory_space<vmem>>) target(%dma_start3A_239 : memref<100352x3xf32, #tpu.memory_space<vmem_shared>>) offsets(%dma_start3A_236 : memref<256xi32, #tpu.memory_space<vmem>>) semaphore(%arg19 : memref<!tpu.dma_semaphore, #tpu.memory_space<semaphore_mem>>) {add = true}
      %dma_start3A_240 = arith.constant 768 : i32
      %dma_start3A_241 = tpu.memref_slice %arg17[%dma_start3A_240] : memref<1024xf32, #tpu.memory_space<vmem>> -> memref<256xf32, #tpu.memory_space<vmem>>
      %dma_start3A_242 = arith.constant 768 : i32
      %dma_start3A_243 = tpu.memref_slice %arg14[%rem3A_28, %dma_start3A_242] : memref<2x1024xi32, #tpu.memory_space<vmem>> -> memref<1x256xi32, #tpu.memory_space<vmem>>
      %dma_start3A_244 = tpu.memref_squeeze %dma_start3A_243 : memref<1x256xi32, #tpu.memory_space<vmem>> -> memref<256xi32, #tpu.memory_space<vmem>>
      %dma_start3A_245 = arith.constant 0 : i32
      %dma_start3A_246 = tpu.memref_slice %arg11[%dma_start3A_245] : memref<100352xf32, #tpu.memory_space<vmem_shared>> -> memref<100352xf32, #tpu.memory_space<vmem_shared>>
      tpu.enqueue_indirect_dma source(%dma_start3A_241 : memref<256xf32, #tpu.memory_space<vmem>>) target(%dma_start3A_246 : memref<100352xf32, #tpu.memory_space<vmem_shared>>) offsets(%dma_start3A_244 : memref<256xi32, #tpu.memory_space<vmem>>) semaphore(%arg19 : memref<!tpu.dma_semaphore, #tpu.memory_space<semaphore_mem>>) {add = true}
      %dma_wait3A_247 = arith.constant 0 : i32
      %dma_wait3A_248 = arith.constant 0 : i32
      %dma_wait3A_249 = tpu.memref_slice %arg16[%dma_wait3A_247, %dma_wait3A_248] : memref<1024x3xf32, #tpu.memory_space<vmem>> -> memref<256x3xf32, #tpu.memory_space<vmem>>
      %dma_wait3A_250 = arith.constant 0 : i32
      %dma_wait3A_251 = tpu.memref_slice %arg15[%rem3A_28, %dma_wait3A_250] : memref<2x1024xi32, #tpu.memory_space<vmem>> -> memref<1x256xi32, #tpu.memory_space<vmem>>
      %dma_wait3A_252 = tpu.memref_squeeze %dma_wait3A_251 : memref<1x256xi32, #tpu.memory_space<vmem>> -> memref<256xi32, #tpu.memory_space<vmem>>
      %dma_wait3A_253 = arith.constant 0 : i32
      %dma_wait3A_254 = arith.constant 0 : i32
      %dma_wait3A_255 = tpu.memref_slice %arg9[%dma_wait3A_253, %dma_wait3A_254] : memref<100352x3xf32, #tpu.memory_space<vmem_shared>> -> memref<100352x3xf32, #tpu.memory_space<vmem_shared>>
      tpu.wait_indirect_dma semaphore(%arg19 : memref<!tpu.dma_semaphore, #tpu.memory_space<semaphore_mem>>) src(%dma_wait3A_249 : memref<256x3xf32, #tpu.memory_space<vmem>>) dst(%dma_wait3A_255 : memref<100352x3xf32, #tpu.memory_space<vmem_shared>>)
      %dma_wait3A_256 = arith.constant 0 : i32
      %dma_wait3A_257 = tpu.memref_slice %arg17[%dma_wait3A_256] : memref<1024xf32, #tpu.memory_space<vmem>> -> memref<256xf32, #tpu.memory_space<vmem>>
      %dma_wait3A_258 = arith.constant 0 : i32
      %dma_wait3A_259 = tpu.memref_slice %arg14[%rem3A_28, %dma_wait3A_258] : memref<2x1024xi32, #tpu.memory_space<vmem>> -> memref<1x256xi32, #tpu.memory_space<vmem>>
      %dma_wait3A_260 = tpu.memref_squeeze %dma_wait3A_259 : memref<1x256xi32, #tpu.memory_space<vmem>> -> memref<256xi32, #tpu.memory_space<vmem>>
      %dma_wait3A_261 = arith.constant 0 : i32
      %dma_wait3A_262 = tpu.memref_slice %arg11[%dma_wait3A_261] : memref<100352xf32, #tpu.memory_space<vmem_shared>> -> memref<100352xf32, #tpu.memory_space<vmem_shared>>
      tpu.wait_indirect_dma semaphore(%arg19 : memref<!tpu.dma_semaphore, #tpu.memory_space<semaphore_mem>>) src(%dma_wait3A_257 : memref<256xf32, #tpu.memory_space<vmem>>) dst(%dma_wait3A_262 : memref<100352xf32, #tpu.memory_space<vmem_shared>>)
      %dma_wait3A_263 = arith.constant 256 : i32
      %dma_wait3A_264 = arith.constant 0 : i32
      %dma_wait3A_265 = tpu.memref_slice %arg16[%dma_wait3A_263, %dma_wait3A_264] : memref<1024x3xf32, #tpu.memory_space<vmem>> -> memref<256x3xf32, #tpu.memory_space<vmem>>
      %dma_wait3A_266 = arith.constant 256 : i32
      %dma_wait3A_267 = tpu.memref_slice %arg15[%rem3A_28, %dma_wait3A_266] : memref<2x1024xi32, #tpu.memory_space<vmem>> -> memref<1x256xi32, #tpu.memory_space<vmem>>
      %dma_wait3A_268 = tpu.memref_squeeze %dma_wait3A_267 : memref<1x256xi32, #tpu.memory_space<vmem>> -> memref<256xi32, #tpu.memory_space<vmem>>
      %dma_wait3A_269 = arith.constant 0 : i32
      %dma_wait3A_270 = arith.constant 0 : i32
      %dma_wait3A_271 = tpu.memref_slice %arg9[%dma_wait3A_269, %dma_wait3A_270] : memref<100352x3xf32, #tpu.memory_space<vmem_shared>> -> memref<100352x3xf32, #tpu.memory_space<vmem_shared>>
      tpu.wait_indirect_dma semaphore(%arg19 : memref<!tpu.dma_semaphore, #tpu.memory_space<semaphore_mem>>) src(%dma_wait3A_265 : memref<256x3xf32, #tpu.memory_space<vmem>>) dst(%dma_wait3A_271 : memref<100352x3xf32, #tpu.memory_space<vmem_shared>>)
      %dma_wait3A_272 = arith.constant 256 : i32
      %dma_wait3A_273 = tpu.memref_slice %arg17[%dma_wait3A_272] : memref<1024xf32, #tpu.memory_space<vmem>> -> memref<256xf32, #tpu.memory_space<vmem>>
      %dma_wait3A_274 = arith.constant 256 : i32
      %dma_wait3A_275 = tpu.memref_slice %arg14[%rem3A_28, %dma_wait3A_274] : memref<2x1024xi32, #tpu.memory_space<vmem>> -> memref<1x256xi32, #tpu.memory_space<vmem>>
      %dma_wait3A_276 = tpu.memref_squeeze %dma_wait3A_275 : memref<1x256xi32, #tpu.memory_space<vmem>> -> memref<256xi32, #tpu.memory_space<vmem>>
      %dma_wait3A_277 = arith.constant 0 : i32
      %dma_wait3A_278 = tpu.memref_slice %arg11[%dma_wait3A_277] : memref<100352xf32, #tpu.memory_space<vmem_shared>> -> memref<100352xf32, #tpu.memory_space<vmem_shared>>
      tpu.wait_indirect_dma semaphore(%arg19 : memref<!tpu.dma_semaphore, #tpu.memory_space<semaphore_mem>>) src(%dma_wait3A_273 : memref<256xf32, #tpu.memory_space<vmem>>) dst(%dma_wait3A_278 : memref<100352xf32, #tpu.memory_space<vmem_shared>>)
      %dma_wait3A_279 = arith.constant 512 : i32
      %dma_wait3A_280 = arith.constant 0 : i32
      %dma_wait3A_281 = tpu.memref_slice %arg16[%dma_wait3A_279, %dma_wait3A_280] : memref<1024x3xf32, #tpu.memory_space<vmem>> -> memref<256x3xf32, #tpu.memory_space<vmem>>
      %dma_wait3A_282 = arith.constant 512 : i32
      %dma_wait3A_283 = tpu.memref_slice %arg15[%rem3A_28, %dma_wait3A_282] : memref<2x1024xi32, #tpu.memory_space<vmem>> -> memref<1x256xi32, #tpu.memory_space<vmem>>
      %dma_wait3A_284 = tpu.memref_squeeze %dma_wait3A_283 : memref<1x256xi32, #tpu.memory_space<vmem>> -> memref<256xi32, #tpu.memory_space<vmem>>
      %dma_wait3A_285 = arith.constant 0 : i32
      %dma_wait3A_286 = arith.constant 0 : i32
      %dma_wait3A_287 = tpu.memref_slice %arg9[%dma_wait3A_285, %dma_wait3A_286] : memref<100352x3xf32, #tpu.memory_space<vmem_shared>> -> memref<100352x3xf32, #tpu.memory_space<vmem_shared>>
      tpu.wait_indirect_dma semaphore(%arg19 : memref<!tpu.dma_semaphore, #tpu.memory_space<semaphore_mem>>) src(%dma_wait3A_281 : memref<256x3xf32, #tpu.memory_space<vmem>>) dst(%dma_wait3A_287 : memref<100352x3xf32, #tpu.memory_space<vmem_shared>>)
      %dma_wait3A_288 = arith.constant 512 : i32
      %dma_wait3A_289 = tpu.memref_slice %arg17[%dma_wait3A_288] : memref<1024xf32, #tpu.memory_space<vmem>> -> memref<256xf32, #tpu.memory_space<vmem>>
      %dma_wait3A_290 = arith.constant 512 : i32
      %dma_wait3A_291 = tpu.memref_slice %arg14[%rem3A_28, %dma_wait3A_290] : memref<2x1024xi32, #tpu.memory_space<vmem>> -> memref<1x256xi32, #tpu.memory_space<vmem>>
      %dma_wait3A_292 = tpu.memref_squeeze %dma_wait3A_291 : memref<1x256xi32, #tpu.memory_space<vmem>> -> memref<256xi32, #tpu.memory_space<vmem>>
      %dma_wait3A_293 = arith.constant 0 : i32
      %dma_wait3A_294 = tpu.memref_slice %arg11[%dma_wait3A_293] : memref<100352xf32, #tpu.memory_space<vmem_shared>> -> memref<100352xf32, #tpu.memory_space<vmem_shared>>
      tpu.wait_indirect_dma semaphore(%arg19 : memref<!tpu.dma_semaphore, #tpu.memory_space<semaphore_mem>>) src(%dma_wait3A_289 : memref<256xf32, #tpu.memory_space<vmem>>) dst(%dma_wait3A_294 : memref<100352xf32, #tpu.memory_space<vmem_shared>>)
      %dma_wait3A_295 = arith.constant 768 : i32
      %dma_wait3A_296 = arith.constant 0 : i32
      %dma_wait3A_297 = tpu.memref_slice %arg16[%dma_wait3A_295, %dma_wait3A_296] : memref<1024x3xf32, #tpu.memory_space<vmem>> -> memref<256x3xf32, #tpu.memory_space<vmem>>
      %dma_wait3A_298 = arith.constant 768 : i32
      %dma_wait3A_299 = tpu.memref_slice %arg15[%rem3A_28, %dma_wait3A_298] : memref<2x1024xi32, #tpu.memory_space<vmem>> -> memref<1x256xi32, #tpu.memory_space<vmem>>
      %dma_wait3A_300 = tpu.memref_squeeze %dma_wait3A_299 : memref<1x256xi32, #tpu.memory_space<vmem>> -> memref<256xi32, #tpu.memory_space<vmem>>
      %dma_wait3A_301 = arith.constant 0 : i32
      %dma_wait3A_302 = arith.constant 0 : i32
      %dma_wait3A_303 = tpu.memref_slice %arg9[%dma_wait3A_301, %dma_wait3A_302] : memref<100352x3xf32, #tpu.memory_space<vmem_shared>> -> memref<100352x3xf32, #tpu.memory_space<vmem_shared>>
      tpu.wait_indirect_dma semaphore(%arg19 : memref<!tpu.dma_semaphore, #tpu.memory_space<semaphore_mem>>) src(%dma_wait3A_297 : memref<256x3xf32, #tpu.memory_space<vmem>>) dst(%dma_wait3A_303 : memref<100352x3xf32, #tpu.memory_space<vmem_shared>>)
      %dma_wait3A_304 = arith.constant 768 : i32
      %dma_wait3A_305 = tpu.memref_slice %arg17[%dma_wait3A_304] : memref<1024xf32, #tpu.memory_space<vmem>> -> memref<256xf32, #tpu.memory_space<vmem>>
      %dma_wait3A_306 = arith.constant 768 : i32
      %dma_wait3A_307 = tpu.memref_slice %arg14[%rem3A_28, %dma_wait3A_306] : memref<2x1024xi32, #tpu.memory_space<vmem>> -> memref<1x256xi32, #tpu.memory_space<vmem>>
      %dma_wait3A_308 = tpu.memref_squeeze %dma_wait3A_307 : memref<1x256xi32, #tpu.memory_space<vmem>> -> memref<256xi32, #tpu.memory_space<vmem>>
      %dma_wait3A_309 = arith.constant 0 : i32
      %dma_wait3A_310 = tpu.memref_slice %arg11[%dma_wait3A_309] : memref<100352xf32, #tpu.memory_space<vmem_shared>> -> memref<100352xf32, #tpu.memory_space<vmem_shared>>
      tpu.wait_indirect_dma semaphore(%arg19 : memref<!tpu.dma_semaphore, #tpu.memory_space<semaphore_mem>>) src(%dma_wait3A_305 : memref<256xf32, #tpu.memory_space<vmem>>) dst(%dma_wait3A_310 : memref<100352xf32, #tpu.memory_space<vmem_shared>>)
      %dma_wait3A_311 = arith.constant 0 : i32
      %dma_wait3A_312 = tpu.memref_slice %arg14[%sub3A_101, %dma_wait3A_311] : memref<2x1024xi32, #tpu.memory_space<vmem>> -> memref<1x1024xi32, #tpu.memory_space<vmem>>
      %dma_wait3A_313 = tpu.memref_squeeze %dma_wait3A_312 : memref<1x1024xi32, #tpu.memory_space<vmem>> -> memref<1024xi32, #tpu.memory_space<vmem>>
      %dma_wait3A_314 = tpu.memref_slice %arg2[%multiple_of3A_36] : memref<6400000xi32, #tpu.memory_space<hbm>> -> memref<1024xi32, #tpu.memory_space<hbm>>
      %dma_wait3A_315 = arith.constant 0 : i32
      %dma_wait3A_316 = tpu.memref_slice %arg14[%sub3A_101, %dma_wait3A_315] : memref<2x1024xi32, #tpu.memory_space<vmem>> -> memref<1x1024xi32, #tpu.memory_space<vmem>>
      %dma_wait3A_317 = tpu.memref_squeeze %dma_wait3A_316 : memref<1x1024xi32, #tpu.memory_space<vmem>> -> memref<1024xi32, #tpu.memory_space<vmem>>
      %dma_wait3A_318 = tpu.memref_slice %arg2[%multiple_of3A_36] : memref<6400000xi32, #tpu.memory_space<hbm>> -> memref<1024xi32, #tpu.memory_space<hbm>>
      tpu.wait_dma2 semaphore(%arg20 : memref<!tpu.dma_semaphore, #tpu.memory_space<semaphore_mem>>) src(%dma_wait3A_318 : memref<1024xi32, #tpu.memory_space<hbm>>) dst(%dma_wait3A_317 : memref<1024xi32, #tpu.memory_space<vmem>>)
      %dma_wait3A_319 = arith.constant 0 : i32
      %dma_wait3A_320 = tpu.memref_slice %arg15[%sub3A_111, %dma_wait3A_319] : memref<2x1024xi32, #tpu.memory_space<vmem>> -> memref<1x1024xi32, #tpu.memory_space<vmem>>
      %dma_wait3A_321 = tpu.memref_squeeze %dma_wait3A_320 : memref<1x1024xi32, #tpu.memory_space<vmem>> -> memref<1024xi32, #tpu.memory_space<vmem>>
      %dma_wait3A_322 = tpu.memref_slice %arg3[%multiple_of3A_36] : memref<6400000xi32, #tpu.memory_space<hbm>> -> memref<1024xi32, #tpu.memory_space<hbm>>
      %dma_wait3A_323 = arith.constant 0 : i32
      %dma_wait3A_324 = tpu.memref_slice %arg15[%sub3A_111, %dma_wait3A_323] : memref<2x1024xi32, #tpu.memory_space<vmem>> -> memref<1x1024xi32, #tpu.memory_space<vmem>>
      %dma_wait3A_325 = tpu.memref_squeeze %dma_wait3A_324 : memref<1x1024xi32, #tpu.memory_space<vmem>> -> memref<1024xi32, #tpu.memory_space<vmem>>
      %dma_wait3A_326 = tpu.memref_slice %arg3[%multiple_of3A_36] : memref<6400000xi32, #tpu.memory_space<hbm>> -> memref<1024xi32, #tpu.memory_space<hbm>>
      tpu.wait_dma2 semaphore(%arg20 : memref<!tpu.dma_semaphore, #tpu.memory_space<semaphore_mem>>) src(%dma_wait3A_326 : memref<1024xi32, #tpu.memory_space<hbm>>) dst(%dma_wait3A_325 : memref<1024xi32, #tpu.memory_space<vmem>>)
      %while3A_327 = arith.constant 0 : i32
      scf.yield %while3A_327 : i32
    }
    %barrier3A_25 = arith.constant 0 : index
    tpu.barrier barrier_id(%barrier3A_25)
    "tpu.region"() ({
      %run_scoped3A_26 = tpu.sem_alloc : memref<!tpu.dma_semaphore, #tpu.memory_space<semaphore_mem>>
      %dma_start3A = arith.constant 0 : i32
      %dma_start3A_27 = tpu.memref_slice %arg9[%mul3A_0, %dma_start3A] : memref<100352x3xf32, #tpu.memory_space<vmem_shared>> -> memref<6272x3xf32, #tpu.memory_space<vmem_shared>>
      %dma_start3A_28 = arith.constant 0 : i32
      %dma_start3A_29 = tpu.memref_slice %arg9[%mul3A_0, %dma_start3A_28] : memref<100352x3xf32, #tpu.memory_space<vmem_shared>> -> memref<6272x3xf32, #tpu.memory_space<vmem_shared>>
      tpu.enqueue_dma source(%dma_start3A_29 : memref<6272x3xf32, #tpu.memory_space<vmem_shared>>) target(%arg12 : memref<6272x3xf32, #tpu.memory_space<vmem>>) target_semaphore(%run_scoped3A_26 : memref<!tpu.dma_semaphore, #tpu.memory_space<semaphore_mem>>)
      %dma_wait3A = arith.constant 0 : i32
      %dma_wait3A_30 = tpu.memref_slice %arg9[%mul3A_0, %dma_wait3A] : memref<100352x3xf32, #tpu.memory_space<vmem_shared>> -> memref<6272x3xf32, #tpu.memory_space<vmem_shared>>
      %dma_wait3A_31 = arith.constant 0 : i32
      %dma_wait3A_32 = tpu.memref_slice %arg9[%mul3A_0, %dma_wait3A_31] : memref<100352x3xf32, #tpu.memory_space<vmem_shared>> -> memref<6272x3xf32, #tpu.memory_space<vmem_shared>>
      tpu.wait_dma2 semaphore(%run_scoped3A_26 : memref<!tpu.dma_semaphore, #tpu.memory_space<semaphore_mem>>) src(%dma_wait3A_32 : memref<6272x3xf32, #tpu.memory_space<vmem_shared>>) dst(%arg12 : memref<6272x3xf32, #tpu.memory_space<vmem>>)
      tpu.yield
    }) : () -> ()
    "tpu.region"() ({
      %run_scoped3A_26 = tpu.sem_alloc : memref<!tpu.dma_semaphore, #tpu.memory_space<semaphore_mem>>
      %dma_start3A = arith.constant 0 : i32
      %dma_start3A_27 = arith.constant 0 : i32
      %dma_start3A_28 = tpu.memref_slice %arg6[%arg0, %dma_start3A, %dma_start3A_27] : memref<2x100352x3xf32, #tpu.memory_space<hbm>> -> memref<1x100352x3xf32, #tpu.memory_space<hbm>>
      %dma_start3A_29 = tpu.memref_squeeze %dma_start3A_28 : memref<1x100352x3xf32, #tpu.memory_space<hbm>> -> memref<100352x3xf32, #tpu.memory_space<hbm>>
      %dma_start3A_30 = arith.constant 0 : i32
      %dma_start3A_31 = tpu.memref_slice %dma_start3A_29[%mul3A_0, %dma_start3A_30] : memref<100352x3xf32, #tpu.memory_space<hbm>> -> memref<6272x3xf32, #tpu.memory_space<hbm>>
      %dma_start3A_32 = arith.constant 0 : i32
      %dma_start3A_33 = arith.constant 0 : i32
      %dma_start3A_34 = tpu.memref_slice %arg6[%arg0, %dma_start3A_32, %dma_start3A_33] : memref<2x100352x3xf32, #tpu.memory_space<hbm>> -> memref<1x100352x3xf32, #tpu.memory_space<hbm>>
      %dma_start3A_35 = tpu.memref_squeeze %dma_start3A_34 : memref<1x100352x3xf32, #tpu.memory_space<hbm>> -> memref<100352x3xf32, #tpu.memory_space<hbm>>
      %dma_start3A_36 = arith.constant 0 : i32
      %dma_start3A_37 = tpu.memref_slice %dma_start3A_35[%mul3A_0, %dma_start3A_36] : memref<100352x3xf32, #tpu.memory_space<hbm>> -> memref<6272x3xf32, #tpu.memory_space<hbm>>
      tpu.enqueue_dma source(%arg12 : memref<6272x3xf32, #tpu.memory_space<vmem>>) target(%dma_start3A_37 : memref<6272x3xf32, #tpu.memory_space<hbm>>) target_semaphore(%run_scoped3A_26 : memref<!tpu.dma_semaphore, #tpu.memory_space<semaphore_mem>>)
      %dma_wait3A = arith.constant 0 : i32
      %dma_wait3A_38 = arith.constant 0 : i32
      %dma_wait3A_39 = tpu.memref_slice %arg6[%arg0, %dma_wait3A, %dma_wait3A_38] : memref<2x100352x3xf32, #tpu.memory_space<hbm>> -> memref<1x100352x3xf32, #tpu.memory_space<hbm>>
      %dma_wait3A_40 = tpu.memref_squeeze %dma_wait3A_39 : memref<1x100352x3xf32, #tpu.memory_space<hbm>> -> memref<100352x3xf32, #tpu.memory_space<hbm>>
      %dma_wait3A_41 = arith.constant 0 : i32
      %dma_wait3A_42 = tpu.memref_slice %dma_wait3A_40[%mul3A_0, %dma_wait3A_41] : memref<100352x3xf32, #tpu.memory_space<hbm>> -> memref<6272x3xf32, #tpu.memory_space<hbm>>
      %dma_wait3A_43 = arith.constant 0 : i32
      %dma_wait3A_44 = arith.constant 0 : i32
      %dma_wait3A_45 = tpu.memref_slice %arg6[%arg0, %dma_wait3A_43, %dma_wait3A_44] : memref<2x100352x3xf32, #tpu.memory_space<hbm>> -> memref<1x100352x3xf32, #tpu.memory_space<hbm>>
      %dma_wait3A_46 = tpu.memref_squeeze %dma_wait3A_45 : memref<1x100352x3xf32, #tpu.memory_space<hbm>> -> memref<100352x3xf32, #tpu.memory_space<hbm>>
      %dma_wait3A_47 = arith.constant 0 : i32
      %dma_wait3A_48 = tpu.memref_slice %dma_wait3A_46[%mul3A_0, %dma_wait3A_47] : memref<100352x3xf32, #tpu.memory_space<hbm>> -> memref<6272x3xf32, #tpu.memory_space<hbm>>
      tpu.wait_dma2 semaphore(%run_scoped3A_26 : memref<!tpu.dma_semaphore, #tpu.memory_space<semaphore_mem>>) src(%arg12 : memref<6272x3xf32, #tpu.memory_space<vmem>>) dst(%dma_wait3A_48 : memref<6272x3xf32, #tpu.memory_space<hbm>>)
      tpu.yield
    }) : () -> ()
    "tpu.region"() ({
      %run_scoped3A_26 = tpu.sem_alloc : memref<!tpu.dma_semaphore, #tpu.memory_space<semaphore_mem>>
      %dma_start3A = tpu.memref_slice %arg11[%mul3A_0] : memref<100352xf32, #tpu.memory_space<vmem_shared>> -> memref<6272xf32, #tpu.memory_space<vmem_shared>>
      %dma_start3A_27 = tpu.memref_slice %arg11[%mul3A_0] : memref<100352xf32, #tpu.memory_space<vmem_shared>> -> memref<6272xf32, #tpu.memory_space<vmem_shared>>
      tpu.enqueue_dma source(%dma_start3A_27 : memref<6272xf32, #tpu.memory_space<vmem_shared>>) target(%arg13 : memref<6272xf32, #tpu.memory_space<vmem>>) target_semaphore(%run_scoped3A_26 : memref<!tpu.dma_semaphore, #tpu.memory_space<semaphore_mem>>)
      %dma_wait3A = tpu.memref_slice %arg11[%mul3A_0] : memref<100352xf32, #tpu.memory_space<vmem_shared>> -> memref<6272xf32, #tpu.memory_space<vmem_shared>>
      %dma_wait3A_28 = tpu.memref_slice %arg11[%mul3A_0] : memref<100352xf32, #tpu.memory_space<vmem_shared>> -> memref<6272xf32, #tpu.memory_space<vmem_shared>>
      tpu.wait_dma2 semaphore(%run_scoped3A_26 : memref<!tpu.dma_semaphore, #tpu.memory_space<semaphore_mem>>) src(%dma_wait3A_28 : memref<6272xf32, #tpu.memory_space<vmem_shared>>) dst(%arg13 : memref<6272xf32, #tpu.memory_space<vmem>>)
      tpu.yield
    }) : () -> ()
    "tpu.region"() ({
      %run_scoped3A_26 = tpu.sem_alloc : memref<!tpu.dma_semaphore, #tpu.memory_space<semaphore_mem>>
      %dma_start3A = arith.constant 0 : i32
      %dma_start3A_27 = tpu.memref_slice %arg7[%arg0, %dma_start3A] : memref<2x100352xf32, #tpu.memory_space<hbm>> -> memref<1x100352xf32, #tpu.memory_space<hbm>>
      %dma_start3A_28 = tpu.memref_squeeze %dma_start3A_27 : memref<1x100352xf32, #tpu.memory_space<hbm>> -> memref<100352xf32, #tpu.memory_space<hbm>>
      %dma_start3A_29 = tpu.memref_slice %dma_start3A_28[%mul3A_0] : memref<100352xf32, #tpu.memory_space<hbm>> -> memref<6272xf32, #tpu.memory_space<hbm>>
      %dma_start3A_30 = arith.constant 0 : i32
      %dma_start3A_31 = tpu.memref_slice %arg7[%arg0, %dma_start3A_30] : memref<2x100352xf32, #tpu.memory_space<hbm>> -> memref<1x100352xf32, #tpu.memory_space<hbm>>
      %dma_start3A_32 = tpu.memref_squeeze %dma_start3A_31 : memref<1x100352xf32, #tpu.memory_space<hbm>> -> memref<100352xf32, #tpu.memory_space<hbm>>
      %dma_start3A_33 = tpu.memref_slice %dma_start3A_32[%mul3A_0] : memref<100352xf32, #tpu.memory_space<hbm>> -> memref<6272xf32, #tpu.memory_space<hbm>>
      tpu.enqueue_dma source(%arg13 : memref<6272xf32, #tpu.memory_space<vmem>>) target(%dma_start3A_33 : memref<6272xf32, #tpu.memory_space<hbm>>) target_semaphore(%run_scoped3A_26 : memref<!tpu.dma_semaphore, #tpu.memory_space<semaphore_mem>>)
      %dma_wait3A = arith.constant 0 : i32
      %dma_wait3A_34 = tpu.memref_slice %arg7[%arg0, %dma_wait3A] : memref<2x100352xf32, #tpu.memory_space<hbm>> -> memref<1x100352xf32, #tpu.memory_space<hbm>>
      %dma_wait3A_35 = tpu.memref_squeeze %dma_wait3A_34 : memref<1x100352xf32, #tpu.memory_space<hbm>> -> memref<100352xf32, #tpu.memory_space<hbm>>
      %dma_wait3A_36 = tpu.memref_slice %dma_wait3A_35[%mul3A_0] : memref<100352xf32, #tpu.memory_space<hbm>> -> memref<6272xf32, #tpu.memory_space<hbm>>
      %dma_wait3A_37 = arith.constant 0 : i32
      %dma_wait3A_38 = tpu.memref_slice %arg7[%arg0, %dma_wait3A_37] : memref<2x100352xf32, #tpu.memory_space<hbm>> -> memref<1x100352xf32, #tpu.memory_space<hbm>>
      %dma_wait3A_39 = tpu.memref_squeeze %dma_wait3A_38 : memref<1x100352xf32, #tpu.memory_space<hbm>> -> memref<100352xf32, #tpu.memory_space<hbm>>
      %dma_wait3A_40 = tpu.memref_slice %dma_wait3A_39[%mul3A_0] : memref<100352xf32, #tpu.memory_space<hbm>> -> memref<6272xf32, #tpu.memory_space<hbm>>
      tpu.wait_dma2 semaphore(%run_scoped3A_26 : memref<!tpu.dma_semaphore, #tpu.memory_space<semaphore_mem>>) src(%arg13 : memref<6272xf32, #tpu.memory_space<vmem>>) dst(%dma_wait3A_40 : memref<6272xf32, #tpu.memory_space<hbm>>)
      tpu.yield
    }) : () -> ()
    return
  }
}

module attributes {stable_mosaic.version = 14 : i64} {
  func.func @body(%arg0: i32, %arg1: memref<2x6272xf32, #tpu.memory_space<vmem>>, %arg2: memref<6272x3xf32, #tpu.memory_space<vmem>>, %arg3: memref<6272x1xf32, #tpu.memory_space<vmem>>, %arg4: memref<6272x3xf32, #tpu.memory_space<vmem>>) attributes {dimension_semantics = [#tpu.dimension_semantics<arbitrary>], iteration_bounds = array<i64: 16>, scalar_prefetch = 0 : i64, scratch_operands = 0 : i64, tpu.core_type = #tpu.core_type<tc>, window_params = [{transform_indices = @transform_0, window_bounds = array<i64: 2, 6272>}, {transform_indices = @transform_1, window_bounds = array<i64: 6272, 3>}, {transform_indices = @transform_2, window_bounds = array<i64: 6272, 1>}, {transform_indices = @transform_3, window_bounds = array<i64: 6272, 3>}]} {
    %get3A = arith.constant 0 : index
    %get3A_0 = arith.constant 0 : index
    %get3A_1 = vector.load %arg1[%get3A, %get3A_0] : memref<2x6272xf32, #tpu.memory_space<vmem>>, vector<1x6272xf32>
    %get3A_2 = vector.shape_cast %get3A_1 : vector<1x6272xf32> to vector<6272xf32>
    %get3A_3 = arith.constant 1 : index
    %get3A_4 = arith.constant 0 : index
    %get3A_5 = vector.load %arg1[%get3A_3, %get3A_4] : memref<2x6272xf32, #tpu.memory_space<vmem>>, vector<1x6272xf32>
    %get3A_6 = vector.shape_cast %get3A_5 : vector<1x6272xf32> to vector<6272xf32>
    %add3A = arith.addf %get3A_2, %get3A_6 : vector<6272xf32>
    %sub3A = arith.constant 1.000000e+00 : f32
    %sub3A_7 = vector.broadcast %sub3A : f32 to vector<6272xf32>
    %sub3A_8 = arith.subf %add3A, %sub3A_7 : vector<6272xf32>
    %rsqrt3A = math.rsqrt %sub3A_8 : vector<6272xf32>
    %broadcast_in_dim3A = vector.shape_cast %rsqrt3A : vector<6272xf32> to vector<6272x1xf32>
    %swap3A = arith.constant 0 : index
    %swap3A_9 = arith.constant 0 : index
    %swap3A_10 = vector.load %arg3[%swap3A, %swap3A_9] : memref<6272x1xf32, #tpu.memory_space<vmem>>, vector<6272x1xf32>
    tpu.vector_store %arg3[%swap3A, %swap3A_9], %broadcast_in_dim3A {strides = array<i32>} : memref<6272x1xf32, #tpu.memory_space<vmem>>, vector<6272x1xf32>,
    %get3A_11 = arith.constant 0 : index
    %get3A_12 = arith.constant 0 : index
    %get3A_13 = vector.load %arg2[%get3A_11, %get3A_12] : memref<6272x3xf32, #tpu.memory_space<vmem>>, vector<6272x3xf32>
    %broadcast_in_dim3A_14 = vector.shape_cast %rsqrt3A : vector<6272xf32> to vector<6272x1xf32>
    %mul3A = vector.broadcast %broadcast_in_dim3A_14 : vector<6272x1xf32> to vector<6272x3xf32>
    %mul3A_15 = arith.mulf %get3A_13, %mul3A : vector<6272x3xf32>
    %swap3A_16 = arith.constant 0 : index
    %swap3A_17 = arith.constant 0 : index
    %swap3A_18 = vector.load %arg4[%swap3A_16, %swap3A_17] : memref<6272x3xf32, #tpu.memory_space<vmem>>, vector<6272x3xf32>
    tpu.vector_store %arg4[%swap3A_16, %swap3A_17], %mul3A_15 {strides = array<i32>} : memref<6272x3xf32, #tpu.memory_space<vmem>>, vector<6272x3xf32>,
    return
  }
  func.func @transform_0(%arg0: i32) -> (i32, i32) {
    %c0_i32 = arith.constant 0 : i32
    %c0_i32_0 = arith.constant 0 : i32
    return %c0_i32, %arg0 : i32, i32
  }
  func.func @transform_1(%arg0: i32) -> (i32, i32) {
    %c0_i32 = arith.constant 0 : i32
    %c0_i32_0 = arith.constant 0 : i32
    return %arg0, %c0_i32 : i32, i32
  }
  func.func @transform_2(%arg0: i32) -> (i32, i32) {
    %c0_i32 = arith.constant 0 : i32
    %c0_i32_0 = arith.constant 0 : i32
    return %arg0, %c0_i32 : i32, i32
  }
  func.func @transform_3(%arg0: i32) -> (i32, i32) {
    %c0_i32 = arith.constant 0 : i32
    %c0_i32_0 = arith.constant 0 : i32
    return %arg0, %c0_i32 : i32, i32
  }
}

module attributes {stable_mosaic.version = 14 : i64} {
  func.func @body(%arg0: i32, %arg1: memref<2x6272x3xf32, #tpu.memory_space<vmem>>, %arg2: memref<6272x3xf32, #tpu.memory_space<vmem>>, %arg3: memref<6272x1xf32, #tpu.memory_space<vmem>>, %arg4: memref<3x5xf32, #tpu.memory_space<vmem>>, %arg5: memref<1x5xf32, #tpu.memory_space<vmem>>, %arg6: memref<6272x5xf32, #tpu.memory_space<vmem>>) attributes {dimension_semantics = [#tpu.dimension_semantics<arbitrary>], iteration_bounds = array<i64: 16>, scalar_prefetch = 0 : i64, scratch_operands = 0 : i64, tpu.core_type = #tpu.core_type<tc>, window_params = [{transform_indices = @transform_0, window_bounds = array<i64: 2, 6272, 3>}, {transform_indices = @transform_1, window_bounds = array<i64: 6272, 3>}, {transform_indices = @transform_2, window_bounds = array<i64: 6272, 1>}, {pipeline_mode = #tpu.pipeline_mode<synchronous>, transform_indices = @transform_3, window_bounds = array<i64: 3, 5>}, {pipeline_mode = #tpu.pipeline_mode<synchronous>, transform_indices = @transform_4, window_bounds = array<i64: 1, 5>}, {transform_indices = @transform_5, window_bounds = array<i64: 6272, 5>}]} {
    %get3A = arith.constant 0 : index
    %get3A_0 = arith.constant 0 : index
    %get3A_1 = arith.constant 0 : index
    %get3A_2 = vector.load %arg1[%get3A, %get3A_0, %get3A_1] : memref<2x6272x3xf32, #tpu.memory_space<vmem>>, vector<1x6272x3xf32>
    %get3A_3 = vector.shape_cast %get3A_2 : vector<1x6272x3xf32> to vector<6272x3xf32>
    %get3A_4 = arith.constant 1 : index
    %get3A_5 = arith.constant 0 : index
    %get3A_6 = arith.constant 0 : index
    %get3A_7 = vector.load %arg1[%get3A_4, %get3A_5, %get3A_6] : memref<2x6272x3xf32, #tpu.memory_space<vmem>>, vector<1x6272x3xf32>
    %get3A_8 = vector.shape_cast %get3A_7 : vector<1x6272x3xf32> to vector<6272x3xf32>
    %add3A = arith.addf %get3A_3, %get3A_8 : vector<6272x3xf32>
    %get3A_9 = arith.constant 0 : index
    %get3A_10 = arith.constant 0 : index
    %get3A_11 = vector.load %arg2[%get3A_9, %get3A_10] : memref<6272x3xf32, #tpu.memory_space<vmem>>, vector<6272x3xf32>
    %sub3A = arith.subf %add3A, %get3A_11 : vector<6272x3xf32>
    %get3A_12 = arith.constant 0 : index
    %get3A_13 = arith.constant 0 : index
    %get3A_14 = vector.load %arg3[%get3A_12, %get3A_13] : memref<6272x1xf32, #tpu.memory_space<vmem>>, vector<6272x1xf32>
    %mul3A = vector.broadcast %get3A_14 : vector<6272x1xf32> to vector<6272x3xf32>
    %mul3A_15 = arith.mulf %sub3A, %mul3A : vector<6272x3xf32>
    %get3A_16 = arith.constant 0 : index
    %get3A_17 = arith.constant 0 : index
    %get3A_18 = vector.load %arg4[%get3A_16, %get3A_17] : memref<3x5xf32, #tpu.memory_space<vmem>>, vector<3x5xf32>
    %dot_general3A = arith.constant dense<0.000000e+00> : vector<6272x5xf32>
    %dot_general3A_19 = tpu.matmul %mul3A_15, %get3A_18, %dot_general3A {dimension_numbers = #tpu.dot_dimension_numbers<[1], [0], [0], [1], [0, 0, 1, 1], [], []>, transpose_lhs_hint = false} : vector<6272x3xf32>, vector<3x5xf32>, vector<6272x5xf32> -> vector<6272x5xf32>
    %get3A_20 = arith.constant 0 : index
    %get3A_21 = arith.constant 0 : index
    %get3A_22 = vector.load %arg5[%get3A_20, %get3A_21] : memref<1x5xf32, #tpu.memory_space<vmem>>, vector<1x5xf32>
    %add3A_23 = vector.broadcast %get3A_22 : vector<1x5xf32> to vector<6272x5xf32>
    %add3A_24 = arith.addf %dot_general3A_19, %add3A_23 : vector<6272x5xf32>
    %max3A = arith.constant 0.000000e+00 : f32
    %max3A_25 = vector.broadcast %max3A : f32 to vector<6272x5xf32>
    %max3A_26 = arith.maximumf %add3A_24, %max3A_25 : vector<6272x5xf32>
    %get3A_27 = arith.constant 0 : index
    %get3A_28 = arith.constant 0 : index
    %get3A_29 = vector.load %arg3[%get3A_27, %get3A_28] : memref<6272x1xf32, #tpu.memory_space<vmem>>, vector<6272x1xf32>
    %mul3A_30 = vector.broadcast %get3A_29 : vector<6272x1xf32> to vector<6272x5xf32>
    %mul3A_31 = arith.mulf %max3A_26, %mul3A_30 : vector<6272x5xf32>
    %swap3A = arith.constant 0 : index
    %swap3A_32 = arith.constant 0 : index
    %swap3A_33 = vector.load %arg6[%swap3A, %swap3A_32] : memref<6272x5xf32, #tpu.memory_space<vmem>>, vector<6272x5xf32>
    tpu.vector_store %arg6[%swap3A, %swap3A_32], %mul3A_31 {strides = array<i32>} : memref<6272x5xf32, #tpu.memory_space<vmem>>, vector<6272x5xf32>,
    return
  }
  func.func @transform_0(%arg0: i32) -> (i32, i32, i32) {
    %c0_i32 = arith.constant 0 : i32
    %c0_i32_0 = arith.constant 0 : i32
    %c0_i32_1 = arith.constant 0 : i32
    return %c0_i32, %arg0, %c0_i32_0 : i32, i32, i32
  }
  func.func @transform_1(%arg0: i32) -> (i32, i32) {
    %c0_i32 = arith.constant 0 : i32
    %c0_i32_0 = arith.constant 0 : i32
    return %arg0, %c0_i32 : i32, i32
  }
  func.func @transform_2(%arg0: i32) -> (i32, i32) {
    %c0_i32 = arith.constant 0 : i32
    %c0_i32_0 = arith.constant 0 : i32
    return %arg0, %c0_i32 : i32, i32
  }
  func.func @transform_3(%arg0: i32) -> (i32, i32) {
    %c0_i32 = arith.constant 0 : i32
    %c0_i32_0 = arith.constant 0 : i32
    %c0_i32_1 = arith.constant 0 : i32
    return %c0_i32, %c0_i32_0 : i32, i32
  }
  func.func @transform_4(%arg0: i32) -> (i32, i32) {
    %c0_i32 = arith.constant 0 : i32
    %c0_i32_0 = arith.constant 0 : i32
    %c0_i32_1 = arith.constant 0 : i32
    return %c0_i32, %c0_i32_0 : i32, i32
  }
  func.func @transform_5(%arg0: i32) -> (i32, i32) {
    %c0_i32 = arith.constant 0 : i32
    %c0_i32_0 = arith.constant 0 : i32
    return %arg0, %c0_i32 : i32, i32
  }
}

module attributes {stable_mosaic.version = 14 : i64} {
  func.func @body(%arg0: i32, %arg1: memref<2x6272x5xf32, #tpu.memory_space<vmem>>, %arg2: memref<6272x5xf32, #tpu.memory_space<vmem>>, %arg3: memref<6272x1xf32, #tpu.memory_space<vmem>>, %arg4: memref<2x6272xf32, #tpu.memory_space<vmem>>, %arg5: memref<5x5xf32, #tpu.memory_space<vmem>>, %arg6: memref<1x5xf32, #tpu.memory_space<vmem>>, %arg7: memref<5x1xf32, #tpu.memory_space<vmem>>, %arg8: memref<1x1xf32, #tpu.memory_space<vmem>>, %arg9: memref<1x4xf32, #tpu.memory_space<vmem>>, %arg10: memref<5x15xf32, #tpu.memory_space<vmem>>, %arg11: memref<1x15xf32, #tpu.memory_space<vmem>>, %arg12: memref<15x1xf32, #tpu.memory_space<vmem>>, %arg13: memref<1x1xf32, #tpu.memory_space<vmem>>, %arg14: memref<1x1xf32, #tpu.memory_space<vmem>>, %arg15: memref<1x5xf32, #tpu.memory_space<vmem>>) attributes {dimension_semantics = [#tpu.dimension_semantics<arbitrary>], iteration_bounds = array<i64: 16>, scalar_prefetch = 0 : i64, scratch_operands = 1 : i64, tpu.core_type = #tpu.core_type<tc>, window_params = [{transform_indices = @transform_0, window_bounds = array<i64: 2, 6272, 5>}, {transform_indices = @transform_1, window_bounds = array<i64: 6272, 5>}, {transform_indices = @transform_2, window_bounds = array<i64: 6272, 1>}, {transform_indices = @transform_3, window_bounds = array<i64: 2, 6272>}, {pipeline_mode = #tpu.pipeline_mode<synchronous>, transform_indices = @transform_4, window_bounds = array<i64: 5, 5>}, {pipeline_mode = #tpu.pipeline_mode<synchronous>, transform_indices = @transform_5, window_bounds = array<i64: 1, 5>}, {pipeline_mode = #tpu.pipeline_mode<synchronous>, transform_indices = @transform_6, window_bounds = array<i64: 5, 1>}, {pipeline_mode = #tpu.pipeline_mode<synchronous>, transform_indices = @transform_7, window_bounds = array<i64: 1, 1>}, {pipeline_mode = #tpu.pipeline_mode<synchronous>, transform_indices = @transform_8, window_bounds = array<i64: 1, 4>}, {pipeline_mode = #tpu.pipeline_mode<synchronous>, transform_indices = @transform_9, window_bounds = array<i64: 5, 15>}, {pipeline_mode = #tpu.pipeline_mode<synchronous>, transform_indices = @transform_10, window_bounds = array<i64: 1, 15>}, {pipeline_mode = #tpu.pipeline_mode<synchronous>, transform_indices = @transform_11, window_bounds = array<i64: 15, 1>}, {pipeline_mode = #tpu.pipeline_mode<synchronous>, transform_indices = @transform_12, window_bounds = array<i64: 1, 1>}, {pipeline_mode = #tpu.pipeline_mode<synchronous>, transform_indices = @transform_13, window_bounds = array<i64: 1, 1>}]} {
    %get3A = arith.constant 0 : index
    %get3A_0 = arith.constant 0 : index
    %get3A_1 = arith.constant 0 : index
    %get3A_2 = vector.load %arg1[%get3A, %get3A_0, %get3A_1] : memref<2x6272x5xf32, #tpu.memory_space<vmem>>, vector<1x6272x5xf32>
    %get3A_3 = vector.shape_cast %get3A_2 : vector<1x6272x5xf32> to vector<6272x5xf32>
    %get3A_4 = arith.constant 1 : index
    %get3A_5 = arith.constant 0 : index
    %get3A_6 = arith.constant 0 : index
    %get3A_7 = vector.load %arg1[%get3A_4, %get3A_5, %get3A_6] : memref<2x6272x5xf32, #tpu.memory_space<vmem>>, vector<1x6272x5xf32>
    %get3A_8 = vector.shape_cast %get3A_7 : vector<1x6272x5xf32> to vector<6272x5xf32>
    %add3A = arith.addf %get3A_3, %get3A_8 : vector<6272x5xf32>
    %get3A_9 = arith.constant 0 : index
    %get3A_10 = arith.constant 0 : index
    %get3A_11 = vector.load %arg2[%get3A_9, %get3A_10] : memref<6272x5xf32, #tpu.memory_space<vmem>>, vector<6272x5xf32>
    %sub3A = arith.subf %add3A, %get3A_11 : vector<6272x5xf32>
    %get3A_12 = arith.constant 0 : index
    %get3A_13 = arith.constant 0 : index
    %get3A_14 = vector.load %arg3[%get3A_12, %get3A_13] : memref<6272x1xf32, #tpu.memory_space<vmem>>, vector<6272x1xf32>
    %mul3A = vector.broadcast %get3A_14 : vector<6272x1xf32> to vector<6272x5xf32>
    %mul3A_15 = arith.mulf %sub3A, %mul3A : vector<6272x5xf32>
    %get3A_16 = arith.constant 0 : index
    %get3A_17 = arith.constant 0 : index
    %get3A_18 = vector.load %arg5[%get3A_16, %get3A_17] : memref<5x5xf32, #tpu.memory_space<vmem>>, vector<5x5xf32>
    %dot_general3A = arith.constant dense<0.000000e+00> : vector<6272x5xf32>
    %dot_general3A_19 = tpu.matmul %mul3A_15, %get3A_18, %dot_general3A {dimension_numbers = #tpu.dot_dimension_numbers<[1], [0], [0], [1], [0, 0, 1, 1], [], []>, transpose_lhs_hint = false} : vector<6272x5xf32>, vector<5x5xf32>, vector<6272x5xf32> -> vector<6272x5xf32>
    %get3A_20 = arith.constant 0 : index
    %get3A_21 = arith.constant 0 : index
    %get3A_22 = vector.load %arg6[%get3A_20, %get3A_21] : memref<1x5xf32, #tpu.memory_space<vmem>>, vector<1x5xf32>
    %add3A_23 = vector.broadcast %get3A_22 : vector<1x5xf32> to vector<6272x5xf32>
    %add3A_24 = arith.addf %dot_general3A_19, %add3A_23 : vector<6272x5xf32>
    %max3A = arith.constant 0.000000e+00 : f32
    %max3A_25 = vector.broadcast %max3A : f32 to vector<6272x5xf32>
    %max3A_26 = arith.maximumf %add3A_24, %max3A_25 : vector<6272x5xf32>
    %get3A_27 = arith.constant 0 : index
    %get3A_28 = arith.constant 0 : index
    %get3A_29 = vector.load %arg4[%get3A_27, %get3A_28] : memref<2x6272xf32, #tpu.memory_space<vmem>>, vector<1x6272xf32>
    %get3A_30 = vector.shape_cast %get3A_29 : vector<1x6272xf32> to vector<6272xf32>
    %get3A_31 = arith.constant 1 : index
    %get3A_32 = arith.constant 0 : index
    %get3A_33 = vector.load %arg4[%get3A_31, %get3A_32] : memref<2x6272xf32, #tpu.memory_space<vmem>>, vector<1x6272xf32>
    %get3A_34 = vector.shape_cast %get3A_33 : vector<1x6272xf32> to vector<6272xf32>
    %add3A_35 = arith.addf %get3A_30, %get3A_34 : vector<6272xf32>
    %broadcast_in_dim3A = vector.shape_cast %add3A_35 : vector<6272xf32> to vector<6272x1xf32>
    %get3A_36 = arith.constant 0 : index
    %get3A_37 = arith.constant 0 : index
    %get3A_38 = vector.load %arg3[%get3A_36, %get3A_37] : memref<6272x1xf32, #tpu.memory_space<vmem>>, vector<6272x1xf32>
    %sub3A_39 = arith.subf %broadcast_in_dim3A, %get3A_38 : vector<6272x1xf32>
    %get3A_40 = arith.constant 0 : index
    %get3A_41 = arith.constant 0 : index
    %get3A_42 = vector.load %arg3[%get3A_40, %get3A_41] : memref<6272x1xf32, #tpu.memory_space<vmem>>, vector<6272x1xf32>
    %mul3A_43 = arith.mulf %get3A_42, %sub3A_39 : vector<6272x1xf32>
    %iota3A = tpu.iota {dimensions = array<i32: 0>} : vector<6272x1xi32>
    %mul3A_44 = arith.constant 6272 : i32
    %mul3A_45 = arith.muli %arg0, %mul3A_44 : i32
    %add3A_46 = vector.broadcast %mul3A_45 : i32 to vector<6272x1xi32>
    %add3A_47 = arith.addi %iota3A, %add3A_46 : vector<6272x1xi32>
    %lt3A = arith.constant 100000 : i32
    %lt3A_48 = vector.broadcast %lt3A : i32 to vector<6272x1xi32>
    %lt3A_49 = arith.cmpi slt, %add3A_47, %lt3A_48 : vector<6272x1xi32>
    %jit3A = arith.constant 0.000000e+00 : f32
    %broadcast_in_dim3A_50 = vector.broadcast %jit3A : f32 to vector<6272x1xf32>
    %select_n3A = arith.select %lt3A_49, %mul3A_43, %broadcast_in_dim3A_50 : vector<6272x1xi1>, vector<6272x1xf32>
    %dot_general3A_51 = arith.constant dense<0.000000e+00> : vector<1x5xf32>
    %dot_general3A_52 = tpu.matmul %select_n3A, %max3A_26, %dot_general3A_51 {dimension_numbers = #tpu.dot_dimension_numbers<[0], [0], [1], [1], [0, 1, 1, 1], [], []>, transpose_lhs_hint = false} : vector<6272x1xf32>, vector<6272x5xf32>, vector<1x5xf32> -> vector<1x5xf32>
    %eq3A = arith.constant 0 : i32
    %eq3A_53 = arith.cmpi eq, %arg0, %eq3A : i32
    %convert_element_type3A = arith.extui %eq3A_53 : i1 to i32
    %cond3A = arith.constant 0 : i32
    %cond3A_54 = arith.cmpi ne, %convert_element_type3A, %cond3A : i32
    scf.if %cond3A_54 {
      %broadcast_in_dim3A_66 = arith.constant 0.000000e+00 : f32
      %broadcast_in_dim3A_67 = vector.broadcast %broadcast_in_dim3A_66 : f32 to vector<1x5xf32>
      %swap3A_68 = arith.constant 0 : index
      %swap3A_69 = arith.constant 0 : index
      %swap3A_70 = vector.load %arg15[%swap3A_68, %swap3A_69] : memref<1x5xf32, #tpu.memory_space<vmem>>, vector<1x5xf32>
      tpu.vector_store %arg15[%swap3A_68, %swap3A_69], %broadcast_in_dim3A_67 {strides = array<i32>} : memref<1x5xf32, #tpu.memory_space<vmem>>, vector<1x5xf32>,
    } else {
    }
    %get3A_55 = arith.constant 0 : index
    %get3A_56 = arith.constant 0 : index
    %get3A_57 = vector.load %arg15[%get3A_55, %get3A_56] : memref<1x5xf32, #tpu.memory_space<vmem>>, vector<1x5xf32>
    %add3A_58 = arith.addf %get3A_57, %dot_general3A_52 : vector<1x5xf32>
    %swap3A = arith.constant 0 : index
    %swap3A_59 = arith.constant 0 : index
    %swap3A_60 = vector.load %arg15[%swap3A, %swap3A_59] : memref<1x5xf32, #tpu.memory_space<vmem>>, vector<1x5xf32>
    tpu.vector_store %arg15[%swap3A, %swap3A_59], %add3A_58 {strides = array<i32>} : memref<1x5xf32, #tpu.memory_space<vmem>>, vector<1x5xf32>,
    %eq3A_61 = arith.constant 15 : i32
    %eq3A_62 = arith.cmpi eq, %arg0, %eq3A_61 : i32
    %convert_element_type3A_63 = arith.extui %eq3A_62 : i1 to i32
    %cond3A_64 = arith.constant 0 : i32
    %cond3A_65 = arith.cmpi ne, %convert_element_type3A_63, %cond3A_64 : i32
    scf.if %cond3A_65 {
      %get3A_66 = arith.constant 0 : index
      %get3A_67 = arith.constant 0 : index
      %get3A_68 = vector.load %arg15[%get3A_66, %get3A_67] : memref<1x5xf32, #tpu.memory_space<vmem>>, vector<1x5xf32>
      %get3A_69 = arith.constant 0 : index
      %get3A_70 = arith.constant 0 : index
      %get3A_71 = vector.load %arg7[%get3A_69, %get3A_70] : memref<5x1xf32, #tpu.memory_space<vmem>>, vector<5x1xf32>
      %dot_general3A_72 = arith.constant dense<0.000000e+00> : vector<1x1xf32>
      %dot_general3A_73 = tpu.matmul %get3A_68, %get3A_71, %dot_general3A_72 {dimension_numbers = #tpu.dot_dimension_numbers<[1], [0], [0], [1], [0, 0, 1, 1], [], []>, transpose_lhs_hint = false} : vector<1x5xf32>, vector<5x1xf32>, vector<1x1xf32> -> vector<1x1xf32>
      %div3A = arith.constant 1.000000e+05 : f32
      %div3A_74 = vector.broadcast %div3A : f32 to vector<1x1xf32>
      %div3A_75 = arith.divf %dot_general3A_73, %div3A_74 : vector<1x1xf32>
      %get3A_76 = arith.constant 0 : index
      %get3A_77 = arith.constant 0 : index
      %get3A_78 = vector.load %arg8[%get3A_76, %get3A_77] : memref<1x1xf32, #tpu.memory_space<vmem>>, vector<1x1xf32>
      %add3A_79 = arith.addf %div3A_75, %get3A_78 : vector<1x1xf32>
      %get3A_80 = arith.constant 0 : index
      %get3A_81 = arith.constant 0 : index
      %get3A_82 = vector.load %arg9[%get3A_80, %get3A_81] : memref<1x4xf32, #tpu.memory_space<vmem>>, vector<1x4xf32>
      %concatenate3A = tpu.concatenate %add3A_79, %get3A_82 in 1 : vector<1x1xf32>, vector<1x4xf32> -> vector<1x5xf32>
      %get3A_83 = arith.constant 0 : index
      %get3A_84 = arith.constant 0 : index
      %get3A_85 = vector.load %arg10[%get3A_83, %get3A_84] : memref<5x15xf32, #tpu.memory_space<vmem>>, vector<5x15xf32>
      %dot_general3A_86 = arith.constant dense<0.000000e+00> : vector<1x15xf32>
      %dot_general3A_87 = tpu.matmul %concatenate3A, %get3A_85, %dot_general3A_86 {dimension_numbers = #tpu.dot_dimension_numbers<[1], [0], [0], [1], [0, 0, 1, 1], [], []>, transpose_lhs_hint = false} : vector<1x5xf32>, vector<5x15xf32>, vector<1x15xf32> -> vector<1x15xf32>
      %get3A_88 = arith.constant 0 : index
      %get3A_89 = arith.constant 0 : index
      %get3A_90 = vector.load %arg11[%get3A_88, %get3A_89] : memref<1x15xf32, #tpu.memory_space<vmem>>, vector<1x15xf32>
      %add3A_91 = arith.addf %dot_general3A_87, %get3A_90 : vector<1x15xf32>
      %max3A_92 = arith.constant 0.000000e+00 : f32
      %max3A_93 = vector.broadcast %max3A_92 : f32 to vector<1x15xf32>
      %max3A_94 = arith.maximumf %add3A_91, %max3A_93 : vector<1x15xf32>
      %get3A_95 = arith.constant 0 : index
      %get3A_96 = arith.constant 0 : index
      %get3A_97 = vector.load %arg12[%get3A_95, %get3A_96] : memref<15x1xf32, #tpu.memory_space<vmem>>, vector<15x1xf32>
      %dot_general3A_98 = arith.constant dense<0.000000e+00> : vector<1x1xf32>
      %dot_general3A_99 = tpu.matmul %max3A_94, %get3A_97, %dot_general3A_98 {dimension_numbers = #tpu.dot_dimension_numbers<[1], [0], [0], [1], [0, 0, 1, 1], [], []>, transpose_lhs_hint = false} : vector<1x15xf32>, vector<15x1xf32>, vector<1x1xf32> -> vector<1x1xf32>
      %get3A_100 = arith.constant 0 : index
      %get3A_101 = arith.constant 0 : index
      %get3A_102 = vector.load %arg13[%get3A_100, %get3A_101] : memref<1x1xf32, #tpu.memory_space<vmem>>, vector<1x1xf32>
      %add3A_103 = arith.addf %dot_general3A_99, %get3A_102 : vector<1x1xf32>
      %tanh3A = math.tanh %add3A_103 : vector<1x1xf32>
      %swap3A_104 = arith.constant 0 : index
      %swap3A_105 = arith.constant 0 : index
      %swap3A_106 = vector.load %arg14[%swap3A_104, %swap3A_105] : memref<1x1xf32, #tpu.memory_space<vmem>>, vector<1x1xf32>
      tpu.vector_store %arg14[%swap3A_104, %swap3A_105], %tanh3A {strides = array<i32>} : memref<1x1xf32, #tpu.memory_space<vmem>>, vector<1x1xf32>,
    } else {
    }
    return
  }
  func.func @transform_0(%arg0: i32) -> (i32, i32, i32) {
    %c0_i32 = arith.constant 0 : i32
    %c0_i32_0 = arith.constant 0 : i32
    %c0_i32_1 = arith.constant 0 : i32
    return %c0_i32, %arg0, %c0_i32_0 : i32, i32, i32
  }
  func.func @transform_1(%arg0: i32) -> (i32, i32) {
    %c0_i32 = arith.constant 0 : i32
    %c0_i32_0 = arith.constant 0 : i32
    return %arg0, %c0_i32 : i32, i32
  }
  func.func @transform_2(%arg0: i32) -> (i32, i32) {
    %c0_i32 = arith.constant 0 : i32
    %c0_i32_0 = arith.constant 0 : i32
    return %arg0, %c0_i32 : i32, i32
  }
  func.func @transform_3(%arg0: i32) -> (i32, i32) {
    %c0_i32 = arith.constant 0 : i32
    %c0_i32_0 = arith.constant 0 : i32
    return %c0_i32, %arg0 : i32, i32
  }
  func.func @transform_4(%arg0: i32) -> (i32, i32) {
    %c0_i32 = arith.constant 0 : i32
    %c0_i32_0 = arith.constant 0 : i32
    %c0_i32_1 = arith.constant 0 : i32
    return %c0_i32, %c0_i32_0 : i32, i32
  }
  func.func @transform_5(%arg0: i32) -> (i32, i32) {
    %c0_i32 = arith.constant 0 : i32
    %c0_i32_0 = arith.constant 0 : i32
    %c0_i32_1 = arith.constant 0 : i32
    return %c0_i32, %c0_i32_0 : i32, i32
  }
  func.func @transform_6(%arg0: i32) -> (i32, i32) {
    %c0_i32 = arith.constant 0 : i32
    %c0_i32_0 = arith.constant 0 : i32
    %c0_i32_1 = arith.constant 0 : i32
    return %c0_i32, %c0_i32_0 : i32, i32
  }
  func.func @transform_7(%arg0: i32) -> (i32, i32) {
    %c0_i32 = arith.constant 0 : i32
    %c0_i32_0 = arith.constant 0 : i32
    %c0_i32_1 = arith.constant 0 : i32
    return %c0_i32, %c0_i32_0 : i32, i32
  }
  func.func @transform_8(%arg0: i32) -> (i32, i32) {
    %c0_i32 = arith.constant 0 : i32
    %c0_i32_0 = arith.constant 0 : i32
    %c0_i32_1 = arith.constant 0 : i32
    return %c0_i32, %c0_i32_0 : i32, i32
  }
  func.func @transform_9(%arg0: i32) -> (i32, i32) {
    %c0_i32 = arith.constant 0 : i32
    %c0_i32_0 = arith.constant 0 : i32
    %c0_i32_1 = arith.constant 0 : i32
    return %c0_i32, %c0_i32_0 : i32, i32
  }
  func.func @transform_10(%arg0: i32) -> (i32, i32) {
    %c0_i32 = arith.constant 0 : i32
    %c0_i32_0 = arith.constant 0 : i32
    %c0_i32_1 = arith.constant 0 : i32
    return %c0_i32, %c0_i32_0 : i32, i32
  }
  func.func @transform_11(%arg0: i32) -> (i32, i32) {
    %c0_i32 = arith.constant 0 : i32
    %c0_i32_0 = arith.constant 0 : i32
    %c0_i32_1 = arith.constant 0 : i32
    return %c0_i32, %c0_i32_0 : i32, i32
  }
  func.func @transform_12(%arg0: i32) -> (i32, i32) {
    %c0_i32 = arith.constant 0 : i32
    %c0_i32_0 = arith.constant 0 : i32
    %c0_i32_1 = arith.constant 0 : i32
    return %c0_i32, %c0_i32_0 : i32, i32
  }
  func.func @transform_13(%arg0: i32) -> (i32, i32) {
    %c0_i32 = arith.constant 0 : i32
    %c0_i32_0 = arith.constant 0 : i32
    %c0_i32_1 = arith.constant 0 : i32
    return %c0_i32, %c0_i32_0 : i32, i32
  }
}

</mosaic_0001>

<sc_bundles>
// kernel: kernel.11.cloned.1.call-start
scs
__scs_entry_jumppad:
0x0: {  	(pc) =	sbr.rel $0x88, $3  }
0x1: {  	(tag) =	ssettag $0x0;
	lr =	simm.s32 $0x1  }
0x2: {  	[smem:$0x3F94] =	sst lr;
	_ =	strace $0xD0000000  }
0x3: {  	_ = 	snop  }
0x4: {  	_ = 	snop  }
0x5: {  	_ = 	snop  }
0x6: {  	_ = 	snop  }
0x7: {  	_ = 	snop  }
__scs_overlays_trampoline_lowered:
0x8: {  	[smem:$0x3FA3] =	sst s0  }
0x9: {  	[smem:$0x3FA4] =	sst s1  }
0xa: {  	[smem:$0x3FA5] =	sst s2  }
0xb: {  	[smem:$0x3FA6] =	sst s3  }
0xc: {  	[smem:$0x3FA7] =	sst s4  }
0xd: {  	[smem:$0x3FA8] =	sst s5  }
0xe: {  	[smem:$0x3FA9] =	sst s6  }
0xf: {  	[smem:$0x3FAA] =	sst s7  }
0x10: {  	[smem:$0x3FAB] =	sst s8  }
0x11: {  	[smem:$0x3FAC] =	sst s9;
	s0 =	simm.s32 @!p0 $0x0  }
0x12: {  	s1 =	sld [smem:$0x3F92];
	s0 =	simm.s32 @p0 $0x1  }
0x13: {  	[smem:$0x3FAD] =	sst s0;
	s0 =	simm.s32 @!p1 $0x0  }
0x14: {  	s2 =	sld [smem:$0x3F91];
	s0 =	simm.s32 @p1 $0x1  }
0x15: {  	[smem:$0x3FAE] =	sst s0;
	s0 =	simm.s32 @!p2 $0x0  }
0x16: {  	s3 =	sld [smem:$0x3FDB];
	s0 =	simm.s32 @p2 $0x1  }
0x17: {  	s4 =	simm.s32 $0x1BF5;
	[smem:$0x3FB0] =	sst s0  }
0x18: {  	s0 =	sld [smem:$0x3F93];
	_ =	swait.ge [sflag:s4], $0x0  }
0x19: {  	s7 =	sld [smem:$0x3F94]  }
0x1a: {  	s8 =	sadd.s32 $0xFFFFE003, lr  }
0x1b: {  	s9 =	sadd.s32 $0xFFFFFEF7, lr;
	s5 =	simm.s32 $0xFFFFFFFF;
	p2 =	slt.u32 s8, $0xFFFFF086  }
0x1c: {  	p1 =	slt.u32 s9, $0xF7A;
	s5 =	simm.s32 @!p2 $0x0  }
0x1d: {  	s5 =	simm.s32 @p1 $0x1;
	p0 =	seq.s32 s7, s2  }
0x1e: {  	s7 =	smul.u32 @!p0 $0xF7A, s2;
	p2 =	seq.s32 @!p0 s5, $0x0  }
0x1f: {  	s9 =	smul.u32 $0xF7A, s1;
	s8 =	simm.s32 @!p0 $0x1BF5;
	p2 =	por !p2, p0  }
0x20: {  	[sflag:s8] =	ssyncset.s32 @!p0 $0xFFFFF086;
	s6 =	sadd.s32 @!p0 s3, s7;
	s7 =	simm.s32 @!p0 $0x108  }
0x21: {  	s3 =	sadd.s32 s3, s9;
	s6 =	sadd.s32 @!p0 $0x88, s6;
	s7 =	simm.s32 @p2 $0x1082  }
0x22: {  	[simem:s7], [sflag:s8] =	dma.local @!p0 [hbm:s6], $0xF7A  }
0x23: {  	s9 =	sor.u32 $0xD0000000, s2;
	s6 =	simm.s32 $0x108;
	_ =	swait.ge @!p0 [sflag:s8], $0x0  }
0x24: {  	s3 =	sadd.s32 $0x88, s3;
	s6 =	simm.s32 @!p1 $0x1082;
	[sflag:s4] =	ssyncset.s32 $0xFFFFF086  }
0x25: {  	[simem:s6], [sflag:s4] =	dma.local [hbm:s3], $0xF7A  }
0x26: {  	[smem:$0x3F94] =	sst s1;
	(tag) =	ssettag s2;
	_ =	strace s9  }
0x27: {  	s1 =	sld [smem:$0x3FA4]  }
0x28: {  	s2 =	sld [smem:$0x3FA5]  }
0x29: {  	s4 =	sld [smem:$0x3FA7]  }
0x2a: {  	p0 =	seq.s32 s5, $0x0;
	s5 =	sld [smem:$0x3FA8]  }
0x2b: {  	s6 =	sld [smem:$0x3FA9]  }
0x2c: {  	s7 =	sld [smem:$0x3FAA]  }
0x2d: {  	s3 =	simm.s32 $0x108;
	s8 =	sld [smem:$0x3FAB]  }
0x2e: {  	s3 =	simm.s32 @!p0 $0x1082;
	s9 =	sld [smem:$0x3FAC]  }
0x2f: {  	lr =	sadd.s32 s0, s3;
	s0 =	sld [smem:$0x3FA3]  }
0x30: {  	s3 =	sld [smem:$0x3FA6]  }
0x31: {  	[smem:$0x3FAF] =	sst s10  }
0x32: {  	s10 =	sld [smem:$0x3FAD];
	_ =	sdelay $0x3  }
0x33: {  	p0 =	seq.s32 s10, $0x1;
	s10 =	sld [smem:$0x3FAF];
	_ =	sdelay $0x3  }
0x34: {  	[smem:$0x3FAF] =	sst s10  }
0x35: {  	s10 =	sld [smem:$0x3FAE];
	_ =	sdelay $0x3  }
0x36: {  	p1 =	seq.s32 s10, $0x1;
	s10 =	sld [smem:$0x3FAF];
	_ =	sdelay $0x3  }
0x37: {  	[smem:$0x3FAF] =	sst s10  }
0x38: {  	s10 =	sld [smem:$0x3FB0]  }
0x39: {  	_ = 	snop;
	(pc) =	sbr.ind lr, $3  }
0x3a: {  	_ = 	snop  }
0x3b: {  	_ = 	snop  }
0x3c: {  	p2 =	seq.s32 s10, $0x1;
	s10 =	sld [smem:$0x3FAF]  }
0x3d: {  	_ =	shalt  }
0x3e: {  	_ =	shalt  }
0x3f: {  	_ =	shalt  }
0x40: {  	_ =	shalt  }
0x41: {  	_ =	shalt  }
0x42: {  	_ =	shalt  }
0x43: {  	_ =	shalt  }
0x44: {  	_ =	shalt  }
0x45: {  	_ =	shalt  }
0x46: {  	_ =	shalt  }
0x47: {  	_ =	shalt  }
0x48: {  	_ =	shalt  }
0x49: {  	_ =	shalt  }
0x4a: {  	_ =	shalt  }
0x4b: {  	_ =	shalt  }
0x4c: {  	_ =	shalt  }
0x4d: {  	_ =	shalt  }
0x4e: {  	_ =	shalt  }
0x4f: {  	_ =	shalt  }
0x50: {  	_ =	shalt  }
0x51: {  	_ =	shalt  }
0x52: {  	_ =	shalt  }
0x53: {  	_ =	shalt  }
0x54: {  	_ =	shalt  }
0x55: {  	_ =	shalt  }
0x56: {  	_ =	shalt  }
0x57: {  	_ =	shalt  }
0x58: {  	_ =	shalt  }
0x59: {  	_ =	shalt  }
0x5a: {  	_ =	shalt  }
0x5b: {  	_ =	shalt  }
0x5c: {  	_ =	shalt  }
0x5d: {  	_ =	shalt  }
0x5e: {  	_ =	shalt  }
0x5f: {  	_ =	shalt  }
0x60: {  	_ =	shalt  }
0x61: {  	_ =	shalt  }
0x62: {  	_ =	shalt  }
0x63: {  	_ =	shalt  }
0x64: {  	_ =	shalt  }
0x65: {  	_ =	shalt  }
0x66: {  	_ =	shalt  }
0x67: {  	_ =	shalt  }
0x68: {  	_ =	shalt  }
0x69: {  	_ =	shalt  }
0x6a: {  	_ =	shalt  }
0x6b: {  	_ =	shalt  }
0x6c: {  	_ =	shalt  }
0x6d: {  	_ =	shalt  }
0x6e: {  	_ =	shalt  }
0x6f: {  	_ =	shalt  }
0x70: {  	_ =	shalt  }
0x71: {  	_ =	shalt  }
0x72: {  	_ =	shalt  }
0x73: {  	_ =	shalt  }
0x74: {  	_ =	shalt  }
0x75: {  	_ =	shalt  }
0x76: {  	_ =	shalt  }
0x77: {  	_ =	shalt  }
0x78: {  	_ =	shalt  }
0x79: {  	_ =	shalt  }
0x7a: {  	_ =	shalt  }
0x7b: {  	_ =	shalt  }
0x7c: {  	_ =	shalt  }
0x7d: {  	_ =	shalt  }
0x7e: {  	_ =	shalt  }
0x7f: {  	_ =	shalt  }
0x80: {  	_ =	shalt  }
0x81: {  	_ =	shalt  }
0x82: {  	_ =	shalt  }
0x83: {  	_ =	shalt  }
0x84: {  	_ =	shalt  }
0x85: {  	_ =	shalt  }
0x86: {  	_ =	shalt  }
0x87: {  	_ =	shalt  }
.Lfunc_end0:
.L_simem_size_0:
called_computation.1_lowered:
.L_overlay_start_0:
0x88: {  	s2 =	sld [smem:$0x3FD9]  }
0x89: {  	s3 =	sld [smem:$0x3FFE];
	_ =	sdelay $0x1  }
0x8a: {  	s1 =	srdreg.scid  }
0x8b: {  	s0 =	sand.u32 $0x1, s1  }
0x8c: {  	s16 =	sshll.u32 s0, $0xA;
	s2 =	sadd.s32 s3, s2  }
0x8d: {  	s2 =	sadd.s32 s2, s16  }
0x8e: {  	[smem:$0x3FBB] =	sst s2  }
0x8f: {  	_ = 	snop  }
0x90: {  	(tm) =	ssettm $0x1  }
0x91: {  	s17 =	sld [smem:$0x3FFB];
	_ =	sdelay $0x3  }
0x92: {  	_ =	strace s17  }
0x93: {  	s2 =	sld [smem:$0x3FFC];
	_ =	sdelay $0x3  }
0x94: {  	_ =	strace s2  }
0x95: {  	s2 =	sld [smem:$0x3FFD];
	_ =	sdelay $0x3  }
0x96: {  	_ =	strace s2  }
0x97: {  	_ =	strace $0x8FFFFFFF  }
0x98: {  	s18 =	sld [smem:$0x3FDB];
	_ =	sdelay $0x1  }
0x99: {  	s19 =	simm.s32 $_scs_section_size  }
0x9a: {  	s4 =	simm.s32 $_size__tile_overlayer_lowered;
	s5 =	simm.s32 $_tile_overlayer_lowered  }
0x9b: {  	s22 =	simm.s32 $0x1BFF;
	s21 =	sshll.u32 s5, $0x1;
	s2 =	sadd.s32 s19, s18  }
0x9c: {  	s6 =	simm.s32 $0x0;
	s20 =	sshll.u32 s4, $0x1;
	s4 =	sadd.s32 s21, s2  }
0x9d: {  	[timem:s6], [sflag:s22] =	dma.local [hbm:s4], s20  }
0x9e: {  	_ =	swait.ge [sflag:s22], s20  }
0x9f: {  	s3 =	ssub.s32 $0x0, s20;
	[sflag:s22] =	ssyncset.done $0x0  }
0xa0: {  	[sflag:s22] =	ssyncadd.s32 s3;
	_ =	sdelay $0x1  }
0xa1: {  	s23 =	simm.s32 $0x1B8B  }
0xa2: {  	_ =	swait.ge [sflag:s23], $0x1  }
0xa3: {  	[sflag:s23] =	ssyncset.done $0x0  }
0xa4: {  	s25 =	simm.s32 $0x1B8E;
	s24 =	sld [smem:$0x3FFE];
	[sflag:s23] =	ssyncadd.s32 $0xFFFFFFFF  }
0xa5: {  	s26 =	simm.s32 $execute0_lowered;
	[smem:$0x3FD2] =	sst s25  }
0xa6: {  	s4 =	sshll.u32 s26, $0x1;
	_ =	strace $0x80000049;
	[dreg:$0x1] =	wrdreg $0xFFFFFFFF  }
0xa7: {  	s28 =	simm.s32 $_size_execute0_lowered;
	s2 =	sadd.s32 s2, s4;
	[dreg:$0x0] =	wrdreg $0x0  }
0xa8: {  	s4 =	sshll.u32 s28, $0x1;
	[dreg:$0x2] =	wrdreg s2  }
0xa9: {  	[dreg:$0x3] =	wrdreg s4  }
0xaa: {  	[dreg:$0x4] =	wrdreg $0xC0  }
0xab: {  	_ =	task [dreg:s6], $0x5FFFF  }
0xac: {  	[dreg:$0x1] =	wrdreg $0xFFFFFFFF  }
0xad: {  	[dreg:$0x0] =	wrdreg $0x60  }
0xae: {  	[dreg:$0x2] =	wrdreg s24  }
0xaf: {  	[dreg:$0x3] =	wrdreg $0x0  }
0xb0: {  	[dreg:$0x4] =	wrdreg $0x49800  }
0xb1: {  	[dreg:$0x5] =	wrdreg $0x93000  }
0xb2: {  	[dreg:$0x6] =	wrdreg $0xAB800  }
0xb3: {  	[dreg:$0x7] =	wrdreg $0x9  }
0xb4: {  	_ =	task.clear_ibuf [dreg:s6], $0x8FFFF;
	_ =	strace $0x90000049  }
0xb5: {  	s29 =	simm.s32 $0x9;
	_ =	strace $0x8000004B  }
0xb6: {  	_ =	swait.ge [sflag:s29], $0x1  }
0xb7: {  	[sflag:s29] =	ssyncadd.s32 $0xFFFFFFFF  }
0xb8: {  	_ =	strace $0x9000004B  }
0xb9: {  	_ =	sfence  }
0xba: {  	s30 =	sld [smem:$0x0];
	_ =	sdelay $0x2  }
0xbb: {  	s31 =	sshll.u32 s1, $0xD;
	s1 =	sshrl.u32 s1, $0x2  }
0xbc: {  	s3 =	sand.u32 $0x4000, s31;
	s1 =	sadd.s32 s1, s30  }
0xbd: {  	s0 =	sor.u32 s3, s0;
	s1 =	sshll.u32 s1, $0x11  }
0xbe: {  	s0 =	sor.u32 s1, s0  }
0xbf: {  	s0 =	sadd.s32 $0x8F2B, s0  }
0xc0: {  	[sflag:s0] =	ssyncadd.remote.s32 $0x1  }
0xc1: {  	_ =	sfence.sel $0xFFFF  }
0xc2: {  	[dreg:$0x0] =	wrdreg $0xFFFFFFFF;
	(pc) =	sbr.abs _section_cstart, $3  }
0xc3: {  	[dreg:$0x1] =	wrdreg $0xFFFFFFFF  }
0xc4: {  	_ =	task.clear_ibuf [dreg:s6], $0x2FFFF;
	_ =	strace $0x9FFFFFFF  }
0xc5: {  	(tm) =	ssettm $0x7FFFFFFF  }
tec
execute0_lowered:
.L_overlay_start_1:
0x0: {  	(tag) =	ssettag $0x1  }
0x1: {  	s0 =	rddreg [dreg:$0x0]  }
0x2: {  	s1 =	rddreg [dreg:$0x1]  }
0x3: {  	s2 =	rddreg [dreg:$0x2]  }
0x4: {  	s4 =	rddreg [dreg:$0x3]  }
0x5: {  	s5 =	rddreg [dreg:$0x4];
	s6 =	stileid.u32  }
0x6: {  	s3 =	simm.s32 $0x0;
	s10 =	srdreg.scid;
	s26 =	smul.u32 $0xC400, s6  }
0x7: {  	s28 =	simm.s32 $0x100;
	s30 =	simm.s32 $0x1B080;
	s9 =	smul.u32 $0x1880, s6  }
0x8: {  	[smem:$0x7FF] =	sst s3;
	s10 =	sand.u32 $0x1, s10;
	s18 =	smul.u32 $0xC3, s6  }
0x9: {  	s29 =	sadd.s32 $0xC5C00, s0;
	s31 =	sadd.s32 $0x2600, s0;
	s11 =	smul.u32 $0x18800, s10  }
0xa: {  	s22 =	smin.u32 s6, $0x5;
	p0 =	slt.u32 s6, $0x5;
	s16 =	smul.u32 $0x3100, s10  }
0xb: {  	_ =	strace $0x8000004A;
	s7 =	ssub.s32 $0x2, s10;
	s10 =	smul.u32 $0xC35, s10  }
0xc: {  	s12 =	sshrl.u32 s26, $0x3;
	s13 =	sshrl.u32 s9, $0x3;
	s8 =	sshrl.u32 s7, $0x1  }
0xd: {  	s19 =	sadd.s32 s26, s1;
	s23 =	sadd.s32 s9, s4;
	s14 =	sadd.s32 s12, s0  }
0xe: {  	s15 =	sadd.s32 s13, s0;
	s17 =	sadd.s32 s11, s0;
	s0 =	sadd.s32 s16, s0  }
0xf: {  	s16 =	ssub.s32 s7, s8;
	[dreg:$0x8] =	wrdreg s19;
	s11 =	sadd.s32 s26, s2  }
0x10: {  	s21 =	sadd.s32 s18, s10;
	s18 =	simm.s32 $0x31000;
	[dreg:$0xb] =	wrdreg s23  }
0x11: {  	s8 =	simm.s32 $0xC3;
	s10 =	simm.s32 $0x1;
	s7 =	sadd.s32 $0x629000, s14  }
0x12: {  	s20 =	sadd.s32 $0x311200, s15;
	s14 =	sadd.s32 s22, s21;
	s18 =	simm.s32 @!p0 $0x30C00  }
0x13: {  	s15 =	sadd.s32 s9, s5;
	s8 =	simm.s32 @!p0 $0xC2;
	[dreg:$0x9] =	wrdreg s11  }
0x14: {  	s25 =	sadd.s32 $0x314400, s17;
	s0 =	sadd.s32 $0x345400, s0;
	[dreg:$0x7] =	wrdreg s7  }
0x15: {  	s26 =	smax.u32 s16, $0x1;
	s16 =	simm.s32 $0xC400;
	[dreg:$0xa] =	wrdreg s20  }
0x16: {  	s17 =	simm.s32 $0x4;
	s9 =	simm.s32 $0x1D380;
	[dreg:$0x6] =	wrdreg s18  }
0x17: {  	s3 =	sshll.u32 s14, $0x7;
	[dreg:$0xf] =	wrdreg s26;
	s18 =	simm.s32 $0x18800  }
0x18: {  	s0 =	sadd.s32 s13, s0;
	s20 =	simm.s32 $0x1B880;
	[dreg:$0xc] =	wrdreg s15  }
0x19: {  	s26 =	simm.s32 $0x1C880;
	s24 =	sadd.s32 s29, s3;
	[dreg:$0x11] =	wrdreg s0  }
0x1a: {  	s13 =	simm.s32 $0x3;
	s3 =	sadd.s32 s31, s3;
	[dreg:$0xd] =	wrdreg s24  }
0x1b: {  	[dreg:$0xe] =	wrdreg s3;
	s3 =	sadd.s32 s12, s25;
	s12 =	simm.s32 $0x2  }
0x1c: {  	s25 =	simm.s32 $0x1C080;
	[dreg:$0x10] =	wrdreg s3;
	s3 =	simm.s32 $0x0  }
.LBB2_1:
0x1d: {  	[dreg:$0x12] =	wrdreg s3  }
0x1e: {  	s6 =	simm.s32 $0x0;
	s7 =	rddreg [dreg:$0x7]  }
0x1f: {  	[tilespmem:s16], [sflag:$0x4] =	stream.linear.gather [hbm4b:s7+s6], $0xC400, $0x38;
	[tilespmem:$0x1D480] =	vst v63  }
0x20: {  	_ =	swait.ge [sflag:s17], $0xC400  }
0x21: {  	[sflag:s17] =	ssyncset.done $0x0  }
0x22: {  	s3 =	rddreg [dreg:$0x8];
	[sflag:s17] =	ssyncadd.s32 $0xFFFF3C00  }
0x23: {  	[spmem:s3] =	stream.linear.scatter [tilespmem:s16], [sflag:$0x4], $0xC400, $0x38;
	[tilespmem:$0x1D480] =	vst v63  }
0x24: {  	_ =	swait.ge [sflag:s17], $0xC400  }
0x25: {  	[sflag:s17] =	ssyncset.done $0x0  }
0x26: {  	[sflag:s17] =	ssyncadd.s32 $0xFFFF3C00  }
0x27: {  	[spmem:s11] =	stream.linear.scatter [tilespmem:s16], [sflag:$0x4], $0xC400, $0x38;
	[tilespmem:$0x1D480] =	vst v63  }
0x28: {  	_ =	swait.ge [sflag:s17], $0xC400  }
0x29: {  	[sflag:s17] =	ssyncset.done $0x0  }
0x2a: {  	s19 =	rddreg [dreg:$0xa];
	[sflag:s17] =	ssyncadd.s32 $0xFFFF3C00  }
0x2b: {  	[tilespmem:s18], [sflag:$0x4] =	stream.linear.gather [hbm4b:s19+s6], $0x1880, $0x38;
	[tilespmem:$0x1D480] =	vst v63  }
0x2c: {  	_ =	swait.ge [sflag:s17], $0x1880  }
0x2d: {  	[sflag:s17] =	ssyncset.done $0x0  }
0x2e: {  	s21 =	rddreg [dreg:$0xb];
	[sflag:s17] =	ssyncadd.s32 $0xFFFFE780  }
0x2f: {  	[spmem:s21] =	stream.linear.scatter [tilespmem:s18], [sflag:$0x4], $0x1880, $0x38;
	[tilespmem:$0x1D480] =	vst v63  }
0x30: {  	_ =	swait.ge [sflag:s17], $0x1880  }
0x31: {  	[sflag:s17] =	ssyncset.done $0x0  }
0x32: {  	[sflag:s17] =	ssyncadd.s32 $0xFFFFE780  }
0x33: {  	[spmem:s15] =	stream.linear.scatter [tilespmem:s18], [sflag:$0x4], $0x1880, $0x38;
	[tilespmem:$0x1D480] =	vst v63  }
0x34: {  	_ =	swait.ge [sflag:s17], $0x1880  }
0x35: {  	[sflag:s17] =	ssyncset.done $0x0  }
0x36: {  	[sflag:s17] =	ssyncadd.s32 $0xFFFFE780  }
0x37: {  	[bflag:$0x0] =	sbarrier.arrive $0xFFFF  }
0x38: {  	s22 =	simm.s32 $0x1A080;
	s0 =	rddreg [dreg:$0xd]  }
0x39: {  	[tilespmem:s22], [sflag:$0x4] =	stream.linear.gather [hbm4b:s0+s6], $0x400, $0x38;
	[tilespmem:$0x1D480] =	vst v63  }
0x3a: {  	_ =	swait.ge [sflag:s17], $0x400  }
0x3b: {  	[sflag:s17] =	ssyncset.done $0x0  }
0x3c: {  	s24 =	simm.s32 $0x1A880;
	s23 =	rddreg [dreg:$0xe];
	[sflag:s17] =	ssyncadd.s32 $0xFFFFFC00  }
0x3d: {  	[tilespmem:s24], [sflag:$0x4] =	stream.linear.gather [hbm4b:s23+s6], $0x400, $0x38;
	[tilespmem:$0x1D480] =	vst v63  }
0x3e: {  	s16 =	simm.s32 $0x1C080;
	_ =	swait.ge [sflag:s17], $0x400  }
0x3f: {  	s19 =	simm.s32 $0x0;
	s18 =	simm.s32 $0x1D180;
	[sflag:s17] =	ssyncset.done $0x0  }
0x40: {  	s0 =	simm.s32 $0x1D080;
	[sflag:s17] =	ssyncadd.s32 $0xFFFFFC00;
	s17 =	simm.s32 $0x1  }
.LBB2_2:
0x41: {  	s22 =	sand.u32 $0x400, s19  }
0x42: {  	s24 =	sor.u32 $0x1A080, s22  }
0x43: {  	[tilespmem:s30], [sflag:$0x1] =	stream.indirect.gather [spmem:s1], $0x3, s24, s28, $0xb8;
	[tilespmem:$0x1D480] =	vst v63  }
0x44: {  	s11 =	sor.u32 $0x1A880, s22  }
0x45: {  	[tilespmem:s0], [sflag:$0x1] =	stream.indirect.gather [spmem:s4], $0x1, s11, s28, $0xb8;
	[tilespmem:$0x1D480] =	vst v63  }
0x46: {  	s15 =	sor.u32 $0x1A180, s22  }
0x47: {  	[tilespmem:s20], [sflag:$0x1] =	stream.indirect.gather [spmem:s1], $0x3, s15, s28, $0xb8;
	[tilespmem:$0x1D480] =	vst v63  }
0x48: {  	s20 =	sor.u32 $0x1A980, s22  }
0x49: {  	[tilespmem:s18], [sflag:$0x1] =	stream.indirect.gather [spmem:s4], $0x1, s20, s28, $0xb8;
	[tilespmem:$0x1D480] =	vst v63  }
0x4a: {  	p0 =	slt.s32 s17, s8;
	s18 =	smov.u32 s8  }
0x4b: {  	s23 =	sor.u32 $0x1A280, s22;
	s18 =	smov.u32 @p0 s17  }
0x4c: {  	[tilespmem:s16], [sflag:$0x1] =	stream.indirect.gather [spmem:s1], $0x3, s23, s28, $0xb8;
	[tilespmem:$0x1D480] =	vst v63  }
0x4d: {  	s7 =	simm.s32 $0x1D280;
	s16 =	sor.u32 $0x1AA80, s22;
	s18 =	sadd.s32 s14, s18  }
0x4e: {  	[tilespmem:s7], [sflag:$0x1] =	stream.indirect.gather [spmem:s4], $0x1, s16, s28, $0xb8;
	[tilespmem:$0x1D480] =	vst v63  }
0x4f: {  	s21 =	sor.u32 $0x1A380, s22;
	s18 =	sshll.u32 s18, $0x7  }
0x50: {  	[tilespmem:s26], [sflag:$0x1] =	stream.indirect.gather [spmem:s1], $0x3, s21, s28, $0xb8;
	[tilespmem:$0x1D480] =	vst v63  }
0x51: {  	s6 =	sxor.u32 $0x1A480, s22;
	s7 =	sor.u32 $0x1AB80, s22;
	s18 =	sand.u32 $0x1FFFFF80, s18  }
0x52: {  	[tilespmem:s9], [sflag:$0x1] =	stream.indirect.gather [spmem:s4], $0x1, s7, s28, $0xb8;
	[tilespmem:$0x1D480] =	vst v63  }
0x53: {  	s30 =	simm.s32 $0x0;
	s0 =	smov.u32 s14;
	s14 =	sadd.s32 s29, s18  }
0x54: {  	[tilespmem:s6], [sflag:$0x3] =	stream.linear.gather [hbm4b:s14+s30], $0x400, $0x38;
	[tilespmem:$0x1D480] =	vst v63  }
0x55: {  	s14 =	sxor.u32 $0x1AC80, s22;
	s22 =	sadd.s32 s31, s18  }
0x56: {  	[tilespmem:s14], [sflag:$0x3] =	stream.linear.gather [hbm4b:s22+s30], $0x400, $0x38;
	[tilespmem:$0x1D480] =	vst v63  }
0x57: {  	_ =	swait.ge [sflag:s10], $0x300  }
0x58: {  	[sflag:s10] =	ssyncset.done $0x0  }
0x59: {  	[sflag:s10] =	ssyncadd.s32 $0xFFFFFD00  }
0x5a: {  	_ =	swait.ge [sflag:s10], $0x100  }
0x5b: {  	[sflag:s10] =	ssyncset.done $0x0  }
0x5c: {  	s30 =	simm.s32 $0x1B080;
	[sflag:s10] =	ssyncadd.s32 $0xFFFFFF00  }
0x5d: {  	[spmem:s2] =	stream.indirect.scatter.add.f32 [tilespmem:s30], [sflag:$0x2], $0x3, s11, s28, $0xb8;
	[tilespmem:$0x1D480] =	vst v63  }
0x5e: {  	s14 =	smov.u32 s0;
	s0 =	simm.s32 $0x1D080  }
0x5f: {  	[spmem:s5] =	stream.indirect.scatter.add.f32 [tilespmem:s0], [sflag:$0x2], $0x1, s24, s28, $0xb8;
	[tilespmem:$0x1D480] =	vst v63  }
0x60: {  	_ =	swait.ge [sflag:s10], $0x300  }
0x61: {  	[sflag:s10] =	ssyncset.done $0x0  }
0x62: {  	[sflag:s10] =	ssyncadd.s32 $0xFFFFFD00  }
0x63: {  	_ =	swait.ge [sflag:s10], $0x100  }
0x64: {  	[sflag:s10] =	ssyncset.done $0x0  }
0x65: {  	s3 =	simm.s32 $0x1B880;
	[sflag:s10] =	ssyncadd.s32 $0xFFFFFF00  }
0x66: {  	[spmem:s2] =	stream.indirect.scatter.add.f32 [tilespmem:s3], [sflag:$0x2], $0x3, s20, s28, $0xb8;
	[tilespmem:$0x1D480] =	vst v63  }
0x67: {  	s18 =	simm.s32 $0x1D180  }
0x68: {  	[spmem:s5] =	stream.indirect.scatter.add.f32 [tilespmem:s18], [sflag:$0x2], $0x1, s15, s28, $0xb8;
	[tilespmem:$0x1D480] =	vst v63  }
0x69: {  	_ =	swait.ge [sflag:s10], $0x300  }
0x6a: {  	[sflag:s10] =	ssyncset.done $0x0  }
0x6b: {  	[sflag:s10] =	ssyncadd.s32 $0xFFFFFD00  }
0x6c: {  	_ =	swait.ge [sflag:s10], $0x100  }
0x6d: {  	[sflag:s10] =	ssyncset.done $0x0  }
0x6e: {  	[sflag:s10] =	ssyncadd.s32 $0xFFFFFF00  }
0x6f: {  	[spmem:s2] =	stream.indirect.scatter.add.f32 [tilespmem:s25], [sflag:$0x2], $0x3, s16, s28, $0xb8;
	[tilespmem:$0x1D480] =	vst v63  }
0x70: {  	s22 =	simm.s32 $0x1D280  }
0x71: {  	[spmem:s5] =	stream.indirect.scatter.add.f32 [tilespmem:s22], [sflag:$0x2], $0x1, s23, s28, $0xb8;
	[tilespmem:$0x1D480] =	vst v63  }
0x72: {  	_ =	swait.ge [sflag:s10], $0x300  }
0x73: {  	[sflag:s10] =	ssyncset.done $0x0  }
0x74: {  	[sflag:s10] =	ssyncadd.s32 $0xFFFFFD00  }
0x75: {  	_ =	swait.ge [sflag:s10], $0x100  }
0x76: {  	[sflag:s10] =	ssyncset.done $0x0  }
0x77: {  	[sflag:s10] =	ssyncadd.s32 $0xFFFFFF00  }
0x78: {  	[spmem:s2] =	stream.indirect.scatter.add.f32 [tilespmem:s26], [sflag:$0x2], $0x3, s7, s28, $0xb8;
	[tilespmem:$0x1D480] =	vst v63  }
0x79: {  	_ = 	snop  }
0x7a: {  	[spmem:s5] =	stream.indirect.scatter.add.f32 [tilespmem:s9], [sflag:$0x2], $0x1, s21, s28, $0xb8;
	[tilespmem:$0x1D480] =	vst v63  }
0x7b: {  	_ =	swait.ge [sflag:s12], $0x300  }
0x7c: {  	[sflag:s12] =	ssyncset.done $0x0  }
0x7d: {  	[sflag:s12] =	ssyncadd.s32 $0xFFFFFD00  }
0x7e: {  	_ =	swait.ge [sflag:s12], $0x100  }
0x7f: {  	[sflag:s12] =	ssyncset.done $0x0  }
0x80: {  	[sflag:s12] =	ssyncadd.s32 $0xFFFFFF00  }
0x81: {  	_ =	swait.ge [sflag:s12], $0x300  }
0x82: {  	[sflag:s12] =	ssyncset.done $0x0  }
0x83: {  	[sflag:s12] =	ssyncadd.s32 $0xFFFFFD00  }
0x84: {  	_ =	swait.ge [sflag:s12], $0x100  }
0x85: {  	[sflag:s12] =	ssyncset.done $0x0  }
0x86: {  	[sflag:s12] =	ssyncadd.s32 $0xFFFFFF00  }
0x87: {  	_ =	swait.ge [sflag:s12], $0x300  }
0x88: {  	[sflag:s12] =	ssyncset.done $0x0  }
0x89: {  	[sflag:s12] =	ssyncadd.s32 $0xFFFFFD00  }
0x8a: {  	_ =	swait.ge [sflag:s12], $0x100  }
0x8b: {  	[sflag:s12] =	ssyncset.done $0x0  }
0x8c: {  	[sflag:s12] =	ssyncadd.s32 $0xFFFFFF00  }
0x8d: {  	_ =	swait.ge [sflag:s12], $0x300  }
0x8e: {  	[sflag:s12] =	ssyncset.done $0x0  }
0x8f: {  	[sflag:s12] =	ssyncadd.s32 $0xFFFFFD00  }
0x90: {  	_ =	swait.ge [sflag:s12], $0x100  }
0x91: {  	[sflag:s12] =	ssyncset.done $0x0  }
0x92: {  	[sflag:s12] =	ssyncadd.s32 $0xFFFFFF00  }
0x93: {  	_ =	swait.ge [sflag:s13], $0x400  }
0x94: {  	[sflag:s13] =	ssyncset.done $0x0  }
0x95: {  	[sflag:s13] =	ssyncadd.s32 $0xFFFFFC00  }
0x96: {  	_ =	swait.ge [sflag:s13], $0x400  }
0x97: {  	s19 =	sadd.s32 $0x400, s19;
	s24 =	rddreg [dreg:$0x6]  }
0x98: {  	p0 =	sne.s32 s24, s19  }
.Ltmp0:
0x99: {  	_ = 	snop;
	(pc) =	sbr.rel @p0 .LBB2_2-.Ltmp0, $3  }
0x9a: {  	_ =	sdelay $0x1  }
0x9b: {  	s17 =	sadd.s32 $0x1, s17;
	[sflag:s13] =	ssyncset.done $0x0  }
0x9c: {  	s20 =	simm.s32 $0x1B880;
	s16 =	simm.s32 $0x1C080;
	[sflag:s13] =	ssyncadd.s32 $0xFFFFFC00  }
0x9d: {  	[bflag:$0x0] =	sbarrier.arrive $0xFFFF  }
0x9e: {  	s16 =	simm.s32 $0xC400;
	s17 =	simm.s32 $0x4;
	s11 =	rddreg [dreg:$0x9]  }
0x9f: {  	[tilespmem:s16], [sflag:$0x4] =	stream.linear.gather [spmem:s11], $0xC400, $0x38;
	[tilespmem:$0x1D480] =	vst v63  }
0xa0: {  	_ =	swait.ge [sflag:s17], $0xC400  }
0xa1: {  	[sflag:s17] =	ssyncset.done $0x0  }
0xa2: {  	s6 =	simm.s32 $0x0;
	s0 =	rddreg [dreg:$0x10];
	[sflag:s17] =	ssyncadd.s32 $0xFFFF3C00  }
0xa3: {  	[hbm4b:s0+s6] =	stream.linear.scatter [tilespmem:s16], [sflag:$0x4], $0xC400, $0x38;
	[tilespmem:$0x1D480] =	vst v63  }
0xa4: {  	_ =	swait.ge [sflag:s17], $0xC400  }
0xa5: {  	[sflag:s17] =	ssyncset.done $0x0  }
0xa6: {  	s18 =	simm.s32 $0x18800;
	s15 =	rddreg [dreg:$0xc];
	[sflag:s17] =	ssyncadd.s32 $0xFFFF3C00  }
0xa7: {  	[tilespmem:s18], [sflag:$0x4] =	stream.linear.gather [spmem:s15], $0x1880, $0x38;
	[tilespmem:$0x1D480] =	vst v63  }
0xa8: {  	_ =	swait.ge [sflag:s17], $0x1880  }
0xa9: {  	[sflag:s17] =	ssyncset.done $0x0  }
0xaa: {  	s23 =	rddreg [dreg:$0x11];
	[sflag:s17] =	ssyncadd.s32 $0xFFFFE780  }
0xab: {  	[hbm4b:s23+s6] =	stream.linear.scatter [tilespmem:s18], [sflag:$0x4], $0x1880, $0x38;
	[tilespmem:$0x1D480] =	vst v63  }
0xac: {  	_ =	swait.ge [sflag:s17], $0x1880  }
0xad: {  	s3 =	rddreg [dreg:$0x12]  }
0xae: {  	s24 =	rddreg [dreg:$0xf];
	s3 =	sadd.s32 $0x1, s3  }
0xaf: {  	p0 =	sne.s32 s3, s24  }
.Ltmp1:
0xb0: {  	_ = 	snop;
	(pc) =	sbr.rel @p0 .LBB2_1-.Ltmp1, $3  }
0xb1: {  	_ =	sdelay $0x1  }
0xb2: {  	[sflag:s17] =	ssyncset.done $0x0  }
0xb3: {  	[sflag:s17] =	ssyncadd.s32 $0xFFFFE780  }
0xb4: {  	_ =	sfence.sel $0x180000  }
0xb5: {  	[bflag:$0x0] =	sbarrier.arrive $0xFFFF  }
0xb6: {  	_ =	strace $0x9000004A  }
0xb7: {  	s0 =	stileid.u32;
	[bflag:$0x2] =	sbarrier.arrive $0xFFFF  }
0xb8: {  	p0 =	sne.s32 s0, $0x0;
	s0 =	rddreg [dreg:$0x5]  }
0xb9: {  	s0 =	sadd.s32 @!p0 $0x100000, s0  }
0xba: {  	[sflag:s0] =	ssyncadd.tile.s32 @!p0 $0x1;
	_ =	shalt  }
.Lfunc_end2:
_tile_overlayer_lowered:
.L_overlay_start_2:
0xbb: {  	(tag) =	ssettag $0x2  }
0xbc: {  	s0 =	rddreg [dreg:$0x0];
	s2 =	stileid.u32  }
0xbd: {  	s1 =	rddreg [dreg:$0x1];
	p0 =	sne.s32 s2, $0x0  }
0xbe: {  	s3 =	rddreg [dreg:$0x2];
	[bflag:$0x3] =	sbarrier.arrive $0xFFFF;
	s2 =	simm.s32 @!p0 $0x1C04  }
0xbf: {  	[timem:s3], [sflag:s2] =	dma.local @!p0 [hbm:s0], s1  }
0xc0: {  	s0 =	simm.s32 @!p0 $0x4  }
0xc1: {  	_ =	swait.ge @!p0 [sflag:s0], s1  }
0xc2: {  	s1 =	ssub.s32 @!p0 $0x0, s1;
	[sflag:s0] =	ssyncset.done @!p0 $0x0  }
0xc3: {  	[sflag:s0] =	ssyncadd.s32 @!p0 s1  }
0xc4: {  	[bflag:$0x3] =	sbarrier.arrive $0xFFFF  }
0xc5: {  	_ =	shalt  }

// kernel: kernel.14.cloned.1.call-start
scs
__scs_entry_jumppad:
0x0: {  	(pc) =	sbr.rel $0x88, $3  }
0x1: {  	(tag) =	ssettag $0x0;
	lr =	simm.s32 $0x1  }
0x2: {  	[smem:$0x3F94] =	sst lr;
	_ =	strace $0xD0000000  }
0x3: {  	_ = 	snop  }
0x4: {  	_ = 	snop  }
0x5: {  	_ = 	snop  }
0x6: {  	_ = 	snop  }
0x7: {  	_ = 	snop  }
__scs_overlays_trampoline_lowered:
0x8: {  	[smem:$0x3FA3] =	sst s0  }
0x9: {  	[smem:$0x3FA4] =	sst s1  }
0xa: {  	[smem:$0x3FA5] =	sst s2  }
0xb: {  	[smem:$0x3FA6] =	sst s3  }
0xc: {  	[smem:$0x3FA7] =	sst s4  }
0xd: {  	[smem:$0x3FA8] =	sst s5  }
0xe: {  	[smem:$0x3FA9] =	sst s6  }
0xf: {  	[smem:$0x3FAA] =	sst s7  }
0x10: {  	[smem:$0x3FAB] =	sst s8  }
0x11: {  	[smem:$0x3FAC] =	sst s9;
	s0 =	simm.s32 @!p0 $0x0  }
0x12: {  	s1 =	sld [smem:$0x3F92];
	s0 =	simm.s32 @p0 $0x1  }
0x13: {  	[smem:$0x3FAD] =	sst s0;
	s0 =	simm.s32 @!p1 $0x0  }
0x14: {  	s2 =	sld [smem:$0x3F91];
	s0 =	simm.s32 @p1 $0x1  }
0x15: {  	[smem:$0x3FAE] =	sst s0;
	s0 =	simm.s32 @!p2 $0x0  }
0x16: {  	s3 =	sld [smem:$0x3FDB];
	s0 =	simm.s32 @p2 $0x1  }
0x17: {  	s4 =	simm.s32 $0x1BF5;
	[smem:$0x3FB0] =	sst s0  }
0x18: {  	s0 =	sld [smem:$0x3F93];
	_ =	swait.ge [sflag:s4], $0x0  }
0x19: {  	s7 =	sld [smem:$0x3F94]  }
0x1a: {  	s8 =	sadd.s32 $0xFFFFE003, lr  }
0x1b: {  	s9 =	sadd.s32 $0xFFFFFEF7, lr;
	s5 =	simm.s32 $0xFFFFFFFF;
	p2 =	slt.u32 s8, $0xFFFFF086  }
0x1c: {  	p1 =	slt.u32 s9, $0xF7A;
	s5 =	simm.s32 @!p2 $0x0  }
0x1d: {  	s5 =	simm.s32 @p1 $0x1;
	p0 =	seq.s32 s7, s2  }
0x1e: {  	s7 =	smul.u32 @!p0 $0xF7A, s2;
	p2 =	seq.s32 @!p0 s5, $0x0  }
0x1f: {  	s9 =	smul.u32 $0xF7A, s1;
	s8 =	simm.s32 @!p0 $0x1BF5;
	p2 =	por !p2, p0  }
0x20: {  	[sflag:s8] =	ssyncset.s32 @!p0 $0xFFFFF086;
	s6 =	sadd.s32 @!p0 s3, s7;
	s7 =	simm.s32 @!p0 $0x108  }
0x21: {  	s3 =	sadd.s32 s3, s9;
	s6 =	sadd.s32 @!p0 $0x88, s6;
	s7 =	simm.s32 @p2 $0x1082  }
0x22: {  	[simem:s7], [sflag:s8] =	dma.local @!p0 [hbm:s6], $0xF7A  }
0x23: {  	s9 =	sor.u32 $0xD0000000, s2;
	s6 =	simm.s32 $0x108;
	_ =	swait.ge @!p0 [sflag:s8], $0x0  }
0x24: {  	s3 =	sadd.s32 $0x88, s3;
	s6 =	simm.s32 @!p1 $0x1082;
	[sflag:s4] =	ssyncset.s32 $0xFFFFF086  }
0x25: {  	[simem:s6], [sflag:s4] =	dma.local [hbm:s3], $0xF7A  }
0x26: {  	[smem:$0x3F94] =	sst s1;
	(tag) =	ssettag s2;
	_ =	strace s9  }
0x27: {  	s1 =	sld [smem:$0x3FA4]  }
0x28: {  	s2 =	sld [smem:$0x3FA5]  }
0x29: {  	s4 =	sld [smem:$0x3FA7]  }
0x2a: {  	p0 =	seq.s32 s5, $0x0;
	s5 =	sld [smem:$0x3FA8]  }
0x2b: {  	s6 =	sld [smem:$0x3FA9]  }
0x2c: {  	s7 =	sld [smem:$0x3FAA]  }
0x2d: {  	s3 =	simm.s32 $0x108;
	s8 =	sld [smem:$0x3FAB]  }
0x2e: {  	s3 =	simm.s32 @!p0 $0x1082;
	s9 =	sld [smem:$0x3FAC]  }
0x2f: {  	lr =	sadd.s32 s0, s3;
	s0 =	sld [smem:$0x3FA3]  }
0x30: {  	s3 =	sld [smem:$0x3FA6]  }
0x31: {  	[smem:$0x3FAF] =	sst s10  }
0x32: {  	s10 =	sld [smem:$0x3FAD];
	_ =	sdelay $0x3  }
0x33: {  	p0 =	seq.s32 s10, $0x1;
	s10 =	sld [smem:$0x3FAF];
	_ =	sdelay $0x3  }
0x34: {  	[smem:$0x3FAF] =	sst s10  }
0x35: {  	s10 =	sld [smem:$0x3FAE];
	_ =	sdelay $0x3  }
0x36: {  	p1 =	seq.s32 s10, $0x1;
	s10 =	sld [smem:$0x3FAF];
	_ =	sdelay $0x3  }
0x37: {  	[smem:$0x3FAF] =	sst s10  }
0x38: {  	s10 =	sld [smem:$0x3FB0]  }
0x39: {  	_ = 	snop;
	(pc) =	sbr.ind lr, $3  }
0x3a: {  	_ = 	snop  }
0x3b: {  	_ = 	snop  }
0x3c: {  	p2 =	seq.s32 s10, $0x1;
	s10 =	sld [smem:$0x3FAF]  }
0x3d: {  	_ =	shalt  }
0x3e: {  	_ =	shalt  }
0x3f: {  	_ =	shalt  }
0x40: {  	_ =	shalt  }
0x41: {  	_ =	shalt  }
0x42: {  	_ =	shalt  }
0x43: {  	_ =	shalt  }
0x44: {  	_ =	shalt  }
0x45: {  	_ =	shalt  }
0x46: {  	_ =	shalt  }
0x47: {  	_ =	shalt  }
0x48: {  	_ =	shalt  }
0x49: {  	_ =	shalt  }
0x4a: {  	_ =	shalt  }
0x4b: {  	_ =	shalt  }
0x4c: {  	_ =	shalt  }
0x4d: {  	_ =	shalt  }
0x4e: {  	_ =	shalt  }
0x4f: {  	_ =	shalt  }
0x50: {  	_ =	shalt  }
0x51: {  	_ =	shalt  }
0x52: {  	_ =	shalt  }
0x53: {  	_ =	shalt  }
0x54: {  	_ =	shalt  }
0x55: {  	_ =	shalt  }
0x56: {  	_ =	shalt  }
0x57: {  	_ =	shalt  }
0x58: {  	_ =	shalt  }
0x59: {  	_ =	shalt  }
0x5a: {  	_ =	shalt  }
0x5b: {  	_ =	shalt  }
0x5c: {  	_ =	shalt  }
0x5d: {  	_ =	shalt  }
0x5e: {  	_ =	shalt  }
0x5f: {  	_ =	shalt  }
0x60: {  	_ =	shalt  }
0x61: {  	_ =	shalt  }
0x62: {  	_ =	shalt  }
0x63: {  	_ =	shalt  }
0x64: {  	_ =	shalt  }
0x65: {  	_ =	shalt  }
0x66: {  	_ =	shalt  }
0x67: {  	_ =	shalt  }
0x68: {  	_ =	shalt  }
0x69: {  	_ =	shalt  }
0x6a: {  	_ =	shalt  }
0x6b: {  	_ =	shalt  }
0x6c: {  	_ =	shalt  }
0x6d: {  	_ =	shalt  }
0x6e: {  	_ =	shalt  }
0x6f: {  	_ =	shalt  }
0x70: {  	_ =	shalt  }
0x71: {  	_ =	shalt  }
0x72: {  	_ =	shalt  }
0x73: {  	_ =	shalt  }
0x74: {  	_ =	shalt  }
0x75: {  	_ =	shalt  }
0x76: {  	_ =	shalt  }
0x77: {  	_ =	shalt  }
0x78: {  	_ =	shalt  }
0x79: {  	_ =	shalt  }
0x7a: {  	_ =	shalt  }
0x7b: {  	_ =	shalt  }
0x7c: {  	_ =	shalt  }
0x7d: {  	_ =	shalt  }
0x7e: {  	_ =	shalt  }
0x7f: {  	_ =	shalt  }
0x80: {  	_ =	shalt  }
0x81: {  	_ =	shalt  }
0x82: {  	_ =	shalt  }
0x83: {  	_ =	shalt  }
0x84: {  	_ =	shalt  }
0x85: {  	_ =	shalt  }
0x86: {  	_ =	shalt  }
0x87: {  	_ =	shalt  }
.Lfunc_end0:
.L_simem_size_0:
called_computation.2_lowered:
.L_overlay_start_0:
0x88: {  	s2 =	sld [smem:$0x3FD9]  }
0x89: {  	s3 =	sld [smem:$0x3FFE];
	_ =	sdelay $0x1  }
0x8a: {  	s1 =	srdreg.scid  }
0x8b: {  	s0 =	sand.u32 $0x1, s1  }
0x8c: {  	s16 =	sshll.u32 s0, $0xA;
	s2 =	sadd.s32 s3, s2  }
0x8d: {  	s2 =	sadd.s32 s2, s16  }
0x8e: {  	[smem:$0x3FBB] =	sst s2  }
0x8f: {  	_ = 	snop  }
0x90: {  	(tm) =	ssettm $0x1  }
0x91: {  	s17 =	sld [smem:$0x3FFB];
	_ =	sdelay $0x3  }
0x92: {  	_ =	strace s17  }
0x93: {  	s2 =	sld [smem:$0x3FFC];
	_ =	sdelay $0x3  }
0x94: {  	_ =	strace s2  }
0x95: {  	s2 =	sld [smem:$0x3FFD];
	_ =	sdelay $0x3  }
0x96: {  	_ =	strace s2  }
0x97: {  	_ =	strace $0x8FFFFFFF  }
0x98: {  	s18 =	sld [smem:$0x3FDB];
	_ =	sdelay $0x1  }
0x99: {  	s19 =	simm.s32 $_scs_section_size  }
0x9a: {  	s4 =	simm.s32 $_size__tile_overlayer_lowered;
	s5 =	simm.s32 $_tile_overlayer_lowered  }
0x9b: {  	s22 =	simm.s32 $0x1BFF;
	s21 =	sshll.u32 s5, $0x1;
	s2 =	sadd.s32 s19, s18  }
0x9c: {  	s6 =	simm.s32 $0x0;
	s20 =	sshll.u32 s4, $0x1;
	s4 =	sadd.s32 s21, s2  }
0x9d: {  	[timem:s6], [sflag:s22] =	dma.local [hbm:s4], s20  }
0x9e: {  	_ =	swait.ge [sflag:s22], s20  }
0x9f: {  	s3 =	ssub.s32 $0x0, s20;
	[sflag:s22] =	ssyncset.done $0x0  }
0xa0: {  	[sflag:s22] =	ssyncadd.s32 s3;
	_ =	sdelay $0x1  }
0xa1: {  	s23 =	simm.s32 $0x1B8B  }
0xa2: {  	_ =	swait.ge [sflag:s23], $0x1  }
0xa3: {  	[sflag:s23] =	ssyncset.done $0x0  }
0xa4: {  	s25 =	simm.s32 $0x1B8E;
	s24 =	sld [smem:$0x3FFE];
	[sflag:s23] =	ssyncadd.s32 $0xFFFFFFFF  }
0xa5: {  	s26 =	simm.s32 $execute0_lowered;
	[smem:$0x3FD2] =	sst s25  }
0xa6: {  	s4 =	sshll.u32 s26, $0x1;
	_ =	strace $0x8000004C;
	[dreg:$0x1] =	wrdreg $0xFFFFFFFF  }
0xa7: {  	s28 =	simm.s32 $_size_execute0_lowered;
	s2 =	sadd.s32 s2, s4;
	[dreg:$0x0] =	wrdreg $0x0  }
0xa8: {  	s4 =	sshll.u32 s28, $0x1;
	[dreg:$0x2] =	wrdreg s2  }
0xa9: {  	[dreg:$0x3] =	wrdreg s4  }
0xaa: {  	[dreg:$0x4] =	wrdreg $0xC0  }
0xab: {  	_ =	task [dreg:s6], $0x5FFFF  }
0xac: {  	[dreg:$0x1] =	wrdreg $0xFFFFFFFF  }
0xad: {  	[dreg:$0x0] =	wrdreg $0x60  }
0xae: {  	[dreg:$0x2] =	wrdreg s24  }
0xaf: {  	[dreg:$0x3] =	wrdreg $0x0  }
0xb0: {  	[dreg:$0x4] =	wrdreg $0x7A800  }
0xb1: {  	[dreg:$0x5] =	wrdreg $0x9  }
0xb2: {  	_ =	task.clear_ibuf [dreg:s6], $0x6FFFF;
	_ =	strace $0x9000004C  }
0xb3: {  	s29 =	simm.s32 $0x9;
	_ =	strace $0x8000004E  }
0xb4: {  	_ =	swait.ge [sflag:s29], $0x1  }
0xb5: {  	[sflag:s29] =	ssyncadd.s32 $0xFFFFFFFF  }
0xb6: {  	_ =	strace $0x9000004E  }
0xb7: {  	_ =	sfence  }
0xb8: {  	s30 =	sld [smem:$0x0];
	_ =	sdelay $0x2  }
0xb9: {  	s31 =	sshll.u32 s1, $0xD;
	s1 =	sshrl.u32 s1, $0x2  }
0xba: {  	s3 =	sand.u32 $0x4000, s31;
	s1 =	sadd.s32 s1, s30  }
0xbb: {  	s0 =	sor.u32 s3, s0;
	s1 =	sshll.u32 s1, $0x11  }
0xbc: {  	s0 =	sor.u32 s1, s0  }
0xbd: {  	s0 =	sadd.s32 $0x8F2B, s0  }
0xbe: {  	[sflag:s0] =	ssyncadd.remote.s32 $0x1  }
0xbf: {  	_ =	sfence.sel $0xFFFF  }
0xc0: {  	[dreg:$0x0] =	wrdreg $0xFFFFFFFF;
	(pc) =	sbr.abs _section_cstart, $3  }
0xc1: {  	[dreg:$0x1] =	wrdreg $0xFFFFFFFF  }
0xc2: {  	_ =	task.clear_ibuf [dreg:s6], $0x2FFFF;
	_ =	strace $0x9FFFFFFF  }
0xc3: {  	(tm) =	ssettm $0x7FFFFFFF  }
tec
execute0_lowered:
.L_overlay_start_1:
0x0: {  	(tag) =	ssettag $0x1  }
0x1: {  	s7 =	rddreg [dreg:$0x0]  }
0x2: {  	s1 =	rddreg [dreg:$0x1]  }
0x3: {  	s3 =	rddreg [dreg:$0x2];
	s4 =	simm.s32 $0x0;
	s0 =	stileid.u32  }
0x4: {  	s5 =	srdreg.scid;
	s19 =	simm.s32 $0x100;
	s20 =	simm.s32 $0x1C900  }
0x5: {  	s21 =	simm.s32 $0x1D100;
	s22 =	simm.s32 $0x1D900;
	s23 =	simm.s32 $0x1E100  }
0x6: {  	s28 =	simm.s32 $0x3;
	s29 =	simm.s32 $0x0;
	[smem:$0x7FF] =	sst s4  }
0x7: {  	s10 =	smul.u32 $0xC400, s0;
	s8 =	sand.u32 $0x1, s5;
	s5 =	sadd.s32 $0xC5C00, s7  }
0x8: {  	s6 =	sadd.s32 $0x2600, s7;
	s14 =	smul.u32 $0xC3, s0;
	s30 =	smin.u32 s0, $0x5  }
0x9: {  	p0 =	slt.u32 s0, $0x5;
	_ =	strace $0x8000004D;
	s9 =	smul.u32 $0x18800, s8  }
0xa: {  	s11 =	ssub.s32 $0x2, s8;
	s12 =	smul.u32 $0xC35, s8;
	s24 =	sshrl.u32 s10, $0x3  }
0xb: {  	s13 =	sshrl.u32 s11, $0x1;
	s8 =	sadd.s32 s10, s1;
	s10 =	sadd.s32 s10, s3  }
0xc: {  	s25 =	sadd.s32 s24, s7;
	s15 =	sadd.s32 s9, s7;
	s16 =	ssub.s32 s11, s13  }
0xd: {  	s26 =	sadd.s32 s14, s12;
	s11 =	simm.s32 $0x31000;
	s12 =	simm.s32 $0xC3  }
0xe: {  	s7 =	sadd.s32 $0x311200, s25;
	s9 =	sadd.s32 s30, s26;
	s11 =	simm.s32 @!p0 $0x30C00  }
0xf: {  	s12 =	simm.s32 @!p0 $0xC2;
	s25 =	sadd.s32 $0x34B600, s15;
	s14 =	smax.u32 s16, $0x1  }
0x10: {  	s15 =	simm.s32 $0xF500;
	s16 =	simm.s32 $0x4;
	s26 =	simm.s32 $0x2  }
0x11: {  	s31 =	sshll.u32 s9, $0x7;
	[dreg:$0x4] =	wrdreg s11;
	s24 =	sadd.s32 s24, s25  }
0x12: {  	s25 =	simm.s32 $0x1;
	s11 =	sadd.s32 s5, s31;
	s13 =	sadd.s32 s6, s31  }
.LBB2_1:
0x13: {  	[tilespmem:s15], [sflag:$0x4] =	stream.linear.gather [hbm4b:s7+s4], $0xC400, $0x38;
	[tilespmem:$0x1E900] =	vst v63  }
0x14: {  	_ =	swait.ge [sflag:s16], $0xC400  }
0x15: {  	[sflag:s16] =	ssyncset.done $0x0  }
0x16: {  	[sflag:s16] =	ssyncadd.s32 $0xFFFF3C00  }
0x17: {  	[spmem:s8] =	stream.linear.scatter [tilespmem:s15], [sflag:$0x4], $0xC400, $0x38;
	[tilespmem:$0x1E900] =	vst v63  }
0x18: {  	_ =	swait.ge [sflag:s16], $0xC400  }
0x19: {  	[sflag:s16] =	ssyncset.done $0x0  }
0x1a: {  	[sflag:s16] =	ssyncadd.s32 $0xFFFF3C00  }
0x1b: {  	[spmem:s10] =	stream.linear.scatter [tilespmem:s15], [sflag:$0x4], $0xC400, $0x38;
	[tilespmem:$0x1E900] =	vst v63  }
0x1c: {  	_ =	swait.ge [sflag:s16], $0xC400  }
0x1d: {  	[sflag:s16] =	ssyncset.done $0x0  }
0x1e: {  	[sflag:s16] =	ssyncadd.s32 $0xFFFF3C00  }
0x1f: {  	s0 =	simm.s32 $0x1B900;
	[bflag:$0x0] =	sbarrier.arrive $0xFFFF  }
0x20: {  	[tilespmem:s0], [sflag:$0x4] =	stream.linear.gather [hbm4b:s11+s4], $0x400, $0x38;
	[tilespmem:$0x1E900] =	vst v63  }
0x21: {  	_ =	swait.ge [sflag:s16], $0x400  }
0x22: {  	[sflag:s16] =	ssyncset.done $0x0  }
0x23: {  	s18 =	simm.s32 $0x1C100;
	[sflag:s16] =	ssyncadd.s32 $0xFFFFFC00  }
0x24: {  	[tilespmem:s18], [sflag:$0x4] =	stream.linear.gather [hbm4b:s13+s4], $0x400, $0x38;
	[tilespmem:$0x1E900] =	vst v63  }
0x25: {  	_ =	swait.ge [sflag:s16], $0x400  }
0x26: {  	[sflag:s16] =	ssyncset.done $0x0  }
0x27: {  	s30 =	simm.s32 $0x1;
	s31 =	simm.s32 $0x0;
	[sflag:s16] =	ssyncadd.s32 $0xFFFFFC00  }
.LBB2_2:
0x28: {  	s0 =	sand.u32 $0x400, s31  }
0x29: {  	s2 =	sor.u32 $0x1B900, s0  }
0x2a: {  	[tilespmem:s20], [sflag:$0x1] =	stream.indirect.gather [spmem:s1], $0x5, s2, s19, $0xb8;
	[tilespmem:$0x1E900] =	vst v63  }
0x2b: {  	p0 =	slt.s32 s30, s12;
	s2 =	smov.u32 s12  }
0x2c: {  	s17 =	sor.u32 $0x1BA00, s0;
	s2 =	smov.u32 @p0 s30  }
0x2d: {  	[tilespmem:s21], [sflag:$0x1] =	stream.indirect.gather [spmem:s1], $0x5, s17, s19, $0xb8;
	[tilespmem:$0x1E900] =	vst v63  }
0x2e: {  	s2 =	sadd.s32 s9, s2  }
0x2f: {  	s18 =	sor.u32 $0x1BB00, s0;
	s2 =	sshll.u32 s2, $0x7  }
0x30: {  	[tilespmem:s22], [sflag:$0x1] =	stream.indirect.gather [spmem:s1], $0x5, s18, s19, $0xb8;
	[tilespmem:$0x1E900] =	vst v63  }
0x31: {  	s17 =	sadd.s32 $0x1BC00, s0;
	s2 =	sand.u32 $0x1FFFFF80, s2  }
0x32: {  	[tilespmem:s23], [sflag:$0x1] =	stream.indirect.gather [spmem:s1], $0x5, s17, s19, $0xb8;
	[tilespmem:$0x1E900] =	vst v63  }
0x33: {  	s18 =	sadd.s32 s5, s2;
	s17 =	sxor.u32 $0x1BD00, s0  }
0x34: {  	[tilespmem:s17], [sflag:$0x3] =	stream.linear.gather [hbm4b:s18+s4], $0x400, $0x38;
	[tilespmem:$0x1E900] =	vst v63  }
0x35: {  	s2 =	sadd.s32 s6, s2;
	s18 =	sxor.u32 $0x1C500, s0  }
0x36: {  	[tilespmem:s18], [sflag:$0x3] =	stream.linear.gather [hbm4b:s2+s4], $0x400, $0x38;
	[tilespmem:$0x1E900] =	vst v63  }
0x37: {  	_ =	swait.ge [sflag:s25], $0x500  }
0x38: {  	[sflag:s25] =	ssyncset.done $0x0  }
0x39: {  	s17 =	sor.u32 $0x1C100, s0;
	[sflag:s25] =	ssyncadd.s32 $0xFFFFFB00  }
0x3a: {  	[spmem:s3] =	stream.indirect.scatter.add.f32 [tilespmem:s20], [sflag:$0x2], $0x5, s17, s19, $0xb8;
	[tilespmem:$0x1E900] =	vst v63  }
0x3b: {  	_ =	swait.ge [sflag:s25], $0x500  }
0x3c: {  	[sflag:s25] =	ssyncset.done $0x0  }
0x3d: {  	s18 =	sor.u32 $0x1C200, s0;
	[sflag:s25] =	ssyncadd.s32 $0xFFFFFB00  }
0x3e: {  	[spmem:s3] =	stream.indirect.scatter.add.f32 [tilespmem:s21], [sflag:$0x2], $0x5, s18, s19, $0xb8;
	[tilespmem:$0x1E900] =	vst v63  }
0x3f: {  	_ =	swait.ge [sflag:s25], $0x500  }
0x40: {  	[sflag:s25] =	ssyncset.done $0x0  }
0x41: {  	s17 =	sor.u32 $0x1C300, s0;
	[sflag:s25] =	ssyncadd.s32 $0xFFFFFB00  }
0x42: {  	[spmem:s3] =	stream.indirect.scatter.add.f32 [tilespmem:s22], [sflag:$0x2], $0x5, s17, s19, $0xb8;
	[tilespmem:$0x1E900] =	vst v63  }
0x43: {  	_ =	swait.ge [sflag:s25], $0x500  }
0x44: {  	[sflag:s25] =	ssyncset.done $0x0  }
0x45: {  	s0 =	sadd.s32 $0x1C400, s0;
	[sflag:s25] =	ssyncadd.s32 $0xFFFFFB00  }
0x46: {  	[spmem:s3] =	stream.indirect.scatter.add.f32 [tilespmem:s23], [sflag:$0x2], $0x5, s0, s19, $0xb8;
	[tilespmem:$0x1E900] =	vst v63  }
0x47: {  	_ =	swait.ge [sflag:s26], $0x500  }
0x48: {  	[sflag:s26] =	ssyncset.done $0x0  }
0x49: {  	[sflag:s26] =	ssyncadd.s32 $0xFFFFFB00  }
0x4a: {  	_ =	swait.ge [sflag:s26], $0x500  }
0x4b: {  	[sflag:s26] =	ssyncset.done $0x0  }
0x4c: {  	[sflag:s26] =	ssyncadd.s32 $0xFFFFFB00  }
0x4d: {  	_ =	swait.ge [sflag:s26], $0x500  }
0x4e: {  	[sflag:s26] =	ssyncset.done $0x0  }
0x4f: {  	[sflag:s26] =	ssyncadd.s32 $0xFFFFFB00  }
0x50: {  	_ =	swait.ge [sflag:s26], $0x500  }
0x51: {  	[sflag:s26] =	ssyncset.done $0x0  }
0x52: {  	[sflag:s26] =	ssyncadd.s32 $0xFFFFFB00  }
0x53: {  	_ =	swait.ge [sflag:s28], $0x400  }
0x54: {  	[sflag:s28] =	ssyncset.done $0x0  }
0x55: {  	[sflag:s28] =	ssyncadd.s32 $0xFFFFFC00  }
0x56: {  	_ =	swait.ge [sflag:s28], $0x400  }
0x57: {  	s31 =	sadd.s32 $0x400, s31;
	s18 =	rddreg [dreg:$0x4]  }
0x58: {  	p0 =	sne.s32 s18, s31  }
.Ltmp0:
0x59: {  	_ = 	snop;
	(pc) =	sbr.rel @p0 .LBB2_2-.Ltmp0, $3  }
0x5a: {  	_ =	sdelay $0x1  }
0x5b: {  	[sflag:s28] =	ssyncset.done $0x0  }
0x5c: {  	s30 =	sadd.s32 $0x1, s30;
	[sflag:s28] =	ssyncadd.s32 $0xFFFFFC00  }
0x5d: {  	[bflag:$0x0] =	sbarrier.arrive $0xFFFF  }
0x5e: {  	[tilespmem:s15], [sflag:$0x4] =	stream.linear.gather [spmem:s10], $0xC400, $0x38;
	[tilespmem:$0x1E900] =	vst v63  }
0x5f: {  	s29 =	sadd.s32 $0x1, s29;
	_ =	swait.ge [sflag:s16], $0xC400  }
0x60: {  	p0 =	sne.s32 s29, s14;
	[sflag:s16] =	ssyncset.done $0x0  }
.Ltmp1:
0x61: {  	[sflag:s16] =	ssyncadd.s32 $0xFFFF3C00;
	(pc) =	sbr.rel @p0 .LBB2_1-.Ltmp1, $4  }
0x62: {  	[hbm4b:s24+s4] =	stream.linear.scatter [tilespmem:s15], [sflag:$0x4], $0xC400, $0x38;
	[tilespmem:$0x1E900] =	vst v63  }
0x63: {  	_ =	swait.ge [sflag:s16], $0xC400  }
0x64: {  	[sflag:s16] =	ssyncset.done $0x0  }
0x65: {  	[sflag:s16] =	ssyncadd.s32 $0xFFFF3C00  }
0x66: {  	_ =	sfence.sel $0x180000  }
0x67: {  	[bflag:$0x0] =	sbarrier.arrive $0xFFFF  }
0x68: {  	_ =	strace $0x9000004D  }
0x69: {  	s0 =	stileid.u32;
	[bflag:$0x2] =	sbarrier.arrive $0xFFFF  }
0x6a: {  	p0 =	sne.s32 s0, $0x0;
	s0 =	rddreg [dreg:$0x3]  }
0x6b: {  	s0 =	sadd.s32 @!p0 $0x100000, s0  }
0x6c: {  	[sflag:s0] =	ssyncadd.tile.s32 @!p0 $0x1;
	_ =	shalt  }
.Lfunc_end2:
_tile_overlayer_lowered:
.L_overlay_start_2:
0x6d: {  	(tag) =	ssettag $0x2  }
0x6e: {  	s0 =	rddreg [dreg:$0x0];
	s2 =	stileid.u32  }
0x6f: {  	s1 =	rddreg [dreg:$0x1];
	p0 =	sne.s32 s2, $0x0  }
0x70: {  	s3 =	rddreg [dreg:$0x2];
	[bflag:$0x3] =	sbarrier.arrive $0xFFFF;
	s2 =	simm.s32 @!p0 $0x1C04  }
0x71: {  	[timem:s3], [sflag:s2] =	dma.local @!p0 [hbm:s0], s1  }
0x72: {  	s0 =	simm.s32 @!p0 $0x4  }
0x73: {  	_ =	swait.ge @!p0 [sflag:s0], s1  }
0x74: {  	s1 =	ssub.s32 @!p0 $0x0, s1;
	[sflag:s0] =	ssyncset.done @!p0 $0x0  }
0x75: {  	[sflag:s0] =	ssyncadd.s32 @!p0 s1  }
0x76: {  	[bflag:$0x3] =	sbarrier.arrive $0xFFFF  }
0x77: {  	_ =	shalt  }

// kernel: kernel.8.cloned.1.call-start
scs
__scs_entry_jumppad:
0x0: {  	(pc) =	sbr.rel $0x88, $3  }
0x1: {  	(tag) =	ssettag $0x0;
	lr =	simm.s32 $0x1  }
0x2: {  	[smem:$0x3F94] =	sst lr;
	_ =	strace $0xD0000000  }
0x3: {  	_ = 	snop  }
0x4: {  	_ = 	snop  }
0x5: {  	_ = 	snop  }
0x6: {  	_ = 	snop  }
0x7: {  	_ = 	snop  }
__scs_overlays_trampoline_lowered:
0x8: {  	[smem:$0x3FA3] =	sst s0  }
0x9: {  	[smem:$0x3FA4] =	sst s1  }
0xa: {  	[smem:$0x3FA5] =	sst s2  }
0xb: {  	[smem:$0x3FA6] =	sst s3  }
0xc: {  	[smem:$0x3FA7] =	sst s4  }
0xd: {  	[smem:$0x3FA8] =	sst s5  }
0xe: {  	[smem:$0x3FA9] =	sst s6  }
0xf: {  	[smem:$0x3FAA] =	sst s7  }
0x10: {  	[smem:$0x3FAB] =	sst s8  }
0x11: {  	[smem:$0x3FAC] =	sst s9;
	s0 =	simm.s32 @!p0 $0x0  }
0x12: {  	s1 =	sld [smem:$0x3F92];
	s0 =	simm.s32 @p0 $0x1  }
0x13: {  	[smem:$0x3FAD] =	sst s0;
	s0 =	simm.s32 @!p1 $0x0  }
0x14: {  	s2 =	sld [smem:$0x3F91];
	s0 =	simm.s32 @p1 $0x1  }
0x15: {  	[smem:$0x3FAE] =	sst s0;
	s0 =	simm.s32 @!p2 $0x0  }
0x16: {  	s3 =	sld [smem:$0x3FDB];
	s0 =	simm.s32 @p2 $0x1  }
0x17: {  	s4 =	simm.s32 $0x1BF5;
	[smem:$0x3FB0] =	sst s0  }
0x18: {  	s0 =	sld [smem:$0x3F93];
	_ =	swait.ge [sflag:s4], $0x0  }
0x19: {  	s7 =	sld [smem:$0x3F94]  }
0x1a: {  	s8 =	sadd.s32 $0xFFFFE003, lr  }
0x1b: {  	s9 =	sadd.s32 $0xFFFFFEF7, lr;
	s5 =	simm.s32 $0xFFFFFFFF;
	p2 =	slt.u32 s8, $0xFFFFF086  }
0x1c: {  	p1 =	slt.u32 s9, $0xF7A;
	s5 =	simm.s32 @!p2 $0x0  }
0x1d: {  	s5 =	simm.s32 @p1 $0x1;
	p0 =	seq.s32 s7, s2  }
0x1e: {  	s7 =	smul.u32 @!p0 $0xF7A, s2;
	p2 =	seq.s32 @!p0 s5, $0x0  }
0x1f: {  	s9 =	smul.u32 $0xF7A, s1;
	s8 =	simm.s32 @!p0 $0x1BF5;
	p2 =	por !p2, p0  }
0x20: {  	[sflag:s8] =	ssyncset.s32 @!p0 $0xFFFFF086;
	s6 =	sadd.s32 @!p0 s3, s7;
	s7 =	simm.s32 @!p0 $0x108  }
0x21: {  	s3 =	sadd.s32 s3, s9;
	s6 =	sadd.s32 @!p0 $0x88, s6;
	s7 =	simm.s32 @p2 $0x1082  }
0x22: {  	[simem:s7], [sflag:s8] =	dma.local @!p0 [hbm:s6], $0xF7A  }
0x23: {  	s9 =	sor.u32 $0xD0000000, s2;
	s6 =	simm.s32 $0x108;
	_ =	swait.ge @!p0 [sflag:s8], $0x0  }
0x24: {  	s3 =	sadd.s32 $0x88, s3;
	s6 =	simm.s32 @!p1 $0x1082;
	[sflag:s4] =	ssyncset.s32 $0xFFFFF086  }
0x25: {  	[simem:s6], [sflag:s4] =	dma.local [hbm:s3], $0xF7A  }
0x26: {  	[smem:$0x3F94] =	sst s1;
	(tag) =	ssettag s2;
	_ =	strace s9  }
0x27: {  	s1 =	sld [smem:$0x3FA4]  }
0x28: {  	s2 =	sld [smem:$0x3FA5]  }
0x29: {  	s4 =	sld [smem:$0x3FA7]  }
0x2a: {  	p0 =	seq.s32 s5, $0x0;
	s5 =	sld [smem:$0x3FA8]  }
0x2b: {  	s6 =	sld [smem:$0x3FA9]  }
0x2c: {  	s7 =	sld [smem:$0x3FAA]  }
0x2d: {  	s3 =	simm.s32 $0x108;
	s8 =	sld [smem:$0x3FAB]  }
0x2e: {  	s3 =	simm.s32 @!p0 $0x1082;
	s9 =	sld [smem:$0x3FAC]  }
0x2f: {  	lr =	sadd.s32 s0, s3;
	s0 =	sld [smem:$0x3FA3]  }
0x30: {  	s3 =	sld [smem:$0x3FA6]  }
0x31: {  	[smem:$0x3FAF] =	sst s10  }
0x32: {  	s10 =	sld [smem:$0x3FAD];
	_ =	sdelay $0x3  }
0x33: {  	p0 =	seq.s32 s10, $0x1;
	s10 =	sld [smem:$0x3FAF];
	_ =	sdelay $0x3  }
0x34: {  	[smem:$0x3FAF] =	sst s10  }
0x35: {  	s10 =	sld [smem:$0x3FAE];
	_ =	sdelay $0x3  }
0x36: {  	p1 =	seq.s32 s10, $0x1;
	s10 =	sld [smem:$0x3FAF];
	_ =	sdelay $0x3  }
0x37: {  	[smem:$0x3FAF] =	sst s10  }
0x38: {  	s10 =	sld [smem:$0x3FB0]  }
0x39: {  	_ = 	snop;
	(pc) =	sbr.ind lr, $3  }
0x3a: {  	_ = 	snop  }
0x3b: {  	_ = 	snop  }
0x3c: {  	p2 =	seq.s32 s10, $0x1;
	s10 =	sld [smem:$0x3FAF]  }
0x3d: {  	_ =	shalt  }
0x3e: {  	_ =	shalt  }
0x3f: {  	_ =	shalt  }
0x40: {  	_ =	shalt  }
0x41: {  	_ =	shalt  }
0x42: {  	_ =	shalt  }
0x43: {  	_ =	shalt  }
0x44: {  	_ =	shalt  }
0x45: {  	_ =	shalt  }
0x46: {  	_ =	shalt  }
0x47: {  	_ =	shalt  }
0x48: {  	_ =	shalt  }
0x49: {  	_ =	shalt  }
0x4a: {  	_ =	shalt  }
0x4b: {  	_ =	shalt  }
0x4c: {  	_ =	shalt  }
0x4d: {  	_ =	shalt  }
0x4e: {  	_ =	shalt  }
0x4f: {  	_ =	shalt  }
0x50: {  	_ =	shalt  }
0x51: {  	_ =	shalt  }
0x52: {  	_ =	shalt  }
0x53: {  	_ =	shalt  }
0x54: {  	_ =	shalt  }
0x55: {  	_ =	shalt  }
0x56: {  	_ =	shalt  }
0x57: {  	_ =	shalt  }
0x58: {  	_ =	shalt  }
0x59: {  	_ =	shalt  }
0x5a: {  	_ =	shalt  }
0x5b: {  	_ =	shalt  }
0x5c: {  	_ =	shalt  }
0x5d: {  	_ =	shalt  }
0x5e: {  	_ =	shalt  }
0x5f: {  	_ =	shalt  }
0x60: {  	_ =	shalt  }
0x61: {  	_ =	shalt  }
0x62: {  	_ =	shalt  }
0x63: {  	_ =	shalt  }
0x64: {  	_ =	shalt  }
0x65: {  	_ =	shalt  }
0x66: {  	_ =	shalt  }
0x67: {  	_ =	shalt  }
0x68: {  	_ =	shalt  }
0x69: {  	_ =	shalt  }
0x6a: {  	_ =	shalt  }
0x6b: {  	_ =	shalt  }
0x6c: {  	_ =	shalt  }
0x6d: {  	_ =	shalt  }
0x6e: {  	_ =	shalt  }
0x6f: {  	_ =	shalt  }
0x70: {  	_ =	shalt  }
0x71: {  	_ =	shalt  }
0x72: {  	_ =	shalt  }
0x73: {  	_ =	shalt  }
0x74: {  	_ =	shalt  }
0x75: {  	_ =	shalt  }
0x76: {  	_ =	shalt  }
0x77: {  	_ =	shalt  }
0x78: {  	_ =	shalt  }
0x79: {  	_ =	shalt  }
0x7a: {  	_ =	shalt  }
0x7b: {  	_ =	shalt  }
0x7c: {  	_ =	shalt  }
0x7d: {  	_ =	shalt  }
0x7e: {  	_ =	shalt  }
0x7f: {  	_ =	shalt  }
0x80: {  	_ =	shalt  }
0x81: {  	_ =	shalt  }
0x82: {  	_ =	shalt  }
0x83: {  	_ =	shalt  }
0x84: {  	_ =	shalt  }
0x85: {  	_ =	shalt  }
0x86: {  	_ =	shalt  }
0x87: {  	_ =	shalt  }
.Lfunc_end0:
.L_simem_size_0:
called_computation_lowered:
.L_overlay_start_0:
0x88: {  	s2 =	sld [smem:$0x3FD9]  }
0x89: {  	s3 =	sld [smem:$0x3FFE];
	_ =	sdelay $0x1  }
0x8a: {  	s1 =	srdreg.scid  }
0x8b: {  	s0 =	sand.u32 $0x1, s1  }
0x8c: {  	s16 =	sshll.u32 s0, $0xA;
	s2 =	sadd.s32 s3, s2  }
0x8d: {  	s2 =	sadd.s32 s2, s16  }
0x8e: {  	[smem:$0x3FBB] =	sst s2  }
0x8f: {  	_ = 	snop  }
0x90: {  	(tm) =	ssettm $0x1  }
0x91: {  	s17 =	sld [smem:$0x3FFB];
	_ =	sdelay $0x3  }
0x92: {  	_ =	strace s17  }
0x93: {  	s2 =	sld [smem:$0x3FFC];
	_ =	sdelay $0x3  }
0x94: {  	_ =	strace s2  }
0x95: {  	s2 =	sld [smem:$0x3FFD];
	_ =	sdelay $0x3  }
0x96: {  	_ =	strace s2  }
0x97: {  	_ =	strace $0x8FFFFFFF  }
0x98: {  	s18 =	sld [smem:$0x3FDB];
	_ =	sdelay $0x1  }
0x99: {  	s19 =	simm.s32 $_scs_section_size  }
0x9a: {  	s4 =	simm.s32 $_size__tile_overlayer_lowered;
	s5 =	simm.s32 $_tile_overlayer_lowered  }
0x9b: {  	s22 =	simm.s32 $0x1BFF;
	s21 =	sshll.u32 s5, $0x1;
	s2 =	sadd.s32 s19, s18  }
0x9c: {  	s6 =	simm.s32 $0x0;
	s20 =	sshll.u32 s4, $0x1;
	s4 =	sadd.s32 s21, s2  }
0x9d: {  	[timem:s6], [sflag:s22] =	dma.local [hbm:s4], s20  }
0x9e: {  	_ =	swait.ge [sflag:s22], s20  }
0x9f: {  	s3 =	ssub.s32 $0x0, s20;
	[sflag:s22] =	ssyncset.done $0x0  }
0xa0: {  	[sflag:s22] =	ssyncadd.s32 s3;
	_ =	sdelay $0x1  }
0xa1: {  	s23 =	simm.s32 $0x1B8B  }
0xa2: {  	_ =	swait.ge [sflag:s23], $0x1  }
0xa3: {  	[sflag:s23] =	ssyncset.done $0x0  }
0xa4: {  	s25 =	simm.s32 $0x1B8E;
	s24 =	sld [smem:$0x3FFE];
	[sflag:s23] =	ssyncadd.s32 $0xFFFFFFFF  }
0xa5: {  	s26 =	simm.s32 $execute0_lowered;
	[smem:$0x3FD2] =	sst s25  }
0xa6: {  	s4 =	sshll.u32 s26, $0x1;
	_ =	strace $0x80000046;
	[dreg:$0x1] =	wrdreg $0xFFFFFFFF  }
0xa7: {  	s28 =	simm.s32 $_size_execute0_lowered;
	s2 =	sadd.s32 s2, s4;
	[dreg:$0x0] =	wrdreg $0x0  }
0xa8: {  	s4 =	sshll.u32 s28, $0x1;
	[dreg:$0x2] =	wrdreg s2  }
0xa9: {  	[dreg:$0x3] =	wrdreg s4  }
0xaa: {  	[dreg:$0x4] =	wrdreg $0xC0  }
0xab: {  	_ =	task [dreg:s6], $0x5FFFF  }
0xac: {  	[dreg:$0x1] =	wrdreg $0xFFFFFFFF  }
0xad: {  	[dreg:$0x0] =	wrdreg $0x60  }
0xae: {  	[dreg:$0x2] =	wrdreg s24  }
0xaf: {  	[dreg:$0x3] =	wrdreg $0x0  }
0xb0: {  	[dreg:$0x4] =	wrdreg $0x9  }
0xb1: {  	_ =	task.clear_ibuf [dreg:s6], $0x5FFFF;
	_ =	strace $0x90000046  }
0xb2: {  	s29 =	simm.s32 $0x9;
	_ =	strace $0x80000048  }
0xb3: {  	_ =	swait.ge [sflag:s29], $0x1  }
0xb4: {  	[sflag:s29] =	ssyncadd.s32 $0xFFFFFFFF  }
0xb5: {  	_ =	strace $0x90000048  }
0xb6: {  	_ =	sfence  }
0xb7: {  	s30 =	sld [smem:$0x0];
	_ =	sdelay $0x2  }
0xb8: {  	s31 =	sshll.u32 s1, $0xD;
	s1 =	sshrl.u32 s1, $0x2  }
0xb9: {  	s3 =	sand.u32 $0x4000, s31;
	s1 =	sadd.s32 s1, s30  }
0xba: {  	s0 =	sor.u32 s3, s0;
	s1 =	sshll.u32 s1, $0x11  }
0xbb: {  	s0 =	sor.u32 s1, s0  }
0xbc: {  	s0 =	sadd.s32 $0x8F2B, s0  }
0xbd: {  	[sflag:s0] =	ssyncadd.remote.s32 $0x1  }
0xbe: {  	_ =	sfence.sel $0xFFFF  }
0xbf: {  	[dreg:$0x0] =	wrdreg $0xFFFFFFFF;
	(pc) =	sbr.abs _section_cstart, $3  }
0xc0: {  	[dreg:$0x1] =	wrdreg $0xFFFFFFFF  }
0xc1: {  	_ =	task.clear_ibuf [dreg:s6], $0x2FFFF;
	_ =	strace $0x9FFFFFFF  }
0xc2: {  	(tm) =	ssettm $0x7FFFFFFF  }
0xc3: {  	_ =	shalt  }
tec
execute0_lowered:
.L_overlay_start_1:
0x0: {  	(tag) =	ssettag $0x1  }
0x1: {  	s6 =	rddreg [dreg:$0x0]  }
0x2: {  	s1 =	rddreg [dreg:$0x1]  }
0x3: {  	s2 =	srdreg.scid;
	s0 =	rddreg [dreg:$0x2]  }
0x4: {  	s3 =	simm.s32 $0x0;
	s15 =	simm.s32 $0x3900;
	s16 =	simm.s32 $0x3100  }
0x5: {  	s17 =	simm.s32 $0x400;
	s18 =	simm.s32 $0x1;
	s4 =	sand.u32 $0x1, s2  }
0x6: {  	s19 =	simm.s32 $0x2;
	s2 =	stileid.u32;
	s7 =	smul.u32 $0x3100, s4  }
0x7: {  	[smem:$0x7FF] =	sst s3;
	s5 =	sadd.s32 $0x189200, s6;
	s8 =	smul.u32 $0x1880, s2  }
0x8: {  	_ =	strace $0x80000047;
	s9 =	ssub.s32 $0x2, s4;
	s10 =	smul.u32 $0xC35, s4  }
0x9: {  	s4 =	sadd.s32 $0x2600, s6;
	s12 =	smul.u32 $0xC3, s2;
	s31 =	smin.u32 s2, $0x5  }
0xa: {  	p0 =	slt.u32 s2, $0x5;
	s11 =	sshrl.u32 s9, $0x1;
	s13 =	sadd.s32 s7, s6  }
0xb: {  	s14 =	ssub.s32 s9, s11;
	s20 =	sshrl.u32 s8, $0x3;
	s30 =	sadd.s32 s12, s10  }
0xc: {  	s7 =	sadd.s32 s8, s1;
	s9 =	simm.s32 $0xC4;
	s11 =	simm.s32 $0xC3  }
0xd: {  	s6 =	sadd.s32 s5, s20;
	s8 =	sadd.s32 s31, s30;
	s9 =	simm.s32 @!p0 $0xC3  }
0xe: {  	s11 =	simm.s32 @!p0 $0xC2;
	s21 =	sadd.s32 $0x18C400, s13;
	s12 =	smax.u32 s14, $0x1  }
0xf: {  	s13 =	simm.s32 $0x1880;
	s14 =	simm.s32 $0x3;
	s10 =	sshll.u32 s8, $0x7  }
0x10: {  	s20 =	sadd.s32 s20, s21;
	s21 =	simm.s32 $0x0;
	s10 =	sadd.s32 s4, s10  }
.LBB2_1:
0x11: {  	[tilespmem:s13], [sflag:$0x3] =	stream.linear.gather [hbm4b:s6+s3], $0x1880, $0x38;
	[tilespmem:$0x3D00] =	vst v63  }
0x12: {  	_ =	swait.ge [sflag:s14], $0x1880  }
0x13: {  	[sflag:s14] =	ssyncset.done $0x0  }
0x14: {  	[sflag:s14] =	ssyncadd.s32 $0xFFFFE780  }
0x15: {  	[spmem:s7] =	stream.linear.scatter [tilespmem:s13], [sflag:$0x3], $0x1880, $0x38;
	[tilespmem:$0x3D00] =	vst v63  }
0x16: {  	_ =	swait.ge [sflag:s14], $0x1880  }
0x17: {  	[sflag:s14] =	ssyncset.done $0x0  }
0x18: {  	[sflag:s14] =	ssyncadd.s32 $0xFFFFE780  }
0x19: {  	[tilespmem:s15], [sflag:$0x3] =	stream.linear.gather [hbm4b:s5+s3], $0x400, $0x38;
	[tilespmem:$0x3D00] =	vst v63  }
0x1a: {  	_ =	swait.ge [sflag:s14], $0x400  }
0x1b: {  	s22 =	simm.s32 $0x1;
	p0 =	sgt.s32 s11, $0x1;
	[sflag:s14] =	ssyncset.done $0x0  }
0x1c: {  	s23 =	smov.u32 s11;
	s24 =	simm.s32 $0x0;
	[sflag:s14] =	ssyncadd.s32 $0xFFFFFC00  }
0x1d: {  	s23 =	smov.u32 @p0 s22;
	s24 =	sand.u32 $0x400, s24;
	[bflag:$0x0] =	sbarrier.arrive $0xFFFF  }
0x1e: {  	[tilespmem:s16], [sflag:$0x3] =	stream.linear.gather [hbm4b:s10+s3], $0x400, $0x38;
	[tilespmem:$0x3D00] =	vst v63  }
0x1f: {  	p0 =	sne.s32 s9, $0x1;
	s23 =	sadd.s32 s8, s23;
	_ =	swait.ge [sflag:s14], $0x400  }
0x20: {  	s25 =	sor.u32 $0x3100, s24;
	s23 =	sshll.u32 s23, $0x7;
	[sflag:s14] =	ssyncset.done $0x0  }
.Ltmp0:
0x21: {  	s23 =	sand.u32 $0x1FFFFF80, s23;
	[sflag:s14] =	ssyncadd.s32 $0xFFFFFC00;
	(pc) =	sbr.rel @!p0 .LBB2_3-.Ltmp0, $4  }
0x22: {  	[spmem:s1] =	stream.indirect.scatter.add.f32 [tilespmem:s15], [sflag:$0x1], $0x1, s25, s17, $0xb8;
	[tilespmem:$0x3D00] =	vst v63  }
0x23: {  	s24 =	sxor.u32 $0x3500, s24;
	s23 =	sadd.s32 s4, s23  }
0x24: {  	[tilespmem:s24], [sflag:$0x2] =	stream.linear.gather [hbm4b:s23+s3], $0x400, $0x38;
	[tilespmem:$0x3D00] =	vst v63  }
0x25: {  	_ =	swait.ge [sflag:s18], $0x400  }
.LBB2_2:
0x26: {  	[sflag:s18] =	ssyncset.done $0x0  }
0x27: {  	s23 =	smov.u32 s22;
	s22 =	sadd.s32 $0x1, s22;
	s24 =	smov.u32 s11  }
0x28: {  	p1 =	slt.s32 s22, s11;
	p0 =	sne.s32 s9, s22;
	[sflag:s18] =	ssyncadd.s32 $0xFFFFFC00  }
0x29: {  	s23 =	sshll.u32 s23, $0xA;
	s24 =	smov.u32 @p1 s22;
	_ =	swait.ge [sflag:s19], $0x400  }
0x2a: {  	s23 =	sand.u32 $0x400, s23;
	s24 =	sadd.s32 s8, s24;
	[sflag:s19] =	ssyncset.done $0x0  }
0x2b: {  	s25 =	sor.u32 $0x3100, s23;
	s24 =	sshll.u32 s24, $0x7;
	[sflag:s19] =	ssyncadd.s32 $0xFFFFFC00  }
.Ltmp1:
0x2c: {  	s24 =	sand.u32 $0x1FFFFF80, s24;
	(pc) =	sbr.rel @p0 .LBB2_2-.Ltmp1, $4  }
0x2d: {  	[spmem:s1] =	stream.indirect.scatter.add.f32 [tilespmem:s15], [sflag:$0x1], $0x1, s25, s17, $0xb8;
	[tilespmem:$0x3D00] =	vst v63  }
0x2e: {  	s23 =	sxor.u32 $0x3500, s23;
	s24 =	sadd.s32 s4, s24  }
0x2f: {  	[tilespmem:s23], [sflag:$0x2] =	stream.linear.gather [hbm4b:s24+s3], $0x400, $0x38;
	[tilespmem:$0x3D00] =	vst v63  }
0x30: {  	_ =	swait.ge [sflag:s18], $0x400  }
.LBB2_3:
0x31: {  	[sflag:s18] =	ssyncset.done $0x0  }
0x32: {  	[sflag:s18] =	ssyncadd.s32 $0xFFFFFC00  }
0x33: {  	_ =	swait.ge [sflag:s19], $0x400  }
0x34: {  	[sflag:s19] =	ssyncset.done $0x0  }
0x35: {  	[sflag:s19] =	ssyncadd.s32 $0xFFFFFC00  }
0x36: {  	[bflag:$0x0] =	sbarrier.arrive $0xFFFF  }
0x37: {  	[tilespmem:s13], [sflag:$0x3] =	stream.linear.gather [spmem:s7], $0x1880, $0x38;
	[tilespmem:$0x3D00] =	vst v63  }
0x38: {  	s21 =	sadd.s32 $0x1, s21;
	_ =	swait.ge [sflag:s14], $0x1880  }
0x39: {  	p0 =	sne.s32 s21, s12;
	[sflag:s14] =	ssyncset.done $0x0  }
.Ltmp2:
0x3a: {  	[sflag:s14] =	ssyncadd.s32 $0xFFFFE780;
	(pc) =	sbr.rel @p0 .LBB2_1-.Ltmp2, $4  }
0x3b: {  	[hbm4b:s20+s3] =	stream.linear.scatter [tilespmem:s13], [sflag:$0x3], $0x1880, $0x38;
	[tilespmem:$0x3D00] =	vst v63  }
0x3c: {  	_ =	swait.ge [sflag:s14], $0x1880  }
0x3d: {  	[sflag:s14] =	ssyncset.done $0x0  }
0x3e: {  	[sflag:s14] =	ssyncadd.s32 $0xFFFFE780  }
0x3f: {  	_ =	sfence.sel $0x180000  }
0x40: {  	[bflag:$0x0] =	sbarrier.arrive $0xFFFF  }
0x41: {  	p0 =	sne.s32 s2, $0x0;
	_ =	strace $0x90000047  }
0x42: {  	s0 =	sadd.s32 @!p0 $0x100000, s0;
	[bflag:$0x2] =	sbarrier.arrive $0xFFFF  }
0x43: {  	[sflag:s0] =	ssyncadd.tile.s32 @!p0 $0x1;
	_ =	shalt  }
.Lfunc_end2:
_tile_overlayer_lowered:
.L_overlay_start_2:
0x44: {  	(tag) =	ssettag $0x2  }
0x45: {  	s0 =	rddreg [dreg:$0x0];
	s2 =	stileid.u32  }
0x46: {  	s1 =	rddreg [dreg:$0x1];
	p0 =	sne.s32 s2, $0x0  }
0x47: {  	s3 =	rddreg [dreg:$0x2];
	[bflag:$0x3] =	sbarrier.arrive $0xFFFF;
	s2 =	simm.s32 @!p0 $0x1C03  }
0x48: {  	[timem:s3], [sflag:s2] =	dma.local @!p0 [hbm:s0], s1  }
0x49: {  	s0 =	simm.s32 @!p0 $0x3  }
0x4a: {  	_ =	swait.ge @!p0 [sflag:s0], s1  }
0x4b: {  	s1 =	ssub.s32 @!p0 $0x0, s1;
	[sflag:s0] =	ssyncset.done @!p0 $0x0  }
0x4c: {  	[sflag:s0] =	ssyncadd.s32 @!p0 s1  }
0x4d: {  	[bflag:$0x3] =	sbarrier.arrive $0xFFFF  }
0x4e: {  	_ =	shalt  }

</sc_bundles>
